<compile_context>
chip_gen: v7x
topology: tpu7x:2x2x1
jax: 0.10.2.dev20260603
libtpu: 0.0.44.dev20260713+nightly
codegen_flags: <defaults>
</compile_context>

<pallas_src>
import jax
import jax.numpy as jnp
from jax import lax
from jax.experimental import pallas as pl
from jax.experimental.pallas import tpu as pltpu
from jax.experimental.pallas import tpu_sc as plsc

VOCAB = 32000
DIM = 4096
XROWS = 4
XCOLS = 2048
B = XROWS * XCOLS

NUM_CORES = 2
NUM_SUBCORES = 16
NW = NUM_CORES * NUM_SUBCORES
B_PER_W = B // NW
W_PER_XROW = XCOLS // B_PER_W
CHUNK = 8
NBUF = 3
NCHUNK = B_PER_W // CHUNK


def _emb_body(table_hbm, x_hbm, out_hbm, idx_v, rows, gsems, ssems):
    wid = lax.axis_index("s") * NUM_CORES + lax.axis_index("c")
    xr = wid // W_PER_XROW
    c0 = (wid % W_PER_XROW) * B_PER_W

    pltpu.sync_copy(x_hbm.at[xr, pl.ds(c0, B_PER_W)], idx_v)

    def gather(g, s):
        pltpu.async_copy(
            table_hbm.at[idx_v.at[pl.ds(g * CHUNK, CHUNK)]],
            rows[s], gsems[s])

    def put(g, s):
        pltpu.async_copy(
            rows[s], out_hbm.at[xr, pl.ds(c0 + g * CHUNK, CHUNK)], ssems[s])

    def wait_gather(s):
        pltpu.make_async_copy(
            table_hbm.at[idx_v.at[pl.ds(0, CHUNK)]], rows[s], gsems[s]).wait()

    def wait_put(s):
        pltpu.make_async_copy(
            rows[s], out_hbm.at[xr, pl.ds(c0, CHUNK)], ssems[s]).wait()

    for g in range(NBUF):
        gather(g, g % NBUF)

    for g in range(NCHUNK):
        s = g % NBUF
        wait_gather(s)
        put(g, s)
        gn = g + 2
        if NBUF <= gn < NCHUNK:
            sn = gn % NBUF
            wait_put(sn)
            gather(gn, sn)

    for g in range(NCHUNK - NBUF, NCHUNK):
        wait_put(g % NBUF)


@jax.jit
def _embedding_lookup(weight, x):
    mesh = plsc.VectorSubcoreMesh(
        core_axis_name="c", subcore_axis_name="s",
        num_cores=NUM_CORES, num_subcores=NUM_SUBCORES,
    )
    return pl.kernel(
        _emb_body,
        out_type=jax.ShapeDtypeStruct((XROWS, XCOLS, DIM), jnp.float32),
        mesh=mesh,
        scratch_types=[
            pltpu.VMEM((B_PER_W,), jnp.int32),
            [pltpu.VMEM((CHUNK, DIM), jnp.float32) for _ in range(NBUF)],
            [pltpu.SemaphoreType.DMA for _ in range(NBUF)],
            [pltpu.SemaphoreType.DMA for _ in range(NBUF)],
        ],
    )(weight, x)


def kernel(x, weight):
    return _embedding_lookup(weight, x.astype(jnp.int32))

# --- scband reference (transcript-rebuilt; emitter-appended) ---
"""Pipeline reference for scband-host-embedding-9466107920593 (READ-ONLY COPY).

The authoritative reference and input builder live on the scoring server;
editing this copy changes nothing except your own understanding.
"""

import jax, jax.numpy as jnp
import numpy as np

VOCAB = 32000
DIM = 4096

def setup_inputs(seed: int = 0) -> dict:
    key = jax.random.key(seed)
    k1, k2 = jax.random.split(key)
    x = jax.random.randint(k1, (4, 2048), 0, VOCAB, dtype=jnp.int64 if jax.config.jax_enable_x64 else jnp.int32)
    weight = jax.random.normal(k2, (VOCAB, DIM), dtype=jnp.float32)
    return {"x": x, "weight": weight}

def reference(x, weight):
    # Faithful translation of torch.nn.Embedding forward: row gather
    return jnp.take(weight, x, axis=0)

if __name__ == "__main__":
    import jax
    _d = setup_inputs()
    print(jax.jit(kernel)(*tuple(_d.values())))

</pallas_src>

<mosaic_0001>
#map = affine_map<(d0, d1) -> (0, 0)>
#map1 = affine_map<(d0, d1) -> (0, 0, 0)>
module attributes {stable_mosaic.version = 14 : i64} {
  func.func @_emb_body(%arg0: i32, %arg1: i32, %arg2: memref<32000x4096xf32, #tpu.memory_space<hbm>>, %arg3: memref<4x2048xi32, #tpu.memory_space<hbm>>, %arg4: memref<4x2048x4096xf32, #tpu.memory_space<hbm>>, %arg5: memref<256xi32, #tpu.memory_space<vmem>>, %arg6: memref<8x4096xf32, #tpu.memory_space<vmem>>, %arg7: memref<8x4096xf32, #tpu.memory_space<vmem>>, %arg8: memref<8x4096xf32, #tpu.memory_space<vmem>>, %arg9: memref<!tpu.dma_semaphore, #tpu.memory_space<semaphore_mem>>, %arg10: memref<!tpu.dma_semaphore, #tpu.memory_space<semaphore_mem>>, %arg11: memref<!tpu.dma_semaphore, #tpu.memory_space<semaphore_mem>>, %arg12: memref<!tpu.dma_semaphore, #tpu.memory_space<semaphore_mem>>, %arg13: memref<!tpu.dma_semaphore, #tpu.memory_space<semaphore_mem>>, %arg14: memref<!tpu.dma_semaphore, #tpu.memory_space<semaphore_mem>>) attributes {dimension_semantics = [#tpu.dimension_semantics<core_parallel>, #tpu.dimension_semantics<subcore_parallel>], iteration_bounds = array<i64: 2, 16>, scalar_prefetch = 0 : i64, scratch_operands = 10 : i64, tpu.core_type = #tpu.core_type<sc_vector_subcore>, window_params = [{transform_indices = #map}, {transform_indices = #map}, {transform_indices = #map1}]} {
    %mul3A = arith.constant 2 : i32
    %mul3A_0 = arith.muli %arg1, %mul3A : i32
    %add3A = arith.addi %mul3A_0, %arg0 : i32
    %jit3A = arith.constant 8 : i32
    %div3A = arith.divsi %add3A, %jit3A : i32
    %sign3A = arith.constant 0 : i32
    %sign3A_1 = arith.cmpi sgt, %add3A, %sign3A : i32
    %sign3A_2 = arith.extui %sign3A_1 : i1 to i32
    %sign3A_3 = arith.constant 0 : i32
    %sign3A_4 = arith.cmpi slt, %add3A, %sign3A_3 : i32
    %sign3A_5 = arith.extui %sign3A_4 : i1 to i32
    %sign3A_6 = arith.subi %sign3A_2, %sign3A_5 : i32
    %sign3A_7 = arith.constant 0 : i32
    %sign3A_8 = arith.cmpi sgt, %jit3A, %sign3A_7 : i32
    %sign3A_9 = arith.extui %sign3A_8 : i1 to i32
    %sign3A_10 = arith.constant 0 : i32
    %sign3A_11 = arith.cmpi slt, %jit3A, %sign3A_10 : i32
    %sign3A_12 = arith.extui %sign3A_11 : i1 to i32
    %sign3A_13 = arith.subi %sign3A_9, %sign3A_12 : i32
    %ne3A = arith.cmpi ne, %sign3A_6, %sign3A_13 : i32
    %rem3A = arith.remsi %add3A, %jit3A : i32
    %ne3A_14 = arith.constant 0 : i32
    %ne3A_15 = arith.cmpi ne, %rem3A, %ne3A_14 : i32
    %and3A = arith.andi %ne3A, %ne3A_15 : i1
    %sub3A = arith.constant 1 : i32
    %sub3A_16 = arith.subi %div3A, %sub3A : i32
    %select_n3A = arith.select %and3A, %sub3A_16, %div3A : i32
    %jit3A_17 = arith.constant 8 : i32
    %eq3A = arith.constant 0 : i32
    %eq3A_18 = arith.cmpi eq, %jit3A_17, %eq3A : i32
    %jit3A_19 = arith.constant 1 : i32
    %select_n3A_20 = arith.select %eq3A_18, %jit3A_19, %jit3A_17 : i32
    %rem3A_21 = arith.remsi %add3A, %select_n3A_20 : i32
    %ne3A_22 = arith.constant 0 : i32
    %ne3A_23 = arith.cmpi ne, %rem3A_21, %ne3A_22 : i32
    %lt3A = arith.constant 0 : i32
    %lt3A_24 = arith.cmpi slt, %rem3A_21, %lt3A : i32
    %lt3A_25 = arith.constant 0 : i32
    %lt3A_26 = arith.cmpi slt, %select_n3A_20, %lt3A_25 : i32
    %ne3A_27 = arith.xori %lt3A_24, %lt3A_26 : i1
    %and3A_28 = arith.andi %ne3A_27, %ne3A_23 : i1
    %add3A_29 = arith.addi %rem3A_21, %select_n3A_20 : i32
    %select_n3A_30 = arith.select %and3A_28, %add3A_29, %rem3A_21 : i32
    %mul3A_31 = arith.constant 256 : i32
    %mul3A_32 = arith.muli %select_n3A_30, %mul3A_31 : i32
    "tpu.region"() ({
      %run_scoped3A = tpu.sem_alloc : memref<!tpu.dma_semaphore, #tpu.memory_space<semaphore_mem>>
      %dma_start3A_799 = tpu.memref_slice %arg3[%select_n3A, %mul3A_32] : memref<4x2048xi32, #tpu.memory_space<hbm>> -> memref<1x256xi32, #tpu.memory_space<hbm>>
      %dma_start3A_800 = tpu.memref_squeeze %dma_start3A_799 : memref<1x256xi32, #tpu.memory_space<hbm>> -> memref<256xi32, #tpu.memory_space<hbm>>
      %dma_start3A_801 = tpu.memref_slice %arg3[%select_n3A, %mul3A_32] : memref<4x2048xi32, #tpu.memory_space<hbm>> -> memref<1x256xi32, #tpu.memory_space<hbm>>
      %dma_start3A_802 = tpu.memref_squeeze %dma_start3A_801 : memref<1x256xi32, #tpu.memory_space<hbm>> -> memref<256xi32, #tpu.memory_space<hbm>>
      tpu.enqueue_dma source(%dma_start3A_802 : memref<256xi32, #tpu.memory_space<hbm>>) target(%arg5 : memref<256xi32, #tpu.memory_space<vmem>>) target_semaphore(%run_scoped3A : memref<!tpu.dma_semaphore, #tpu.memory_space<semaphore_mem>>)
      %dma_wait3A_803 = tpu.memref_slice %arg3[%select_n3A, %mul3A_32] : memref<4x2048xi32, #tpu.memory_space<hbm>> -> memref<1x256xi32, #tpu.memory_space<hbm>>
      %dma_wait3A_804 = tpu.memref_squeeze %dma_wait3A_803 : memref<1x256xi32, #tpu.memory_space<hbm>> -> memref<256xi32, #tpu.memory_space<hbm>>
      %dma_wait3A_805 = tpu.memref_slice %arg3[%select_n3A, %mul3A_32] : memref<4x2048xi32, #tpu.memory_space<hbm>> -> memref<1x256xi32, #tpu.memory_space<hbm>>
      %dma_wait3A_806 = tpu.memref_squeeze %dma_wait3A_805 : memref<1x256xi32, #tpu.memory_space<hbm>> -> memref<256xi32, #tpu.memory_space<hbm>>
      tpu.wait_dma2 semaphore(%run_scoped3A : memref<!tpu.dma_semaphore, #tpu.memory_space<semaphore_mem>>) src(%dma_wait3A_806 : memref<256xi32, #tpu.memory_space<hbm>>) dst(%arg5 : memref<256xi32, #tpu.memory_space<vmem>>)
      tpu.yield
    }) : () -> ()
    %dma_start3A = arith.constant 0 : i32
    %dma_start3A_33 = tpu.memref_slice %arg5[%dma_start3A] : memref<256xi32, #tpu.memory_space<vmem>> -> memref<8xi32, #tpu.memory_space<vmem>>
    %dma_start3A_34 = arith.constant 0 : i32
    %dma_start3A_35 = arith.constant 0 : i32
    %dma_start3A_36 = tpu.memref_slice %arg2[%dma_start3A_34, %dma_start3A_35] : memref<32000x4096xf32, #tpu.memory_space<hbm>> -> memref<32000x4096xf32, #tpu.memory_space<hbm>>
    tpu.enqueue_indirect_dma source(%dma_start3A_36 : memref<32000x4096xf32, #tpu.memory_space<hbm>>) target(%arg6 : memref<8x4096xf32, #tpu.memory_space<vmem>>) offsets(%dma_start3A_33 : memref<8xi32, #tpu.memory_space<vmem>>) semaphore(%arg9 : memref<!tpu.dma_semaphore, #tpu.memory_space<semaphore_mem>>)
    %dma_start3A_37 = arith.constant 8 : i32
    %dma_start3A_38 = tpu.memref_slice %arg5[%dma_start3A_37] : memref<256xi32, #tpu.memory_space<vmem>> -> memref<8xi32, #tpu.memory_space<vmem>>
    %dma_start3A_39 = arith.constant 0 : i32
    %dma_start3A_40 = arith.constant 0 : i32
    %dma_start3A_41 = tpu.memref_slice %arg2[%dma_start3A_39, %dma_start3A_40] : memref<32000x4096xf32, #tpu.memory_space<hbm>> -> memref<32000x4096xf32, #tpu.memory_space<hbm>>
    tpu.enqueue_indirect_dma source(%dma_start3A_41 : memref<32000x4096xf32, #tpu.memory_space<hbm>>) target(%arg7 : memref<8x4096xf32, #tpu.memory_space<vmem>>) offsets(%dma_start3A_38 : memref<8xi32, #tpu.memory_space<vmem>>) semaphore(%arg10 : memref<!tpu.dma_semaphore, #tpu.memory_space<semaphore_mem>>)
    %dma_start3A_42 = arith.constant 16 : i32
    %dma_start3A_43 = tpu.memref_slice %arg5[%dma_start3A_42] : memref<256xi32, #tpu.memory_space<vmem>> -> memref<8xi32, #tpu.memory_space<vmem>>
    %dma_start3A_44 = arith.constant 0 : i32
    %dma_start3A_45 = arith.constant 0 : i32
    %dma_start3A_46 = tpu.memref_slice %arg2[%dma_start3A_44, %dma_start3A_45] : memref<32000x4096xf32, #tpu.memory_space<hbm>> -> memref<32000x4096xf32, #tpu.memory_space<hbm>>
    tpu.enqueue_indirect_dma source(%dma_start3A_46 : memref<32000x4096xf32, #tpu.memory_space<hbm>>) target(%arg8 : memref<8x4096xf32, #tpu.memory_space<vmem>>) offsets(%dma_start3A_43 : memref<8xi32, #tpu.memory_space<vmem>>) semaphore(%arg11 : memref<!tpu.dma_semaphore, #tpu.memory_space<semaphore_mem>>)
    %dma_wait3A = arith.constant 0 : i32
    %dma_wait3A_47 = tpu.memref_slice %arg5[%dma_wait3A] : memref<256xi32, #tpu.memory_space<vmem>> -> memref<8xi32, #tpu.memory_space<vmem>>
    %dma_wait3A_48 = arith.constant 0 : i32
    %dma_wait3A_49 = arith.constant 0 : i32
    %dma_wait3A_50 = tpu.memref_slice %arg2[%dma_wait3A_48, %dma_wait3A_49] : memref<32000x4096xf32, #tpu.memory_space<hbm>> -> memref<32000x4096xf32, #tpu.memory_space<hbm>>
    tpu.wait_indirect_dma semaphore(%arg9 : memref<!tpu.dma_semaphore, #tpu.memory_space<semaphore_mem>>) src(%dma_wait3A_50 : memref<32000x4096xf32, #tpu.memory_space<hbm>>) dst(%arg6 : memref<8x4096xf32, #tpu.memory_space<vmem>>)
    %add3A_51 = arith.constant 0 : i32
    %add3A_52 = arith.addi %mul3A_32, %add3A_51 : i32
    %dma_start3A_53 = arith.constant 0 : i32
    %dma_start3A_54 = tpu.memref_slice %arg4[%select_n3A, %add3A_52, %dma_start3A_53] : memref<4x2048x4096xf32, #tpu.memory_space<hbm>> -> memref<1x8x4096xf32, #tpu.memory_space<hbm>>
    %dma_start3A_55 = tpu.memref_squeeze %dma_start3A_54 : memref<1x8x4096xf32, #tpu.memory_space<hbm>> -> memref<8x4096xf32, #tpu.memory_space<hbm>>
    %dma_start3A_56 = arith.constant 0 : i32
    %dma_start3A_57 = tpu.memref_slice %arg4[%select_n3A, %add3A_52, %dma_start3A_56] : memref<4x2048x4096xf32, #tpu.memory_space<hbm>> -> memref<1x8x4096xf32, #tpu.memory_space<hbm>>
    %dma_start3A_58 = tpu.memref_squeeze %dma_start3A_57 : memref<1x8x4096xf32, #tpu.memory_space<hbm>> -> memref<8x4096xf32, #tpu.memory_space<hbm>>
    tpu.enqueue_dma source(%arg6 : memref<8x4096xf32, #tpu.memory_space<vmem>>) target(%dma_start3A_58 : memref<8x4096xf32, #tpu.memory_space<hbm>>) target_semaphore(%arg12 : memref<!tpu.dma_semaphore, #tpu.memory_space<semaphore_mem>>)
    %dma_wait3A_59 = arith.constant 0 : i32
    %dma_wait3A_60 = tpu.memref_slice %arg5[%dma_wait3A_59] : memref<256xi32, #tpu.memory_space<vmem>> -> memref<8xi32, #tpu.memory_space<vmem>>
    %dma_wait3A_61 = arith.constant 0 : i32
    %dma_wait3A_62 = arith.constant 0 : i32
    %dma_wait3A_63 = tpu.memref_slice %arg2[%dma_wait3A_61, %dma_wait3A_62] : memref<32000x4096xf32, #tpu.memory_space<hbm>> -> memref<32000x4096xf32, #tpu.memory_space<hbm>>
    tpu.wait_indirect_dma semaphore(%arg10 : memref<!tpu.dma_semaphore, #tpu.memory_space<semaphore_mem>>) src(%dma_wait3A_63 : memref<32000x4096xf32, #tpu.memory_space<hbm>>) dst(%arg7 : memref<8x4096xf32, #tpu.memory_space<vmem>>)
    %add3A_64 = arith.constant 8 : i32
    %add3A_65 = arith.addi %mul3A_32, %add3A_64 : i32
    %dma_start3A_66 = arith.constant 0 : i32
    %dma_start3A_67 = tpu.memref_slice %arg4[%select_n3A, %add3A_65, %dma_start3A_66] : memref<4x2048x4096xf32, #tpu.memory_space<hbm>> -> memref<1x8x4096xf32, #tpu.memory_space<hbm>>
    %dma_start3A_68 = tpu.memref_squeeze %dma_start3A_67 : memref<1x8x4096xf32, #tpu.memory_space<hbm>> -> memref<8x4096xf32, #tpu.memory_space<hbm>>
    %dma_start3A_69 = arith.constant 0 : i32
    %dma_start3A_70 = tpu.memref_slice %arg4[%select_n3A, %add3A_65, %dma_start3A_69] : memref<4x2048x4096xf32, #tpu.memory_space<hbm>> -> memref<1x8x4096xf32, #tpu.memory_space<hbm>>
    %dma_start3A_71 = tpu.memref_squeeze %dma_start3A_70 : memref<1x8x4096xf32, #tpu.memory_space<hbm>> -> memref<8x4096xf32, #tpu.memory_space<hbm>>
    tpu.enqueue_dma source(%arg7 : memref<8x4096xf32, #tpu.memory_space<vmem>>) target(%dma_start3A_71 : memref<8x4096xf32, #tpu.memory_space<hbm>>) target_semaphore(%arg13 : memref<!tpu.dma_semaphore, #tpu.memory_space<semaphore_mem>>)
    %dma_wait3A_72 = arith.constant 0 : i32
    %dma_wait3A_73 = tpu.memref_slice %arg4[%select_n3A, %mul3A_32, %dma_wait3A_72] : memref<4x2048x4096xf32, #tpu.memory_space<hbm>> -> memref<1x8x4096xf32, #tpu.memory_space<hbm>>
    %dma_wait3A_74 = tpu.memref_squeeze %dma_wait3A_73 : memref<1x8x4096xf32, #tpu.memory_space<hbm>> -> memref<8x4096xf32, #tpu.memory_space<hbm>>
    %dma_wait3A_75 = arith.constant 0 : i32
    %dma_wait3A_76 = tpu.memref_slice %arg4[%select_n3A, %mul3A_32, %dma_wait3A_75] : memref<4x2048x4096xf32, #tpu.memory_space<hbm>> -> memref<1x8x4096xf32, #tpu.memory_space<hbm>>
    %dma_wait3A_77 = tpu.memref_squeeze %dma_wait3A_76 : memref<1x8x4096xf32, #tpu.memory_space<hbm>> -> memref<8x4096xf32, #tpu.memory_space<hbm>>
    tpu.wait_dma2 semaphore(%arg12 : memref<!tpu.dma_semaphore, #tpu.memory_space<semaphore_mem>>) src(%arg6 : memref<8x4096xf32, #tpu.memory_space<vmem>>) dst(%dma_wait3A_77 : memref<8x4096xf32, #tpu.memory_space<hbm>>)
    %dma_start3A_78 = arith.constant 24 : i32
    %dma_start3A_79 = tpu.memref_slice %arg5[%dma_start3A_78] : memref<256xi32, #tpu.memory_space<vmem>> -> memref<8xi32, #tpu.memory_space<vmem>>
    %dma_start3A_80 = arith.constant 0 : i32
    %dma_start3A_81 = arith.constant 0 : i32
    %dma_start3A_82 = tpu.memref_slice %arg2[%dma_start3A_80, %dma_start3A_81] : memref<32000x4096xf32, #tpu.memory_space<hbm>> -> memref<32000x4096xf32, #tpu.memory_space<hbm>>
    tpu.enqueue_indirect_dma source(%dma_start3A_82 : memref<32000x4096xf32, #tpu.memory_space<hbm>>) target(%arg6 : memref<8x4096xf32, #tpu.memory_space<vmem>>) offsets(%dma_start3A_79 : memref<8xi32, #tpu.memory_space<vmem>>) semaphore(%arg9 : memref<!tpu.dma_semaphore, #tpu.memory_space<semaphore_mem>>)
    %dma_wait3A_83 = arith.constant 0 : i32
    %dma_wait3A_84 = tpu.memref_slice %arg5[%dma_wait3A_83] : memref<256xi32, #tpu.memory_space<vmem>> -> memref<8xi32, #tpu.memory_space<vmem>>
    %dma_wait3A_85 = arith.constant 0 : i32
    %dma_wait3A_86 = arith.constant 0 : i32
    %dma_wait3A_87 = tpu.memref_slice %arg2[%dma_wait3A_85, %dma_wait3A_86] : memref<32000x4096xf32, #tpu.memory_space<hbm>> -> memref<32000x4096xf32, #tpu.memory_space<hbm>>
    tpu.wait_indirect_dma semaphore(%arg11 : memref<!tpu.dma_semaphore, #tpu.memory_space<semaphore_mem>>) src(%dma_wait3A_87 : memref<32000x4096xf32, #tpu.memory_space<hbm>>) dst(%arg8 : memref<8x4096xf32, #tpu.memory_space<vmem>>)
    %add3A_88 = arith.constant 16 : i32
    %add3A_89 = arith.addi %mul3A_32, %add3A_88 : i32
    %dma_start3A_90 = arith.constant 0 : i32
    %dma_start3A_91 = tpu.memref_slice %arg4[%select_n3A, %add3A_89, %dma_start3A_90] : memref<4x2048x4096xf32, #tpu.memory_space<hbm>> -> memref<1x8x4096xf32, #tpu.memory_space<hbm>>
    %dma_start3A_92 = tpu.memref_squeeze %dma_start3A_91 : memref<1x8x4096xf32, #tpu.memory_space<hbm>> -> memref<8x4096xf32, #tpu.memory_space<hbm>>
    %dma_start3A_93 = arith.constant 0 : i32
    %dma_start3A_94 = tpu.memref_slice %arg4[%select_n3A, %add3A_89, %dma_start3A_93] : memref<4x2048x4096xf32, #tpu.memory_space<hbm>> -> memref<1x8x4096xf32, #tpu.memory_space<hbm>>
    %dma_start3A_95 = tpu.memref_squeeze %dma_start3A_94 : memref<1x8x4096xf32, #tpu.memory_space<hbm>> -> memref<8x4096xf32, #tpu.memory_space<hbm>>
    tpu.enqueue_dma source(%arg8 : memref<8x4096xf32, #tpu.memory_space<vmem>>) target(%dma_start3A_95 : memref<8x4096xf32, #tpu.memory_space<hbm>>) target_semaphore(%arg14 : memref<!tpu.dma_semaphore, #tpu.memory_space<semaphore_mem>>)
    %dma_wait3A_96 = arith.constant 0 : i32
    %dma_wait3A_97 = tpu.memref_slice %arg4[%select_n3A, %mul3A_32, %dma_wait3A_96] : memref<4x2048x4096xf32, #tpu.memory_space<hbm>> -> memref<1x8x4096xf32, #tpu.memory_space<hbm>>
    %dma_wait3A_98 = tpu.memref_squeeze %dma_wait3A_97 : memref<1x8x4096xf32, #tpu.memory_space<hbm>> -> memref<8x4096xf32, #tpu.memory_space<hbm>>
    %dma_wait3A_99 = arith.constant 0 : i32
    %dma_wait3A_100 = tpu.memref_slice %arg4[%select_n3A, %mul3A_32, %dma_wait3A_99] : memref<4x2048x4096xf32, #tpu.memory_space<hbm>> -> memref<1x8x4096xf32, #tpu.memory_space<hbm>>
    %dma_wait3A_101 = tpu.memref_squeeze %dma_wait3A_100 : memref<1x8x4096xf32, #tpu.memory_space<hbm>> -> memref<8x4096xf32, #tpu.memory_space<hbm>>
    tpu.wait_dma2 semaphore(%arg13 : memref<!tpu.dma_semaphore, #tpu.memory_space<semaphore_mem>>) src(%arg7 : memref<8x4096xf32, #tpu.memory_space<vmem>>) dst(%dma_wait3A_101 : memref<8x4096xf32, #tpu.memory_space<hbm>>)
    %dma_start3A_102 = arith.constant 32 : i32
    %dma_start3A_103 = tpu.memref_slice %arg5[%dma_start3A_102] : memref<256xi32, #tpu.memory_space<vmem>> -> memref<8xi32, #tpu.memory_space<vmem>>
    %dma_start3A_104 = arith.constant 0 : i32
    %dma_start3A_105 = arith.constant 0 : i32
    %dma_start3A_106 = tpu.memref_slice %arg2[%dma_start3A_104, %dma_start3A_105] : memref<32000x4096xf32, #tpu.memory_space<hbm>> -> memref<32000x4096xf32, #tpu.memory_space<hbm>>
    tpu.enqueue_indirect_dma source(%dma_start3A_106 : memref<32000x4096xf32, #tpu.memory_space<hbm>>) target(%arg7 : memref<8x4096xf32, #tpu.memory_space<vmem>>) offsets(%dma_start3A_103 : memref<8xi32, #tpu.memory_space<vmem>>) semaphore(%arg10 : memref<!tpu.dma_semaphore, #tpu.memory_space<semaphore_mem>>)
    %dma_wait3A_107 = arith.constant 0 : i32
    %dma_wait3A_108 = tpu.memref_slice %arg5[%dma_wait3A_107] : memref<256xi32, #tpu.memory_space<vmem>> -> memref<8xi32, #tpu.memory_space<vmem>>
    %dma_wait3A_109 = arith.constant 0 : i32
    %dma_wait3A_110 = arith.constant 0 : i32
    %dma_wait3A_111 = tpu.memref_slice %arg2[%dma_wait3A_109, %dma_wait3A_110] : memref<32000x4096xf32, #tpu.memory_space<hbm>> -> memref<32000x4096xf32, #tpu.memory_space<hbm>>
    tpu.wait_indirect_dma semaphore(%arg9 : memref<!tpu.dma_semaphore, #tpu.memory_space<semaphore_mem>>) src(%dma_wait3A_111 : memref<32000x4096xf32, #tpu.memory_space<hbm>>) dst(%arg6 : memref<8x4096xf32, #tpu.memory_space<vmem>>)
    %add3A_112 = arith.constant 24 : i32
    %add3A_113 = arith.addi %mul3A_32, %add3A_112 : i32
    %dma_start3A_114 = arith.constant 0 : i32
    %dma_start3A_115 = tpu.memref_slice %arg4[%select_n3A, %add3A_113, %dma_start3A_114] : memref<4x2048x4096xf32, #tpu.memory_space<hbm>> -> memref<1x8x4096xf32, #tpu.memory_space<hbm>>
    %dma_start3A_116 = tpu.memref_squeeze %dma_start3A_115 : memref<1x8x4096xf32, #tpu.memory_space<hbm>> -> memref<8x4096xf32, #tpu.memory_space<hbm>>
    %dma_start3A_117 = arith.constant 0 : i32
    %dma_start3A_118 = tpu.memref_slice %arg4[%select_n3A, %add3A_113, %dma_start3A_117] : memref<4x2048x4096xf32, #tpu.memory_space<hbm>> -> memref<1x8x4096xf32, #tpu.memory_space<hbm>>
    %dma_start3A_119 = tpu.memref_squeeze %dma_start3A_118 : memref<1x8x4096xf32, #tpu.memory_space<hbm>> -> memref<8x4096xf32, #tpu.memory_space<hbm>>
    tpu.enqueue_dma source(%arg6 : memref<8x4096xf32, #tpu.memory_space<vmem>>) target(%dma_start3A_119 : memref<8x4096xf32, #tpu.memory_space<hbm>>) target_semaphore(%arg12 : memref<!tpu.dma_semaphore, #tpu.memory_space<semaphore_mem>>)
    %dma_wait3A_120 = arith.constant 0 : i32
    %dma_wait3A_121 = tpu.memref_slice %arg4[%select_n3A, %mul3A_32, %dma_wait3A_120] : memref<4x2048x4096xf32, #tpu.memory_space<hbm>> -> memref<1x8x4096xf32, #tpu.memory_space<hbm>>
    %dma_wait3A_122 = tpu.memref_squeeze %dma_wait3A_121 : memref<1x8x4096xf32, #tpu.memory_space<hbm>> -> memref<8x4096xf32, #tpu.memory_space<hbm>>
    %dma_wait3A_123 = arith.constant 0 : i32
    %dma_wait3A_124 = tpu.memref_slice %arg4[%select_n3A, %mul3A_32, %dma_wait3A_123] : memref<4x2048x4096xf32, #tpu.memory_space<hbm>> -> memref<1x8x4096xf32, #tpu.memory_space<hbm>>
    %dma_wait3A_125 = tpu.memref_squeeze %dma_wait3A_124 : memref<1x8x4096xf32, #tpu.memory_space<hbm>> -> memref<8x4096xf32, #tpu.memory_space<hbm>>
    tpu.wait_dma2 semaphore(%arg14 : memref<!tpu.dma_semaphore, #tpu.memory_space<semaphore_mem>>) src(%arg8 : memref<8x4096xf32, #tpu.memory_space<vmem>>) dst(%dma_wait3A_125 : memref<8x4096xf32, #tpu.memory_space<hbm>>)
    %dma_start3A_126 = arith.constant 40 : i32
    %dma_start3A_127 = tpu.memref_slice %arg5[%dma_start3A_126] : memref<256xi32, #tpu.memory_space<vmem>> -> memref<8xi32, #tpu.memory_space<vmem>>
    %dma_start3A_128 = arith.constant 0 : i32
    %dma_start3A_129 = arith.constant 0 : i32
    %dma_start3A_130 = tpu.memref_slice %arg2[%dma_start3A_128, %dma_start3A_129] : memref<32000x4096xf32, #tpu.memory_space<hbm>> -> memref<32000x4096xf32, #tpu.memory_space<hbm>>
    tpu.enqueue_indirect_dma source(%dma_start3A_130 : memref<32000x4096xf32, #tpu.memory_space<hbm>>) target(%arg8 : memref<8x4096xf32, #tpu.memory_space<vmem>>) offsets(%dma_start3A_127 : memref<8xi32, #tpu.memory_space<vmem>>) semaphore(%arg11 : memref<!tpu.dma_semaphore, #tpu.memory_space<semaphore_mem>>)
    %dma_wait3A_131 = arith.constant 0 : i32
    %dma_wait3A_132 = tpu.memref_slice %arg5[%dma_wait3A_131] : memref<256xi32, #tpu.memory_space<vmem>> -> memref<8xi32, #tpu.memory_space<vmem>>
    %dma_wait3A_133 = arith.constant 0 : i32
    %dma_wait3A_134 = arith.constant 0 : i32
    %dma_wait3A_135 = tpu.memref_slice %arg2[%dma_wait3A_133, %dma_wait3A_134] : memref<32000x4096xf32, #tpu.memory_space<hbm>> -> memref<32000x4096xf32, #tpu.memory_space<hbm>>
    tpu.wait_indirect_dma semaphore(%arg10 : memref<!tpu.dma_semaphore, #tpu.memory_space<semaphore_mem>>) src(%dma_wait3A_135 : memref<32000x4096xf32, #tpu.memory_space<hbm>>) dst(%arg7 : memref<8x4096xf32, #tpu.memory_space<vmem>>)
    %add3A_136 = arith.constant 32 : i32
    %add3A_137 = arith.addi %mul3A_32, %add3A_136 : i32
    %dma_start3A_138 = arith.constant 0 : i32
    %dma_start3A_139 = tpu.memref_slice %arg4[%select_n3A, %add3A_137, %dma_start3A_138] : memref<4x2048x4096xf32, #tpu.memory_space<hbm>> -> memref<1x8x4096xf32, #tpu.memory_space<hbm>>
    %dma_start3A_140 = tpu.memref_squeeze %dma_start3A_139 : memref<1x8x4096xf32, #tpu.memory_space<hbm>> -> memref<8x4096xf32, #tpu.memory_space<hbm>>
    %dma_start3A_141 = arith.constant 0 : i32
    %dma_start3A_142 = tpu.memref_slice %arg4[%select_n3A, %add3A_137, %dma_start3A_141] : memref<4x2048x4096xf32, #tpu.memory_space<hbm>> -> memref<1x8x4096xf32, #tpu.memory_space<hbm>>
    %dma_start3A_143 = tpu.memref_squeeze %dma_start3A_142 : memref<1x8x4096xf32, #tpu.memory_space<hbm>> -> memref<8x4096xf32, #tpu.memory_space<hbm>>
    tpu.enqueue_dma source(%arg7 : memref<8x4096xf32, #tpu.memory_space<vmem>>) target(%dma_start3A_143 : memref<8x4096xf32, #tpu.memory_space<hbm>>) target_semaphore(%arg13 : memref<!tpu.dma_semaphore, #tpu.memory_space<semaphore_mem>>)
    %dma_wait3A_144 = arith.constant 0 : i32
    %dma_wait3A_145 = tpu.memref_slice %arg4[%select_n3A, %mul3A_32, %dma_wait3A_144] : memref<4x2048x4096xf32, #tpu.memory_space<hbm>> -> memref<1x8x4096xf32, #tpu.memory_space<hbm>>
    %dma_wait3A_146 = tpu.memref_squeeze %dma_wait3A_145 : memref<1x8x4096xf32, #tpu.memory_space<hbm>> -> memref<8x4096xf32, #tpu.memory_space<hbm>>
    %dma_wait3A_147 = arith.constant 0 : i32
    %dma_wait3A_148 = tpu.memref_slice %arg4[%select_n3A, %mul3A_32, %dma_wait3A_147] : memref<4x2048x4096xf32, #tpu.memory_space<hbm>> -> memref<1x8x4096xf32, #tpu.memory_space<hbm>>
    %dma_wait3A_149 = tpu.memref_squeeze %dma_wait3A_148 : memref<1x8x4096xf32, #tpu.memory_space<hbm>> -> memref<8x4096xf32, #tpu.memory_space<hbm>>
    tpu.wait_dma2 semaphore(%arg12 : memref<!tpu.dma_semaphore, #tpu.memory_space<semaphore_mem>>) src(%arg6 : memref<8x4096xf32, #tpu.memory_space<vmem>>) dst(%dma_wait3A_149 : memref<8x4096xf32, #tpu.memory_space<hbm>>)
    %dma_start3A_150 = arith.constant 48 : i32
    %dma_start3A_151 = tpu.memref_slice %arg5[%dma_start3A_150] : memref<256xi32, #tpu.memory_space<vmem>> -> memref<8xi32, #tpu.memory_space<vmem>>
    %dma_start3A_152 = arith.constant 0 : i32
    %dma_start3A_153 = arith.constant 0 : i32
    %dma_start3A_154 = tpu.memref_slice %arg2[%dma_start3A_152, %dma_start3A_153] : memref<32000x4096xf32, #tpu.memory_space<hbm>> -> memref<32000x4096xf32, #tpu.memory_space<hbm>>
    tpu.enqueue_indirect_dma source(%dma_start3A_154 : memref<32000x4096xf32, #tpu.memory_space<hbm>>) target(%arg6 : memref<8x4096xf32, #tpu.memory_space<vmem>>) offsets(%dma_start3A_151 : memref<8xi32, #tpu.memory_space<vmem>>) semaphore(%arg9 : memref<!tpu.dma_semaphore, #tpu.memory_space<semaphore_mem>>)
    %dma_wait3A_155 = arith.constant 0 : i32
    %dma_wait3A_156 = tpu.memref_slice %arg5[%dma_wait3A_155] : memref<256xi32, #tpu.memory_space<vmem>> -> memref<8xi32, #tpu.memory_space<vmem>>
    %dma_wait3A_157 = arith.constant 0 : i32
    %dma_wait3A_158 = arith.constant 0 : i32
    %dma_wait3A_159 = tpu.memref_slice %arg2[%dma_wait3A_157, %dma_wait3A_158] : memref<32000x4096xf32, #tpu.memory_space<hbm>> -> memref<32000x4096xf32, #tpu.memory_space<hbm>>
    tpu.wait_indirect_dma semaphore(%arg11 : memref<!tpu.dma_semaphore, #tpu.memory_space<semaphore_mem>>) src(%dma_wait3A_159 : memref<32000x4096xf32, #tpu.memory_space<hbm>>) dst(%arg8 : memref<8x4096xf32, #tpu.memory_space<vmem>>)
    %add3A_160 = arith.constant 40 : i32
    %add3A_161 = arith.addi %mul3A_32, %add3A_160 : i32
    %dma_start3A_162 = arith.constant 0 : i32
    %dma_start3A_163 = tpu.memref_slice %arg4[%select_n3A, %add3A_161, %dma_start3A_162] : memref<4x2048x4096xf32, #tpu.memory_space<hbm>> -> memref<1x8x4096xf32, #tpu.memory_space<hbm>>
    %dma_start3A_164 = tpu.memref_squeeze %dma_start3A_163 : memref<1x8x4096xf32, #tpu.memory_space<hbm>> -> memref<8x4096xf32, #tpu.memory_space<hbm>>
    %dma_start3A_165 = arith.constant 0 : i32
    %dma_start3A_166 = tpu.memref_slice %arg4[%select_n3A, %add3A_161, %dma_start3A_165] : memref<4x2048x4096xf32, #tpu.memory_space<hbm>> -> memref<1x8x4096xf32, #tpu.memory_space<hbm>>
    %dma_start3A_167 = tpu.memref_squeeze %dma_start3A_166 : memref<1x8x4096xf32, #tpu.memory_space<hbm>> -> memref<8x4096xf32, #tpu.memory_space<hbm>>
    tpu.enqueue_dma source(%arg8 : memref<8x4096xf32, #tpu.memory_space<vmem>>) target(%dma_start3A_167 : memref<8x4096xf32, #tpu.memory_space<hbm>>) target_semaphore(%arg14 : memref<!tpu.dma_semaphore, #tpu.memory_space<semaphore_mem>>)
    %dma_wait3A_168 = arith.constant 0 : i32
    %dma_wait3A_169 = tpu.memref_slice %arg4[%select_n3A, %mul3A_32, %dma_wait3A_168] : memref<4x2048x4096xf32, #tpu.memory_space<hbm>> -> memref<1x8x4096xf32, #tpu.memory_space<hbm>>
    %dma_wait3A_170 = tpu.memref_squeeze %dma_wait3A_169 : memref<1x8x4096xf32, #tpu.memory_space<hbm>> -> memref<8x4096xf32, #tpu.memory_space<hbm>>
    %dma_wait3A_171 = arith.constant 0 : i32
    %dma_wait3A_172 = tpu.memref_slice %arg4[%select_n3A, %mul3A_32, %dma_wait3A_171] : memref<4x2048x4096xf32, #tpu.memory_space<hbm>> -> memref<1x8x4096xf32, #tpu.memory_space<hbm>>
    %dma_wait3A_173 = tpu.memref_squeeze %dma_wait3A_172 : memref<1x8x4096xf32, #tpu.memory_space<hbm>> -> memref<8x4096xf32, #tpu.memory_space<hbm>>
    tpu.wait_dma2 semaphore(%arg13 : memref<!tpu.dma_semaphore, #tpu.memory_space<semaphore_mem>>) src(%arg7 : memref<8x4096xf32, #tpu.memory_space<vmem>>) dst(%dma_wait3A_173 : memref<8x4096xf32, #tpu.memory_space<hbm>>)
    %dma_start3A_174 = arith.constant 56 : i32
    %dma_start3A_175 = tpu.memref_slice %arg5[%dma_start3A_174] : memref<256xi32, #tpu.memory_space<vmem>> -> memref<8xi32, #tpu.memory_space<vmem>>
    %dma_start3A_176 = arith.constant 0 : i32
    %dma_start3A_177 = arith.constant 0 : i32
    %dma_start3A_178 = tpu.memref_slice %arg2[%dma_start3A_176, %dma_start3A_177] : memref<32000x4096xf32, #tpu.memory_space<hbm>> -> memref<32000x4096xf32, #tpu.memory_space<hbm>>
    tpu.enqueue_indirect_dma source(%dma_start3A_178 : memref<32000x4096xf32, #tpu.memory_space<hbm>>) target(%arg7 : memref<8x4096xf32, #tpu.memory_space<vmem>>) offsets(%dma_start3A_175 : memref<8xi32, #tpu.memory_space<vmem>>) semaphore(%arg10 : memref<!tpu.dma_semaphore, #tpu.memory_space<semaphore_mem>>)
    %dma_wait3A_179 = arith.constant 0 : i32
    %dma_wait3A_180 = tpu.memref_slice %arg5[%dma_wait3A_179] : memref<256xi32, #tpu.memory_space<vmem>> -> memref<8xi32, #tpu.memory_space<vmem>>
    %dma_wait3A_181 = arith.constant 0 : i32
    %dma_wait3A_182 = arith.constant 0 : i32
    %dma_wait3A_183 = tpu.memref_slice %arg2[%dma_wait3A_181, %dma_wait3A_182] : memref<32000x4096xf32, #tpu.memory_space<hbm>> -> memref<32000x4096xf32, #tpu.memory_space<hbm>>
    tpu.wait_indirect_dma semaphore(%arg9 : memref<!tpu.dma_semaphore, #tpu.memory_space<semaphore_mem>>) src(%dma_wait3A_183 : memref<32000x4096xf32, #tpu.memory_space<hbm>>) dst(%arg6 : memref<8x4096xf32, #tpu.memory_space<vmem>>)
    %add3A_184 = arith.constant 48 : i32
    %add3A_185 = arith.addi %mul3A_32, %add3A_184 : i32
    %dma_start3A_186 = arith.constant 0 : i32
    %dma_start3A_187 = tpu.memref_slice %arg4[%select_n3A, %add3A_185, %dma_start3A_186] : memref<4x2048x4096xf32, #tpu.memory_space<hbm>> -> memref<1x8x4096xf32, #tpu.memory_space<hbm>>
    %dma_start3A_188 = tpu.memref_squeeze %dma_start3A_187 : memref<1x8x4096xf32, #tpu.memory_space<hbm>> -> memref<8x4096xf32, #tpu.memory_space<hbm>>
    %dma_start3A_189 = arith.constant 0 : i32
    %dma_start3A_190 = tpu.memref_slice %arg4[%select_n3A, %add3A_185, %dma_start3A_189] : memref<4x2048x4096xf32, #tpu.memory_space<hbm>> -> memref<1x8x4096xf32, #tpu.memory_space<hbm>>
    %dma_start3A_191 = tpu.memref_squeeze %dma_start3A_190 : memref<1x8x4096xf32, #tpu.memory_space<hbm>> -> memref<8x4096xf32, #tpu.memory_space<hbm>>
    tpu.enqueue_dma source(%arg6 : memref<8x4096xf32, #tpu.memory_space<vmem>>) target(%dma_start3A_191 : memref<8x4096xf32, #tpu.memory_space<hbm>>) target_semaphore(%arg12 : memref<!tpu.dma_semaphore, #tpu.memory_space<semaphore_mem>>)
    %dma_wait3A_192 = arith.constant 0 : i32
    %dma_wait3A_193 = tpu.memref_slice %arg4[%select_n3A, %mul3A_32, %dma_wait3A_192] : memref<4x2048x4096xf32, #tpu.memory_space<hbm>> -> memref<1x8x4096xf32, #tpu.memory_space<hbm>>
    %dma_wait3A_194 = tpu.memref_squeeze %dma_wait3A_193 : memref<1x8x4096xf32, #tpu.memory_space<hbm>> -> memref<8x4096xf32, #tpu.memory_space<hbm>>
    %dma_wait3A_195 = arith.constant 0 : i32
    %dma_wait3A_196 = tpu.memref_slice %arg4[%select_n3A, %mul3A_32, %dma_wait3A_195] : memref<4x2048x4096xf32, #tpu.memory_space<hbm>> -> memref<1x8x4096xf32, #tpu.memory_space<hbm>>
    %dma_wait3A_197 = tpu.memref_squeeze %dma_wait3A_196 : memref<1x8x4096xf32, #tpu.memory_space<hbm>> -> memref<8x4096xf32, #tpu.memory_space<hbm>>
    tpu.wait_dma2 semaphore(%arg14 : memref<!tpu.dma_semaphore, #tpu.memory_space<semaphore_mem>>) src(%arg8 : memref<8x4096xf32, #tpu.memory_space<vmem>>) dst(%dma_wait3A_197 : memref<8x4096xf32, #tpu.memory_space<hbm>>)
    %dma_start3A_198 = arith.constant 64 : i32
    %dma_start3A_199 = tpu.memref_slice %arg5[%dma_start3A_198] : memref<256xi32, #tpu.memory_space<vmem>> -> memref<8xi32, #tpu.memory_space<vmem>>
    %dma_start3A_200 = arith.constant 0 : i32
    %dma_start3A_201 = arith.constant 0 : i32
    %dma_start3A_202 = tpu.memref_slice %arg2[%dma_start3A_200, %dma_start3A_201] : memref<32000x4096xf32, #tpu.memory_space<hbm>> -> memref<32000x4096xf32, #tpu.memory_space<hbm>>
    tpu.enqueue_indirect_dma source(%dma_start3A_202 : memref<32000x4096xf32, #tpu.memory_space<hbm>>) target(%arg8 : memref<8x4096xf32, #tpu.memory_space<vmem>>) offsets(%dma_start3A_199 : memref<8xi32, #tpu.memory_space<vmem>>) semaphore(%arg11 : memref<!tpu.dma_semaphore, #tpu.memory_space<semaphore_mem>>)
    %dma_wait3A_203 = arith.constant 0 : i32
    %dma_wait3A_204 = tpu.memref_slice %arg5[%dma_wait3A_203] : memref<256xi32, #tpu.memory_space<vmem>> -> memref<8xi32, #tpu.memory_space<vmem>>
    %dma_wait3A_205 = arith.constant 0 : i32
    %dma_wait3A_206 = arith.constant 0 : i32
    %dma_wait3A_207 = tpu.memref_slice %arg2[%dma_wait3A_205, %dma_wait3A_206] : memref<32000x4096xf32, #tpu.memory_space<hbm>> -> memref<32000x4096xf32, #tpu.memory_space<hbm>>
    tpu.wait_indirect_dma semaphore(%arg10 : memref<!tpu.dma_semaphore, #tpu.memory_space<semaphore_mem>>) src(%dma_wait3A_207 : memref<32000x4096xf32, #tpu.memory_space<hbm>>) dst(%arg7 : memref<8x4096xf32, #tpu.memory_space<vmem>>)
    %add3A_208 = arith.constant 56 : i32
    %add3A_209 = arith.addi %mul3A_32, %add3A_208 : i32
    %dma_start3A_210 = arith.constant 0 : i32
    %dma_start3A_211 = tpu.memref_slice %arg4[%select_n3A, %add3A_209, %dma_start3A_210] : memref<4x2048x4096xf32, #tpu.memory_space<hbm>> -> memref<1x8x4096xf32, #tpu.memory_space<hbm>>
    %dma_start3A_212 = tpu.memref_squeeze %dma_start3A_211 : memref<1x8x4096xf32, #tpu.memory_space<hbm>> -> memref<8x4096xf32, #tpu.memory_space<hbm>>
    %dma_start3A_213 = arith.constant 0 : i32
    %dma_start3A_214 = tpu.memref_slice %arg4[%select_n3A, %add3A_209, %dma_start3A_213] : memref<4x2048x4096xf32, #tpu.memory_space<hbm>> -> memref<1x8x4096xf32, #tpu.memory_space<hbm>>
    %dma_start3A_215 = tpu.memref_squeeze %dma_start3A_214 : memref<1x8x4096xf32, #tpu.memory_space<hbm>> -> memref<8x4096xf32, #tpu.memory_space<hbm>>
    tpu.enqueue_dma source(%arg7 : memref<8x4096xf32, #tpu.memory_space<vmem>>) target(%dma_start3A_215 : memref<8x4096xf32, #tpu.memory_space<hbm>>) target_semaphore(%arg13 : memref<!tpu.dma_semaphore, #tpu.memory_space<semaphore_mem>>)
    %dma_wait3A_216 = arith.constant 0 : i32
    %dma_wait3A_217 = tpu.memref_slice %arg4[%select_n3A, %mul3A_32, %dma_wait3A_216] : memref<4x2048x4096xf32, #tpu.memory_space<hbm>> -> memref<1x8x4096xf32, #tpu.memory_space<hbm>>
    %dma_wait3A_218 = tpu.memref_squeeze %dma_wait3A_217 : memref<1x8x4096xf32, #tpu.memory_space<hbm>> -> memref<8x4096xf32, #tpu.memory_space<hbm>>
    %dma_wait3A_219 = arith.constant 0 : i32
    %dma_wait3A_220 = tpu.memref_slice %arg4[%select_n3A, %mul3A_32, %dma_wait3A_219] : memref<4x2048x4096xf32, #tpu.memory_space<hbm>> -> memref<1x8x4096xf32, #tpu.memory_space<hbm>>
    %dma_wait3A_221 = tpu.memref_squeeze %dma_wait3A_220 : memref<1x8x4096xf32, #tpu.memory_space<hbm>> -> memref<8x4096xf32, #tpu.memory_space<hbm>>
    tpu.wait_dma2 semaphore(%arg12 : memref<!tpu.dma_semaphore, #tpu.memory_space<semaphore_mem>>) src(%arg6 : memref<8x4096xf32, #tpu.memory_space<vmem>>) dst(%dma_wait3A_221 : memref<8x4096xf32, #tpu.memory_space<hbm>>)
    %dma_start3A_222 = arith.constant 72 : i32
    %dma_start3A_223 = tpu.memref_slice %arg5[%dma_start3A_222] : memref<256xi32, #tpu.memory_space<vmem>> -> memref<8xi32, #tpu.memory_space<vmem>>
    %dma_start3A_224 = arith.constant 0 : i32
    %dma_start3A_225 = arith.constant 0 : i32
    %dma_start3A_226 = tpu.memref_slice %arg2[%dma_start3A_224, %dma_start3A_225] : memref<32000x4096xf32, #tpu.memory_space<hbm>> -> memref<32000x4096xf32, #tpu.memory_space<hbm>>
    tpu.enqueue_indirect_dma source(%dma_start3A_226 : memref<32000x4096xf32, #tpu.memory_space<hbm>>) target(%arg6 : memref<8x4096xf32, #tpu.memory_space<vmem>>) offsets(%dma_start3A_223 : memref<8xi32, #tpu.memory_space<vmem>>) semaphore(%arg9 : memref<!tpu.dma_semaphore, #tpu.memory_space<semaphore_mem>>)
    %dma_wait3A_227 = arith.constant 0 : i32
    %dma_wait3A_228 = tpu.memref_slice %arg5[%dma_wait3A_227] : memref<256xi32, #tpu.memory_space<vmem>> -> memref<8xi32, #tpu.memory_space<vmem>>
    %dma_wait3A_229 = arith.constant 0 : i32
    %dma_wait3A_230 = arith.constant 0 : i32
    %dma_wait3A_231 = tpu.memref_slice %arg2[%dma_wait3A_229, %dma_wait3A_230] : memref<32000x4096xf32, #tpu.memory_space<hbm>> -> memref<32000x4096xf32, #tpu.memory_space<hbm>>
    tpu.wait_indirect_dma semaphore(%arg11 : memref<!tpu.dma_semaphore, #tpu.memory_space<semaphore_mem>>) src(%dma_wait3A_231 : memref<32000x4096xf32, #tpu.memory_space<hbm>>) dst(%arg8 : memref<8x4096xf32, #tpu.memory_space<vmem>>)
    %add3A_232 = arith.constant 64 : i32
    %add3A_233 = arith.addi %mul3A_32, %add3A_232 : i32
    %dma_start3A_234 = arith.constant 0 : i32
    %dma_start3A_235 = tpu.memref_slice %arg4[%select_n3A, %add3A_233, %dma_start3A_234] : memref<4x2048x4096xf32, #tpu.memory_space<hbm>> -> memref<1x8x4096xf32, #tpu.memory_space<hbm>>
    %dma_start3A_236 = tpu.memref_squeeze %dma_start3A_235 : memref<1x8x4096xf32, #tpu.memory_space<hbm>> -> memref<8x4096xf32, #tpu.memory_space<hbm>>
    %dma_start3A_237 = arith.constant 0 : i32
    %dma_start3A_238 = tpu.memref_slice %arg4[%select_n3A, %add3A_233, %dma_start3A_237] : memref<4x2048x4096xf32, #tpu.memory_space<hbm>> -> memref<1x8x4096xf32, #tpu.memory_space<hbm>>
    %dma_start3A_239 = tpu.memref_squeeze %dma_start3A_238 : memref<1x8x4096xf32, #tpu.memory_space<hbm>> -> memref<8x4096xf32, #tpu.memory_space<hbm>>
    tpu.enqueue_dma source(%arg8 : memref<8x4096xf32, #tpu.memory_space<vmem>>) target(%dma_start3A_239 : memref<8x4096xf32, #tpu.memory_space<hbm>>) target_semaphore(%arg14 : memref<!tpu.dma_semaphore, #tpu.memory_space<semaphore_mem>>)
    %dma_wait3A_240 = arith.constant 0 : i32
    %dma_wait3A_241 = tpu.memref_slice %arg4[%select_n3A, %mul3A_32, %dma_wait3A_240] : memref<4x2048x4096xf32, #tpu.memory_space<hbm>> -> memref<1x8x4096xf32, #tpu.memory_space<hbm>>
    %dma_wait3A_242 = tpu.memref_squeeze %dma_wait3A_241 : memref<1x8x4096xf32, #tpu.memory_space<hbm>> -> memref<8x4096xf32, #tpu.memory_space<hbm>>
    %dma_wait3A_243 = arith.constant 0 : i32
    %dma_wait3A_244 = tpu.memref_slice %arg4[%select_n3A, %mul3A_32, %dma_wait3A_243] : memref<4x2048x4096xf32, #tpu.memory_space<hbm>> -> memref<1x8x4096xf32, #tpu.memory_space<hbm>>
    %dma_wait3A_245 = tpu.memref_squeeze %dma_wait3A_244 : memref<1x8x4096xf32, #tpu.memory_space<hbm>> -> memref<8x4096xf32, #tpu.memory_space<hbm>>
    tpu.wait_dma2 semaphore(%arg13 : memref<!tpu.dma_semaphore, #tpu.memory_space<semaphore_mem>>) src(%arg7 : memref<8x4096xf32, #tpu.memory_space<vmem>>) dst(%dma_wait3A_245 : memref<8x4096xf32, #tpu.memory_space<hbm>>)
    %dma_start3A_246 = arith.constant 80 : i32
    %dma_start3A_247 = tpu.memref_slice %arg5[%dma_start3A_246] : memref<256xi32, #tpu.memory_space<vmem>> -> memref<8xi32, #tpu.memory_space<vmem>>
    %dma_start3A_248 = arith.constant 0 : i32
    %dma_start3A_249 = arith.constant 0 : i32
    %dma_start3A_250 = tpu.memref_slice %arg2[%dma_start3A_248, %dma_start3A_249] : memref<32000x4096xf32, #tpu.memory_space<hbm>> -> memref<32000x4096xf32, #tpu.memory_space<hbm>>
    tpu.enqueue_indirect_dma source(%dma_start3A_250 : memref<32000x4096xf32, #tpu.memory_space<hbm>>) target(%arg7 : memref<8x4096xf32, #tpu.memory_space<vmem>>) offsets(%dma_start3A_247 : memref<8xi32, #tpu.memory_space<vmem>>) semaphore(%arg10 : memref<!tpu.dma_semaphore, #tpu.memory_space<semaphore_mem>>)
    %dma_wait3A_251 = arith.constant 0 : i32
    %dma_wait3A_252 = tpu.memref_slice %arg5[%dma_wait3A_251] : memref<256xi32, #tpu.memory_space<vmem>> -> memref<8xi32, #tpu.memory_space<vmem>>
    %dma_wait3A_253 = arith.constant 0 : i32
    %dma_wait3A_254 = arith.constant 0 : i32
    %dma_wait3A_255 = tpu.memref_slice %arg2[%dma_wait3A_253, %dma_wait3A_254] : memref<32000x4096xf32, #tpu.memory_space<hbm>> -> memref<32000x4096xf32, #tpu.memory_space<hbm>>
    tpu.wait_indirect_dma semaphore(%arg9 : memref<!tpu.dma_semaphore, #tpu.memory_space<semaphore_mem>>) src(%dma_wait3A_255 : memref<32000x4096xf32, #tpu.memory_space<hbm>>) dst(%arg6 : memref<8x4096xf32, #tpu.memory_space<vmem>>)
    %add3A_256 = arith.constant 72 : i32
    %add3A_257 = arith.addi %mul3A_32, %add3A_256 : i32
    %dma_start3A_258 = arith.constant 0 : i32
    %dma_start3A_259 = tpu.memref_slice %arg4[%select_n3A, %add3A_257, %dma_start3A_258] : memref<4x2048x4096xf32, #tpu.memory_space<hbm>> -> memref<1x8x4096xf32, #tpu.memory_space<hbm>>
    %dma_start3A_260 = tpu.memref_squeeze %dma_start3A_259 : memref<1x8x4096xf32, #tpu.memory_space<hbm>> -> memref<8x4096xf32, #tpu.memory_space<hbm>>
    %dma_start3A_261 = arith.constant 0 : i32
    %dma_start3A_262 = tpu.memref_slice %arg4[%select_n3A, %add3A_257, %dma_start3A_261] : memref<4x2048x4096xf32, #tpu.memory_space<hbm>> -> memref<1x8x4096xf32, #tpu.memory_space<hbm>>
    %dma_start3A_263 = tpu.memref_squeeze %dma_start3A_262 : memref<1x8x4096xf32, #tpu.memory_space<hbm>> -> memref<8x4096xf32, #tpu.memory_space<hbm>>
    tpu.enqueue_dma source(%arg6 : memref<8x4096xf32, #tpu.memory_space<vmem>>) target(%dma_start3A_263 : memref<8x4096xf32, #tpu.memory_space<hbm>>) target_semaphore(%arg12 : memref<!tpu.dma_semaphore, #tpu.memory_space<semaphore_mem>>)
    %dma_wait3A_264 = arith.constant 0 : i32
    %dma_wait3A_265 = tpu.memref_slice %arg4[%select_n3A, %mul3A_32, %dma_wait3A_264] : memref<4x2048x4096xf32, #tpu.memory_space<hbm>> -> memref<1x8x4096xf32, #tpu.memory_space<hbm>>
    %dma_wait3A_266 = tpu.memref_squeeze %dma_wait3A_265 : memref<1x8x4096xf32, #tpu.memory_space<hbm>> -> memref<8x4096xf32, #tpu.memory_space<hbm>>
    %dma_wait3A_267 = arith.constant 0 : i32
    %dma_wait3A_268 = tpu.memref_slice %arg4[%select_n3A, %mul3A_32, %dma_wait3A_267] : memref<4x2048x4096xf32, #tpu.memory_space<hbm>> -> memref<1x8x4096xf32, #tpu.memory_space<hbm>>
    %dma_wait3A_269 = tpu.memref_squeeze %dma_wait3A_268 : memref<1x8x4096xf32, #tpu.memory_space<hbm>> -> memref<8x4096xf32, #tpu.memory_space<hbm>>
    tpu.wait_dma2 semaphore(%arg14 : memref<!tpu.dma_semaphore, #tpu.memory_space<semaphore_mem>>) src(%arg8 : memref<8x4096xf32, #tpu.memory_space<vmem>>) dst(%dma_wait3A_269 : memref<8x4096xf32, #tpu.memory_space<hbm>>)
    %dma_start3A_270 = arith.constant 88 : i32
    %dma_start3A_271 = tpu.memref_slice %arg5[%dma_start3A_270] : memref<256xi32, #tpu.memory_space<vmem>> -> memref<8xi32, #tpu.memory_space<vmem>>
    %dma_start3A_272 = arith.constant 0 : i32
    %dma_start3A_273 = arith.constant 0 : i32
    %dma_start3A_274 = tpu.memref_slice %arg2[%dma_start3A_272, %dma_start3A_273] : memref<32000x4096xf32, #tpu.memory_space<hbm>> -> memref<32000x4096xf32, #tpu.memory_space<hbm>>
    tpu.enqueue_indirect_dma source(%dma_start3A_274 : memref<32000x4096xf32, #tpu.memory_space<hbm>>) target(%arg8 : memref<8x4096xf32, #tpu.memory_space<vmem>>) offsets(%dma_start3A_271 : memref<8xi32, #tpu.memory_space<vmem>>) semaphore(%arg11 : memref<!tpu.dma_semaphore, #tpu.memory_space<semaphore_mem>>)
    %dma_wait3A_275 = arith.constant 0 : i32
    %dma_wait3A_276 = tpu.memref_slice %arg5[%dma_wait3A_275] : memref<256xi32, #tpu.memory_space<vmem>> -> memref<8xi32, #tpu.memory_space<vmem>>
    %dma_wait3A_277 = arith.constant 0 : i32
    %dma_wait3A_278 = arith.constant 0 : i32
    %dma_wait3A_279 = tpu.memref_slice %arg2[%dma_wait3A_277, %dma_wait3A_278] : memref<32000x4096xf32, #tpu.memory_space<hbm>> -> memref<32000x4096xf32, #tpu.memory_space<hbm>>
    tpu.wait_indirect_dma semaphore(%arg10 : memref<!tpu.dma_semaphore, #tpu.memory_space<semaphore_mem>>) src(%dma_wait3A_279 : memref<32000x4096xf32, #tpu.memory_space<hbm>>) dst(%arg7 : memref<8x4096xf32, #tpu.memory_space<vmem>>)
    %add3A_280 = arith.constant 80 : i32
    %add3A_281 = arith.addi %mul3A_32, %add3A_280 : i32
    %dma_start3A_282 = arith.constant 0 : i32
    %dma_start3A_283 = tpu.memref_slice %arg4[%select_n3A, %add3A_281, %dma_start3A_282] : memref<4x2048x4096xf32, #tpu.memory_space<hbm>> -> memref<1x8x4096xf32, #tpu.memory_space<hbm>>
    %dma_start3A_284 = tpu.memref_squeeze %dma_start3A_283 : memref<1x8x4096xf32, #tpu.memory_space<hbm>> -> memref<8x4096xf32, #tpu.memory_space<hbm>>
    %dma_start3A_285 = arith.constant 0 : i32
    %dma_start3A_286 = tpu.memref_slice %arg4[%select_n3A, %add3A_281, %dma_start3A_285] : memref<4x2048x4096xf32, #tpu.memory_space<hbm>> -> memref<1x8x4096xf32, #tpu.memory_space<hbm>>
    %dma_start3A_287 = tpu.memref_squeeze %dma_start3A_286 : memref<1x8x4096xf32, #tpu.memory_space<hbm>> -> memref<8x4096xf32, #tpu.memory_space<hbm>>
    tpu.enqueue_dma source(%arg7 : memref<8x4096xf32, #tpu.memory_space<vmem>>) target(%dma_start3A_287 : memref<8x4096xf32, #tpu.memory_space<hbm>>) target_semaphore(%arg13 : memref<!tpu.dma_semaphore, #tpu.memory_space<semaphore_mem>>)
    %dma_wait3A_288 = arith.constant 0 : i32
    %dma_wait3A_289 = tpu.memref_slice %arg4[%select_n3A, %mul3A_32, %dma_wait3A_288] : memref<4x2048x4096xf32, #tpu.memory_space<hbm>> -> memref<1x8x4096xf32, #tpu.memory_space<hbm>>
    %dma_wait3A_290 = tpu.memref_squeeze %dma_wait3A_289 : memref<1x8x4096xf32, #tpu.memory_space<hbm>> -> memref<8x4096xf32, #tpu.memory_space<hbm>>
    %dma_wait3A_291 = arith.constant 0 : i32
    %dma_wait3A_292 = tpu.memref_slice %arg4[%select_n3A, %mul3A_32, %dma_wait3A_291] : memref<4x2048x4096xf32, #tpu.memory_space<hbm>> -> memref<1x8x4096xf32, #tpu.memory_space<hbm>>
    %dma_wait3A_293 = tpu.memref_squeeze %dma_wait3A_292 : memref<1x8x4096xf32, #tpu.memory_space<hbm>> -> memref<8x4096xf32, #tpu.memory_space<hbm>>
    tpu.wait_dma2 semaphore(%arg12 : memref<!tpu.dma_semaphore, #tpu.memory_space<semaphore_mem>>) src(%arg6 : memref<8x4096xf32, #tpu.memory_space<vmem>>) dst(%dma_wait3A_293 : memref<8x4096xf32, #tpu.memory_space<hbm>>)
    %dma_start3A_294 = arith.constant 96 : i32
    %dma_start3A_295 = tpu.memref_slice %arg5[%dma_start3A_294] : memref<256xi32, #tpu.memory_space<vmem>> -> memref<8xi32, #tpu.memory_space<vmem>>
    %dma_start3A_296 = arith.constant 0 : i32
    %dma_start3A_297 = arith.constant 0 : i32
    %dma_start3A_298 = tpu.memref_slice %arg2[%dma_start3A_296, %dma_start3A_297] : memref<32000x4096xf32, #tpu.memory_space<hbm>> -> memref<32000x4096xf32, #tpu.memory_space<hbm>>
    tpu.enqueue_indirect_dma source(%dma_start3A_298 : memref<32000x4096xf32, #tpu.memory_space<hbm>>) target(%arg6 : memref<8x4096xf32, #tpu.memory_space<vmem>>) offsets(%dma_start3A_295 : memref<8xi32, #tpu.memory_space<vmem>>) semaphore(%arg9 : memref<!tpu.dma_semaphore, #tpu.memory_space<semaphore_mem>>)
    %dma_wait3A_299 = arith.constant 0 : i32
    %dma_wait3A_300 = tpu.memref_slice %arg5[%dma_wait3A_299] : memref<256xi32, #tpu.memory_space<vmem>> -> memref<8xi32, #tpu.memory_space<vmem>>
    %dma_wait3A_301 = arith.constant 0 : i32
    %dma_wait3A_302 = arith.constant 0 : i32
    %dma_wait3A_303 = tpu.memref_slice %arg2[%dma_wait3A_301, %dma_wait3A_302] : memref<32000x4096xf32, #tpu.memory_space<hbm>> -> memref<32000x4096xf32, #tpu.memory_space<hbm>>
    tpu.wait_indirect_dma semaphore(%arg11 : memref<!tpu.dma_semaphore, #tpu.memory_space<semaphore_mem>>) src(%dma_wait3A_303 : memref<32000x4096xf32, #tpu.memory_space<hbm>>) dst(%arg8 : memref<8x4096xf32, #tpu.memory_space<vmem>>)
    %add3A_304 = arith.constant 88 : i32
    %add3A_305 = arith.addi %mul3A_32, %add3A_304 : i32
    %dma_start3A_306 = arith.constant 0 : i32
    %dma_start3A_307 = tpu.memref_slice %arg4[%select_n3A, %add3A_305, %dma_start3A_306] : memref<4x2048x4096xf32, #tpu.memory_space<hbm>> -> memref<1x8x4096xf32, #tpu.memory_space<hbm>>
    %dma_start3A_308 = tpu.memref_squeeze %dma_start3A_307 : memref<1x8x4096xf32, #tpu.memory_space<hbm>> -> memref<8x4096xf32, #tpu.memory_space<hbm>>
    %dma_start3A_309 = arith.constant 0 : i32
    %dma_start3A_310 = tpu.memref_slice %arg4[%select_n3A, %add3A_305, %dma_start3A_309] : memref<4x2048x4096xf32, #tpu.memory_space<hbm>> -> memref<1x8x4096xf32, #tpu.memory_space<hbm>>
    %dma_start3A_311 = tpu.memref_squeeze %dma_start3A_310 : memref<1x8x4096xf32, #tpu.memory_space<hbm>> -> memref<8x4096xf32, #tpu.memory_space<hbm>>
    tpu.enqueue_dma source(%arg8 : memref<8x4096xf32, #tpu.memory_space<vmem>>) target(%dma_start3A_311 : memref<8x4096xf32, #tpu.memory_space<hbm>>) target_semaphore(%arg14 : memref<!tpu.dma_semaphore, #tpu.memory_space<semaphore_mem>>)
    %dma_wait3A_312 = arith.constant 0 : i32
    %dma_wait3A_313 = tpu.memref_slice %arg4[%select_n3A, %mul3A_32, %dma_wait3A_312] : memref<4x2048x4096xf32, #tpu.memory_space<hbm>> -> memref<1x8x4096xf32, #tpu.memory_space<hbm>>
    %dma_wait3A_314 = tpu.memref_squeeze %dma_wait3A_313 : memref<1x8x4096xf32, #tpu.memory_space<hbm>> -> memref<8x4096xf32, #tpu.memory_space<hbm>>
    %dma_wait3A_315 = arith.constant 0 : i32
    %dma_wait3A_316 = tpu.memref_slice %arg4[%select_n3A, %mul3A_32, %dma_wait3A_315] : memref<4x2048x4096xf32, #tpu.memory_space<hbm>> -> memref<1x8x4096xf32, #tpu.memory_space<hbm>>
    %dma_wait3A_317 = tpu.memref_squeeze %dma_wait3A_316 : memref<1x8x4096xf32, #tpu.memory_space<hbm>> -> memref<8x4096xf32, #tpu.memory_space<hbm>>
    tpu.wait_dma2 semaphore(%arg13 : memref<!tpu.dma_semaphore, #tpu.memory_space<semaphore_mem>>) src(%arg7 : memref<8x4096xf32, #tpu.memory_space<vmem>>) dst(%dma_wait3A_317 : memref<8x4096xf32, #tpu.memory_space<hbm>>)
    %dma_start3A_318 = arith.constant 104 : i32
    %dma_start3A_319 = tpu.memref_slice %arg5[%dma_start3A_318] : memref<256xi32, #tpu.memory_space<vmem>> -> memref<8xi32, #tpu.memory_space<vmem>>
    %dma_start3A_320 = arith.constant 0 : i32
    %dma_start3A_321 = arith.constant 0 : i32
    %dma_start3A_322 = tpu.memref_slice %arg2[%dma_start3A_320, %dma_start3A_321] : memref<32000x4096xf32, #tpu.memory_space<hbm>> -> memref<32000x4096xf32, #tpu.memory_space<hbm>>
    tpu.enqueue_indirect_dma source(%dma_start3A_322 : memref<32000x4096xf32, #tpu.memory_space<hbm>>) target(%arg7 : memref<8x4096xf32, #tpu.memory_space<vmem>>) offsets(%dma_start3A_319 : memref<8xi32, #tpu.memory_space<vmem>>) semaphore(%arg10 : memref<!tpu.dma_semaphore, #tpu.memory_space<semaphore_mem>>)
    %dma_wait3A_323 = arith.constant 0 : i32
    %dma_wait3A_324 = tpu.memref_slice %arg5[%dma_wait3A_323] : memref<256xi32, #tpu.memory_space<vmem>> -> memref<8xi32, #tpu.memory_space<vmem>>
    %dma_wait3A_325 = arith.constant 0 : i32
    %dma_wait3A_326 = arith.constant 0 : i32
    %dma_wait3A_327 = tpu.memref_slice %arg2[%dma_wait3A_325, %dma_wait3A_326] : memref<32000x4096xf32, #tpu.memory_space<hbm>> -> memref<32000x4096xf32, #tpu.memory_space<hbm>>
    tpu.wait_indirect_dma semaphore(%arg9 : memref<!tpu.dma_semaphore, #tpu.memory_space<semaphore_mem>>) src(%dma_wait3A_327 : memref<32000x4096xf32, #tpu.memory_space<hbm>>) dst(%arg6 : memref<8x4096xf32, #tpu.memory_space<vmem>>)
    %add3A_328 = arith.constant 96 : i32
    %add3A_329 = arith.addi %mul3A_32, %add3A_328 : i32
    %dma_start3A_330 = arith.constant 0 : i32
    %dma_start3A_331 = tpu.memref_slice %arg4[%select_n3A, %add3A_329, %dma_start3A_330] : memref<4x2048x4096xf32, #tpu.memory_space<hbm>> -> memref<1x8x4096xf32, #tpu.memory_space<hbm>>
    %dma_start3A_332 = tpu.memref_squeeze %dma_start3A_331 : memref<1x8x4096xf32, #tpu.memory_space<hbm>> -> memref<8x4096xf32, #tpu.memory_space<hbm>>
    %dma_start3A_333 = arith.constant 0 : i32
    %dma_start3A_334 = tpu.memref_slice %arg4[%select_n3A, %add3A_329, %dma_start3A_333] : memref<4x2048x4096xf32, #tpu.memory_space<hbm>> -> memref<1x8x4096xf32, #tpu.memory_space<hbm>>
    %dma_start3A_335 = tpu.memref_squeeze %dma_start3A_334 : memref<1x8x4096xf32, #tpu.memory_space<hbm>> -> memref<8x4096xf32, #tpu.memory_space<hbm>>
    tpu.enqueue_dma source(%arg6 : memref<8x4096xf32, #tpu.memory_space<vmem>>) target(%dma_start3A_335 : memref<8x4096xf32, #tpu.memory_space<hbm>>) target_semaphore(%arg12 : memref<!tpu.dma_semaphore, #tpu.memory_space<semaphore_mem>>)
    %dma_wait3A_336 = arith.constant 0 : i32
    %dma_wait3A_337 = tpu.memref_slice %arg4[%select_n3A, %mul3A_32, %dma_wait3A_336] : memref<4x2048x4096xf32, #tpu.memory_space<hbm>> -> memref<1x8x4096xf32, #tpu.memory_space<hbm>>
    %dma_wait3A_338 = tpu.memref_squeeze %dma_wait3A_337 : memref<1x8x4096xf32, #tpu.memory_space<hbm>> -> memref<8x4096xf32, #tpu.memory_space<hbm>>
    %dma_wait3A_339 = arith.constant 0 : i32
    %dma_wait3A_340 = tpu.memref_slice %arg4[%select_n3A, %mul3A_32, %dma_wait3A_339] : memref<4x2048x4096xf32, #tpu.memory_space<hbm>> -> memref<1x8x4096xf32, #tpu.memory_space<hbm>>
    %dma_wait3A_341 = tpu.memref_squeeze %dma_wait3A_340 : memref<1x8x4096xf32, #tpu.memory_space<hbm>> -> memref<8x4096xf32, #tpu.memory_space<hbm>>
    tpu.wait_dma2 semaphore(%arg14 : memref<!tpu.dma_semaphore, #tpu.memory_space<semaphore_mem>>) src(%arg8 : memref<8x4096xf32, #tpu.memory_space<vmem>>) dst(%dma_wait3A_341 : memref<8x4096xf32, #tpu.memory_space<hbm>>)
    %dma_start3A_342 = arith.constant 112 : i32
    %dma_start3A_343 = tpu.memref_slice %arg5[%dma_start3A_342] : memref<256xi32, #tpu.memory_space<vmem>> -> memref<8xi32, #tpu.memory_space<vmem>>
    %dma_start3A_344 = arith.constant 0 : i32
    %dma_start3A_345 = arith.constant 0 : i32
    %dma_start3A_346 = tpu.memref_slice %arg2[%dma_start3A_344, %dma_start3A_345] : memref<32000x4096xf32, #tpu.memory_space<hbm>> -> memref<32000x4096xf32, #tpu.memory_space<hbm>>
    tpu.enqueue_indirect_dma source(%dma_start3A_346 : memref<32000x4096xf32, #tpu.memory_space<hbm>>) target(%arg8 : memref<8x4096xf32, #tpu.memory_space<vmem>>) offsets(%dma_start3A_343 : memref<8xi32, #tpu.memory_space<vmem>>) semaphore(%arg11 : memref<!tpu.dma_semaphore, #tpu.memory_space<semaphore_mem>>)
    %dma_wait3A_347 = arith.constant 0 : i32
    %dma_wait3A_348 = tpu.memref_slice %arg5[%dma_wait3A_347] : memref<256xi32, #tpu.memory_space<vmem>> -> memref<8xi32, #tpu.memory_space<vmem>>
    %dma_wait3A_349 = arith.constant 0 : i32
    %dma_wait3A_350 = arith.constant 0 : i32
    %dma_wait3A_351 = tpu.memref_slice %arg2[%dma_wait3A_349, %dma_wait3A_350] : memref<32000x4096xf32, #tpu.memory_space<hbm>> -> memref<32000x4096xf32, #tpu.memory_space<hbm>>
    tpu.wait_indirect_dma semaphore(%arg10 : memref<!tpu.dma_semaphore, #tpu.memory_space<semaphore_mem>>) src(%dma_wait3A_351 : memref<32000x4096xf32, #tpu.memory_space<hbm>>) dst(%arg7 : memref<8x4096xf32, #tpu.memory_space<vmem>>)
    %add3A_352 = arith.constant 104 : i32
    %add3A_353 = arith.addi %mul3A_32, %add3A_352 : i32
    %dma_start3A_354 = arith.constant 0 : i32
    %dma_start3A_355 = tpu.memref_slice %arg4[%select_n3A, %add3A_353, %dma_start3A_354] : memref<4x2048x4096xf32, #tpu.memory_space<hbm>> -> memref<1x8x4096xf32, #tpu.memory_space<hbm>>
    %dma_start3A_356 = tpu.memref_squeeze %dma_start3A_355 : memref<1x8x4096xf32, #tpu.memory_space<hbm>> -> memref<8x4096xf32, #tpu.memory_space<hbm>>
    %dma_start3A_357 = arith.constant 0 : i32
    %dma_start3A_358 = tpu.memref_slice %arg4[%select_n3A, %add3A_353, %dma_start3A_357] : memref<4x2048x4096xf32, #tpu.memory_space<hbm>> -> memref<1x8x4096xf32, #tpu.memory_space<hbm>>
    %dma_start3A_359 = tpu.memref_squeeze %dma_start3A_358 : memref<1x8x4096xf32, #tpu.memory_space<hbm>> -> memref<8x4096xf32, #tpu.memory_space<hbm>>
    tpu.enqueue_dma source(%arg7 : memref<8x4096xf32, #tpu.memory_space<vmem>>) target(%dma_start3A_359 : memref<8x4096xf32, #tpu.memory_space<hbm>>) target_semaphore(%arg13 : memref<!tpu.dma_semaphore, #tpu.memory_space<semaphore_mem>>)
    %dma_wait3A_360 = arith.constant 0 : i32
    %dma_wait3A_361 = tpu.memref_slice %arg4[%select_n3A, %mul3A_32, %dma_wait3A_360] : memref<4x2048x4096xf32, #tpu.memory_space<hbm>> -> memref<1x8x4096xf32, #tpu.memory_space<hbm>>
    %dma_wait3A_362 = tpu.memref_squeeze %dma_wait3A_361 : memref<1x8x4096xf32, #tpu.memory_space<hbm>> -> memref<8x4096xf32, #tpu.memory_space<hbm>>
    %dma_wait3A_363 = arith.constant 0 : i32
    %dma_wait3A_364 = tpu.memref_slice %arg4[%select_n3A, %mul3A_32, %dma_wait3A_363] : memref<4x2048x4096xf32, #tpu.memory_space<hbm>> -> memref<1x8x4096xf32, #tpu.memory_space<hbm>>
    %dma_wait3A_365 = tpu.memref_squeeze %dma_wait3A_364 : memref<1x8x4096xf32, #tpu.memory_space<hbm>> -> memref<8x4096xf32, #tpu.memory_space<hbm>>
    tpu.wait_dma2 semaphore(%arg12 : memref<!tpu.dma_semaphore, #tpu.memory_space<semaphore_mem>>) src(%arg6 : memref<8x4096xf32, #tpu.memory_space<vmem>>) dst(%dma_wait3A_365 : memref<8x4096xf32, #tpu.memory_space<hbm>>)
    %dma_start3A_366 = arith.constant 120 : i32
    %dma_start3A_367 = tpu.memref_slice %arg5[%dma_start3A_366] : memref<256xi32, #tpu.memory_space<vmem>> -> memref<8xi32, #tpu.memory_space<vmem>>
    %dma_start3A_368 = arith.constant 0 : i32
    %dma_start3A_369 = arith.constant 0 : i32
    %dma_start3A_370 = tpu.memref_slice %arg2[%dma_start3A_368, %dma_start3A_369] : memref<32000x4096xf32, #tpu.memory_space<hbm>> -> memref<32000x4096xf32, #tpu.memory_space<hbm>>
    tpu.enqueue_indirect_dma source(%dma_start3A_370 : memref<32000x4096xf32, #tpu.memory_space<hbm>>) target(%arg6 : memref<8x4096xf32, #tpu.memory_space<vmem>>) offsets(%dma_start3A_367 : memref<8xi32, #tpu.memory_space<vmem>>) semaphore(%arg9 : memref<!tpu.dma_semaphore, #tpu.memory_space<semaphore_mem>>)
    %dma_wait3A_371 = arith.constant 0 : i32
    %dma_wait3A_372 = tpu.memref_slice %arg5[%dma_wait3A_371] : memref<256xi32, #tpu.memory_space<vmem>> -> memref<8xi32, #tpu.memory_space<vmem>>
    %dma_wait3A_373 = arith.constant 0 : i32
    %dma_wait3A_374 = arith.constant 0 : i32
    %dma_wait3A_375 = tpu.memref_slice %arg2[%dma_wait3A_373, %dma_wait3A_374] : memref<32000x4096xf32, #tpu.memory_space<hbm>> -> memref<32000x4096xf32, #tpu.memory_space<hbm>>
    tpu.wait_indirect_dma semaphore(%arg11 : memref<!tpu.dma_semaphore, #tpu.memory_space<semaphore_mem>>) src(%dma_wait3A_375 : memref<32000x4096xf32, #tpu.memory_space<hbm>>) dst(%arg8 : memref<8x4096xf32, #tpu.memory_space<vmem>>)
    %add3A_376 = arith.constant 112 : i32
    %add3A_377 = arith.addi %mul3A_32, %add3A_376 : i32
    %dma_start3A_378 = arith.constant 0 : i32
    %dma_start3A_379 = tpu.memref_slice %arg4[%select_n3A, %add3A_377, %dma_start3A_378] : memref<4x2048x4096xf32, #tpu.memory_space<hbm>> -> memref<1x8x4096xf32, #tpu.memory_space<hbm>>
    %dma_start3A_380 = tpu.memref_squeeze %dma_start3A_379 : memref<1x8x4096xf32, #tpu.memory_space<hbm>> -> memref<8x4096xf32, #tpu.memory_space<hbm>>
    %dma_start3A_381 = arith.constant 0 : i32
    %dma_start3A_382 = tpu.memref_slice %arg4[%select_n3A, %add3A_377, %dma_start3A_381] : memref<4x2048x4096xf32, #tpu.memory_space<hbm>> -> memref<1x8x4096xf32, #tpu.memory_space<hbm>>
    %dma_start3A_383 = tpu.memref_squeeze %dma_start3A_382 : memref<1x8x4096xf32, #tpu.memory_space<hbm>> -> memref<8x4096xf32, #tpu.memory_space<hbm>>
    tpu.enqueue_dma source(%arg8 : memref<8x4096xf32, #tpu.memory_space<vmem>>) target(%dma_start3A_383 : memref<8x4096xf32, #tpu.memory_space<hbm>>) target_semaphore(%arg14 : memref<!tpu.dma_semaphore, #tpu.memory_space<semaphore_mem>>)
    %dma_wait3A_384 = arith.constant 0 : i32
    %dma_wait3A_385 = tpu.memref_slice %arg4[%select_n3A, %mul3A_32, %dma_wait3A_384] : memref<4x2048x4096xf32, #tpu.memory_space<hbm>> -> memref<1x8x4096xf32, #tpu.memory_space<hbm>>
    %dma_wait3A_386 = tpu.memref_squeeze %dma_wait3A_385 : memref<1x8x4096xf32, #tpu.memory_space<hbm>> -> memref<8x4096xf32, #tpu.memory_space<hbm>>
    %dma_wait3A_387 = arith.constant 0 : i32
    %dma_wait3A_388 = tpu.memref_slice %arg4[%select_n3A, %mul3A_32, %dma_wait3A_387] : memref<4x2048x4096xf32, #tpu.memory_space<hbm>> -> memref<1x8x4096xf32, #tpu.memory_space<hbm>>
    %dma_wait3A_389 = tpu.memref_squeeze %dma_wait3A_388 : memref<1x8x4096xf32, #tpu.memory_space<hbm>> -> memref<8x4096xf32, #tpu.memory_space<hbm>>
    tpu.wait_dma2 semaphore(%arg13 : memref<!tpu.dma_semaphore, #tpu.memory_space<semaphore_mem>>) src(%arg7 : memref<8x4096xf32, #tpu.memory_space<vmem>>) dst(%dma_wait3A_389 : memref<8x4096xf32, #tpu.memory_space<hbm>>)
    %dma_start3A_390 = arith.constant 128 : i32
    %dma_start3A_391 = tpu.memref_slice %arg5[%dma_start3A_390] : memref<256xi32, #tpu.memory_space<vmem>> -> memref<8xi32, #tpu.memory_space<vmem>>
    %dma_start3A_392 = arith.constant 0 : i32
    %dma_start3A_393 = arith.constant 0 : i32
    %dma_start3A_394 = tpu.memref_slice %arg2[%dma_start3A_392, %dma_start3A_393] : memref<32000x4096xf32, #tpu.memory_space<hbm>> -> memref<32000x4096xf32, #tpu.memory_space<hbm>>
    tpu.enqueue_indirect_dma source(%dma_start3A_394 : memref<32000x4096xf32, #tpu.memory_space<hbm>>) target(%arg7 : memref<8x4096xf32, #tpu.memory_space<vmem>>) offsets(%dma_start3A_391 : memref<8xi32, #tpu.memory_space<vmem>>) semaphore(%arg10 : memref<!tpu.dma_semaphore, #tpu.memory_space<semaphore_mem>>)
    %dma_wait3A_395 = arith.constant 0 : i32
    %dma_wait3A_396 = tpu.memref_slice %arg5[%dma_wait3A_395] : memref<256xi32, #tpu.memory_space<vmem>> -> memref<8xi32, #tpu.memory_space<vmem>>
    %dma_wait3A_397 = arith.constant 0 : i32
    %dma_wait3A_398 = arith.constant 0 : i32
    %dma_wait3A_399 = tpu.memref_slice %arg2[%dma_wait3A_397, %dma_wait3A_398] : memref<32000x4096xf32, #tpu.memory_space<hbm>> -> memref<32000x4096xf32, #tpu.memory_space<hbm>>
    tpu.wait_indirect_dma semaphore(%arg9 : memref<!tpu.dma_semaphore, #tpu.memory_space<semaphore_mem>>) src(%dma_wait3A_399 : memref<32000x4096xf32, #tpu.memory_space<hbm>>) dst(%arg6 : memref<8x4096xf32, #tpu.memory_space<vmem>>)
    %add3A_400 = arith.constant 120 : i32
    %add3A_401 = arith.addi %mul3A_32, %add3A_400 : i32
    %dma_start3A_402 = arith.constant 0 : i32
    %dma_start3A_403 = tpu.memref_slice %arg4[%select_n3A, %add3A_401, %dma_start3A_402] : memref<4x2048x4096xf32, #tpu.memory_space<hbm>> -> memref<1x8x4096xf32, #tpu.memory_space<hbm>>
    %dma_start3A_404 = tpu.memref_squeeze %dma_start3A_403 : memref<1x8x4096xf32, #tpu.memory_space<hbm>> -> memref<8x4096xf32, #tpu.memory_space<hbm>>
    %dma_start3A_405 = arith.constant 0 : i32
    %dma_start3A_406 = tpu.memref_slice %arg4[%select_n3A, %add3A_401, %dma_start3A_405] : memref<4x2048x4096xf32, #tpu.memory_space<hbm>> -> memref<1x8x4096xf32, #tpu.memory_space<hbm>>
    %dma_start3A_407 = tpu.memref_squeeze %dma_start3A_406 : memref<1x8x4096xf32, #tpu.memory_space<hbm>> -> memref<8x4096xf32, #tpu.memory_space<hbm>>
    tpu.enqueue_dma source(%arg6 : memref<8x4096xf32, #tpu.memory_space<vmem>>) target(%dma_start3A_407 : memref<8x4096xf32, #tpu.memory_space<hbm>>) target_semaphore(%arg12 : memref<!tpu.dma_semaphore, #tpu.memory_space<semaphore_mem>>)
    %dma_wait3A_408 = arith.constant 0 : i32
    %dma_wait3A_409 = tpu.memref_slice %arg4[%select_n3A, %mul3A_32, %dma_wait3A_408] : memref<4x2048x4096xf32, #tpu.memory_space<hbm>> -> memref<1x8x4096xf32, #tpu.memory_space<hbm>>
    %dma_wait3A_410 = tpu.memref_squeeze %dma_wait3A_409 : memref<1x8x4096xf32, #tpu.memory_space<hbm>> -> memref<8x4096xf32, #tpu.memory_space<hbm>>
    %dma_wait3A_411 = arith.constant 0 : i32
    %dma_wait3A_412 = tpu.memref_slice %arg4[%select_n3A, %mul3A_32, %dma_wait3A_411] : memref<4x2048x4096xf32, #tpu.memory_space<hbm>> -> memref<1x8x4096xf32, #tpu.memory_space<hbm>>
    %dma_wait3A_413 = tpu.memref_squeeze %dma_wait3A_412 : memref<1x8x4096xf32, #tpu.memory_space<hbm>> -> memref<8x4096xf32, #tpu.memory_space<hbm>>
    tpu.wait_dma2 semaphore(%arg14 : memref<!tpu.dma_semaphore, #tpu.memory_space<semaphore_mem>>) src(%arg8 : memref<8x4096xf32, #tpu.memory_space<vmem>>) dst(%dma_wait3A_413 : memref<8x4096xf32, #tpu.memory_space<hbm>>)
    %dma_start3A_414 = arith.constant 136 : i32
    %dma_start3A_415 = tpu.memref_slice %arg5[%dma_start3A_414] : memref<256xi32, #tpu.memory_space<vmem>> -> memref<8xi32, #tpu.memory_space<vmem>>
    %dma_start3A_416 = arith.constant 0 : i32
    %dma_start3A_417 = arith.constant 0 : i32
    %dma_start3A_418 = tpu.memref_slice %arg2[%dma_start3A_416, %dma_start3A_417] : memref<32000x4096xf32, #tpu.memory_space<hbm>> -> memref<32000x4096xf32, #tpu.memory_space<hbm>>
    tpu.enqueue_indirect_dma source(%dma_start3A_418 : memref<32000x4096xf32, #tpu.memory_space<hbm>>) target(%arg8 : memref<8x4096xf32, #tpu.memory_space<vmem>>) offsets(%dma_start3A_415 : memref<8xi32, #tpu.memory_space<vmem>>) semaphore(%arg11 : memref<!tpu.dma_semaphore, #tpu.memory_space<semaphore_mem>>)
    %dma_wait3A_419 = arith.constant 0 : i32
    %dma_wait3A_420 = tpu.memref_slice %arg5[%dma_wait3A_419] : memref<256xi32, #tpu.memory_space<vmem>> -> memref<8xi32, #tpu.memory_space<vmem>>
    %dma_wait3A_421 = arith.constant 0 : i32
    %dma_wait3A_422 = arith.constant 0 : i32
    %dma_wait3A_423 = tpu.memref_slice %arg2[%dma_wait3A_421, %dma_wait3A_422] : memref<32000x4096xf32, #tpu.memory_space<hbm>> -> memref<32000x4096xf32, #tpu.memory_space<hbm>>
    tpu.wait_indirect_dma semaphore(%arg10 : memref<!tpu.dma_semaphore, #tpu.memory_space<semaphore_mem>>) src(%dma_wait3A_423 : memref<32000x4096xf32, #tpu.memory_space<hbm>>) dst(%arg7 : memref<8x4096xf32, #tpu.memory_space<vmem>>)
    %add3A_424 = arith.constant 128 : i32
    %add3A_425 = arith.addi %mul3A_32, %add3A_424 : i32
    %dma_start3A_426 = arith.constant 0 : i32
    %dma_start3A_427 = tpu.memref_slice %arg4[%select_n3A, %add3A_425, %dma_start3A_426] : memref<4x2048x4096xf32, #tpu.memory_space<hbm>> -> memref<1x8x4096xf32, #tpu.memory_space<hbm>>
    %dma_start3A_428 = tpu.memref_squeeze %dma_start3A_427 : memref<1x8x4096xf32, #tpu.memory_space<hbm>> -> memref<8x4096xf32, #tpu.memory_space<hbm>>
    %dma_start3A_429 = arith.constant 0 : i32
    %dma_start3A_430 = tpu.memref_slice %arg4[%select_n3A, %add3A_425, %dma_start3A_429] : memref<4x2048x4096xf32, #tpu.memory_space<hbm>> -> memref<1x8x4096xf32, #tpu.memory_space<hbm>>
    %dma_start3A_431 = tpu.memref_squeeze %dma_start3A_430 : memref<1x8x4096xf32, #tpu.memory_space<hbm>> -> memref<8x4096xf32, #tpu.memory_space<hbm>>
    tpu.enqueue_dma source(%arg7 : memref<8x4096xf32, #tpu.memory_space<vmem>>) target(%dma_start3A_431 : memref<8x4096xf32, #tpu.memory_space<hbm>>) target_semaphore(%arg13 : memref<!tpu.dma_semaphore, #tpu.memory_space<semaphore_mem>>)
    %dma_wait3A_432 = arith.constant 0 : i32
    %dma_wait3A_433 = tpu.memref_slice %arg4[%select_n3A, %mul3A_32, %dma_wait3A_432] : memref<4x2048x4096xf32, #tpu.memory_space<hbm>> -> memref<1x8x4096xf32, #tpu.memory_space<hbm>>
    %dma_wait3A_434 = tpu.memref_squeeze %dma_wait3A_433 : memref<1x8x4096xf32, #tpu.memory_space<hbm>> -> memref<8x4096xf32, #tpu.memory_space<hbm>>
    %dma_wait3A_435 = arith.constant 0 : i32
    %dma_wait3A_436 = tpu.memref_slice %arg4[%select_n3A, %mul3A_32, %dma_wait3A_435] : memref<4x2048x4096xf32, #tpu.memory_space<hbm>> -> memref<1x8x4096xf32, #tpu.memory_space<hbm>>
    %dma_wait3A_437 = tpu.memref_squeeze %dma_wait3A_436 : memref<1x8x4096xf32, #tpu.memory_space<hbm>> -> memref<8x4096xf32, #tpu.memory_space<hbm>>
    tpu.wait_dma2 semaphore(%arg12 : memref<!tpu.dma_semaphore, #tpu.memory_space<semaphore_mem>>) src(%arg6 : memref<8x4096xf32, #tpu.memory_space<vmem>>) dst(%dma_wait3A_437 : memref<8x4096xf32, #tpu.memory_space<hbm>>)
    %dma_start3A_438 = arith.constant 144 : i32
    %dma_start3A_439 = tpu.memref_slice %arg5[%dma_start3A_438] : memref<256xi32, #tpu.memory_space<vmem>> -> memref<8xi32, #tpu.memory_space<vmem>>
    %dma_start3A_440 = arith.constant 0 : i32
    %dma_start3A_441 = arith.constant 0 : i32
    %dma_start3A_442 = tpu.memref_slice %arg2[%dma_start3A_440, %dma_start3A_441] : memref<32000x4096xf32, #tpu.memory_space<hbm>> -> memref<32000x4096xf32, #tpu.memory_space<hbm>>
    tpu.enqueue_indirect_dma source(%dma_start3A_442 : memref<32000x4096xf32, #tpu.memory_space<hbm>>) target(%arg6 : memref<8x4096xf32, #tpu.memory_space<vmem>>) offsets(%dma_start3A_439 : memref<8xi32, #tpu.memory_space<vmem>>) semaphore(%arg9 : memref<!tpu.dma_semaphore, #tpu.memory_space<semaphore_mem>>)
    %dma_wait3A_443 = arith.constant 0 : i32
    %dma_wait3A_444 = tpu.memref_slice %arg5[%dma_wait3A_443] : memref<256xi32, #tpu.memory_space<vmem>> -> memref<8xi32, #tpu.memory_space<vmem>>
    %dma_wait3A_445 = arith.constant 0 : i32
    %dma_wait3A_446 = arith.constant 0 : i32
    %dma_wait3A_447 = tpu.memref_slice %arg2[%dma_wait3A_445, %dma_wait3A_446] : memref<32000x4096xf32, #tpu.memory_space<hbm>> -> memref<32000x4096xf32, #tpu.memory_space<hbm>>
    tpu.wait_indirect_dma semaphore(%arg11 : memref<!tpu.dma_semaphore, #tpu.memory_space<semaphore_mem>>) src(%dma_wait3A_447 : memref<32000x4096xf32, #tpu.memory_space<hbm>>) dst(%arg8 : memref<8x4096xf32, #tpu.memory_space<vmem>>)
    %add3A_448 = arith.constant 136 : i32
    %add3A_449 = arith.addi %mul3A_32, %add3A_448 : i32
    %dma_start3A_450 = arith.constant 0 : i32
    %dma_start3A_451 = tpu.memref_slice %arg4[%select_n3A, %add3A_449, %dma_start3A_450] : memref<4x2048x4096xf32, #tpu.memory_space<hbm>> -> memref<1x8x4096xf32, #tpu.memory_space<hbm>>
    %dma_start3A_452 = tpu.memref_squeeze %dma_start3A_451 : memref<1x8x4096xf32, #tpu.memory_space<hbm>> -> memref<8x4096xf32, #tpu.memory_space<hbm>>
    %dma_start3A_453 = arith.constant 0 : i32
    %dma_start3A_454 = tpu.memref_slice %arg4[%select_n3A, %add3A_449, %dma_start3A_453] : memref<4x2048x4096xf32, #tpu.memory_space<hbm>> -> memref<1x8x4096xf32, #tpu.memory_space<hbm>>
    %dma_start3A_455 = tpu.memref_squeeze %dma_start3A_454 : memref<1x8x4096xf32, #tpu.memory_space<hbm>> -> memref<8x4096xf32, #tpu.memory_space<hbm>>
    tpu.enqueue_dma source(%arg8 : memref<8x4096xf32, #tpu.memory_space<vmem>>) target(%dma_start3A_455 : memref<8x4096xf32, #tpu.memory_space<hbm>>) target_semaphore(%arg14 : memref<!tpu.dma_semaphore, #tpu.memory_space<semaphore_mem>>)
    %dma_wait3A_456 = arith.constant 0 : i32
    %dma_wait3A_457 = tpu.memref_slice %arg4[%select_n3A, %mul3A_32, %dma_wait3A_456] : memref<4x2048x4096xf32, #tpu.memory_space<hbm>> -> memref<1x8x4096xf32, #tpu.memory_space<hbm>>
    %dma_wait3A_458 = tpu.memref_squeeze %dma_wait3A_457 : memref<1x8x4096xf32, #tpu.memory_space<hbm>> -> memref<8x4096xf32, #tpu.memory_space<hbm>>
    %dma_wait3A_459 = arith.constant 0 : i32
    %dma_wait3A_460 = tpu.memref_slice %arg4[%select_n3A, %mul3A_32, %dma_wait3A_459] : memref<4x2048x4096xf32, #tpu.memory_space<hbm>> -> memref<1x8x4096xf32, #tpu.memory_space<hbm>>
    %dma_wait3A_461 = tpu.memref_squeeze %dma_wait3A_460 : memref<1x8x4096xf32, #tpu.memory_space<hbm>> -> memref<8x4096xf32, #tpu.memory_space<hbm>>
    tpu.wait_dma2 semaphore(%arg13 : memref<!tpu.dma_semaphore, #tpu.memory_space<semaphore_mem>>) src(%arg7 : memref<8x4096xf32, #tpu.memory_space<vmem>>) dst(%dma_wait3A_461 : memref<8x4096xf32, #tpu.memory_space<hbm>>)
    %dma_start3A_462 = arith.constant 152 : i32
    %dma_start3A_463 = tpu.memref_slice %arg5[%dma_start3A_462] : memref<256xi32, #tpu.memory_space<vmem>> -> memref<8xi32, #tpu.memory_space<vmem>>
    %dma_start3A_464 = arith.constant 0 : i32
    %dma_start3A_465 = arith.constant 0 : i32
    %dma_start3A_466 = tpu.memref_slice %arg2[%dma_start3A_464, %dma_start3A_465] : memref<32000x4096xf32, #tpu.memory_space<hbm>> -> memref<32000x4096xf32, #tpu.memory_space<hbm>>
    tpu.enqueue_indirect_dma source(%dma_start3A_466 : memref<32000x4096xf32, #tpu.memory_space<hbm>>) target(%arg7 : memref<8x4096xf32, #tpu.memory_space<vmem>>) offsets(%dma_start3A_463 : memref<8xi32, #tpu.memory_space<vmem>>) semaphore(%arg10 : memref<!tpu.dma_semaphore, #tpu.memory_space<semaphore_mem>>)
    %dma_wait3A_467 = arith.constant 0 : i32
    %dma_wait3A_468 = tpu.memref_slice %arg5[%dma_wait3A_467] : memref<256xi32, #tpu.memory_space<vmem>> -> memref<8xi32, #tpu.memory_space<vmem>>
    %dma_wait3A_469 = arith.constant 0 : i32
    %dma_wait3A_470 = arith.constant 0 : i32
    %dma_wait3A_471 = tpu.memref_slice %arg2[%dma_wait3A_469, %dma_wait3A_470] : memref<32000x4096xf32, #tpu.memory_space<hbm>> -> memref<32000x4096xf32, #tpu.memory_space<hbm>>
    tpu.wait_indirect_dma semaphore(%arg9 : memref<!tpu.dma_semaphore, #tpu.memory_space<semaphore_mem>>) src(%dma_wait3A_471 : memref<32000x4096xf32, #tpu.memory_space<hbm>>) dst(%arg6 : memref<8x4096xf32, #tpu.memory_space<vmem>>)
    %add3A_472 = arith.constant 144 : i32
    %add3A_473 = arith.addi %mul3A_32, %add3A_472 : i32
    %dma_start3A_474 = arith.constant 0 : i32
    %dma_start3A_475 = tpu.memref_slice %arg4[%select_n3A, %add3A_473, %dma_start3A_474] : memref<4x2048x4096xf32, #tpu.memory_space<hbm>> -> memref<1x8x4096xf32, #tpu.memory_space<hbm>>
    %dma_start3A_476 = tpu.memref_squeeze %dma_start3A_475 : memref<1x8x4096xf32, #tpu.memory_space<hbm>> -> memref<8x4096xf32, #tpu.memory_space<hbm>>
    %dma_start3A_477 = arith.constant 0 : i32
    %dma_start3A_478 = tpu.memref_slice %arg4[%select_n3A, %add3A_473, %dma_start3A_477] : memref<4x2048x4096xf32, #tpu.memory_space<hbm>> -> memref<1x8x4096xf32, #tpu.memory_space<hbm>>
    %dma_start3A_479 = tpu.memref_squeeze %dma_start3A_478 : memref<1x8x4096xf32, #tpu.memory_space<hbm>> -> memref<8x4096xf32, #tpu.memory_space<hbm>>
    tpu.enqueue_dma source(%arg6 : memref<8x4096xf32, #tpu.memory_space<vmem>>) target(%dma_start3A_479 : memref<8x4096xf32, #tpu.memory_space<hbm>>) target_semaphore(%arg12 : memref<!tpu.dma_semaphore, #tpu.memory_space<semaphore_mem>>)
    %dma_wait3A_480 = arith.constant 0 : i32
    %dma_wait3A_481 = tpu.memref_slice %arg4[%select_n3A, %mul3A_32, %dma_wait3A_480] : memref<4x2048x4096xf32, #tpu.memory_space<hbm>> -> memref<1x8x4096xf32, #tpu.memory_space<hbm>>
    %dma_wait3A_482 = tpu.memref_squeeze %dma_wait3A_481 : memref<1x8x4096xf32, #tpu.memory_space<hbm>> -> memref<8x4096xf32, #tpu.memory_space<hbm>>
    %dma_wait3A_483 = arith.constant 0 : i32
    %dma_wait3A_484 = tpu.memref_slice %arg4[%select_n3A, %mul3A_32, %dma_wait3A_483] : memref<4x2048x4096xf32, #tpu.memory_space<hbm>> -> memref<1x8x4096xf32, #tpu.memory_space<hbm>>
    %dma_wait3A_485 = tpu.memref_squeeze %dma_wait3A_484 : memref<1x8x4096xf32, #tpu.memory_space<hbm>> -> memref<8x4096xf32, #tpu.memory_space<hbm>>
    tpu.wait_dma2 semaphore(%arg14 : memref<!tpu.dma_semaphore, #tpu.memory_space<semaphore_mem>>) src(%arg8 : memref<8x4096xf32, #tpu.memory_space<vmem>>) dst(%dma_wait3A_485 : memref<8x4096xf32, #tpu.memory_space<hbm>>)
    %dma_start3A_486 = arith.constant 160 : i32
    %dma_start3A_487 = tpu.memref_slice %arg5[%dma_start3A_486] : memref<256xi32, #tpu.memory_space<vmem>> -> memref<8xi32, #tpu.memory_space<vmem>>
    %dma_start3A_488 = arith.constant 0 : i32
    %dma_start3A_489 = arith.constant 0 : i32
    %dma_start3A_490 = tpu.memref_slice %arg2[%dma_start3A_488, %dma_start3A_489] : memref<32000x4096xf32, #tpu.memory_space<hbm>> -> memref<32000x4096xf32, #tpu.memory_space<hbm>>
    tpu.enqueue_indirect_dma source(%dma_start3A_490 : memref<32000x4096xf32, #tpu.memory_space<hbm>>) target(%arg8 : memref<8x4096xf32, #tpu.memory_space<vmem>>) offsets(%dma_start3A_487 : memref<8xi32, #tpu.memory_space<vmem>>) semaphore(%arg11 : memref<!tpu.dma_semaphore, #tpu.memory_space<semaphore_mem>>)
    %dma_wait3A_491 = arith.constant 0 : i32
    %dma_wait3A_492 = tpu.memref_slice %arg5[%dma_wait3A_491] : memref<256xi32, #tpu.memory_space<vmem>> -> memref<8xi32, #tpu.memory_space<vmem>>
    %dma_wait3A_493 = arith.constant 0 : i32
    %dma_wait3A_494 = arith.constant 0 : i32
    %dma_wait3A_495 = tpu.memref_slice %arg2[%dma_wait3A_493, %dma_wait3A_494] : memref<32000x4096xf32, #tpu.memory_space<hbm>> -> memref<32000x4096xf32, #tpu.memory_space<hbm>>
    tpu.wait_indirect_dma semaphore(%arg10 : memref<!tpu.dma_semaphore, #tpu.memory_space<semaphore_mem>>) src(%dma_wait3A_495 : memref<32000x4096xf32, #tpu.memory_space<hbm>>) dst(%arg7 : memref<8x4096xf32, #tpu.memory_space<vmem>>)
    %add3A_496 = arith.constant 152 : i32
    %add3A_497 = arith.addi %mul3A_32, %add3A_496 : i32
    %dma_start3A_498 = arith.constant 0 : i32
    %dma_start3A_499 = tpu.memref_slice %arg4[%select_n3A, %add3A_497, %dma_start3A_498] : memref<4x2048x4096xf32, #tpu.memory_space<hbm>> -> memref<1x8x4096xf32, #tpu.memory_space<hbm>>
    %dma_start3A_500 = tpu.memref_squeeze %dma_start3A_499 : memref<1x8x4096xf32, #tpu.memory_space<hbm>> -> memref<8x4096xf32, #tpu.memory_space<hbm>>
    %dma_start3A_501 = arith.constant 0 : i32
    %dma_start3A_502 = tpu.memref_slice %arg4[%select_n3A, %add3A_497, %dma_start3A_501] : memref<4x2048x4096xf32, #tpu.memory_space<hbm>> -> memref<1x8x4096xf32, #tpu.memory_space<hbm>>
    %dma_start3A_503 = tpu.memref_squeeze %dma_start3A_502 : memref<1x8x4096xf32, #tpu.memory_space<hbm>> -> memref<8x4096xf32, #tpu.memory_space<hbm>>
    tpu.enqueue_dma source(%arg7 : memref<8x4096xf32, #tpu.memory_space<vmem>>) target(%dma_start3A_503 : memref<8x4096xf32, #tpu.memory_space<hbm>>) target_semaphore(%arg13 : memref<!tpu.dma_semaphore, #tpu.memory_space<semaphore_mem>>)
    %dma_wait3A_504 = arith.constant 0 : i32
    %dma_wait3A_505 = tpu.memref_slice %arg4[%select_n3A, %mul3A_32, %dma_wait3A_504] : memref<4x2048x4096xf32, #tpu.memory_space<hbm>> -> memref<1x8x4096xf32, #tpu.memory_space<hbm>>
    %dma_wait3A_506 = tpu.memref_squeeze %dma_wait3A_505 : memref<1x8x4096xf32, #tpu.memory_space<hbm>> -> memref<8x4096xf32, #tpu.memory_space<hbm>>
    %dma_wait3A_507 = arith.constant 0 : i32
    %dma_wait3A_508 = tpu.memref_slice %arg4[%select_n3A, %mul3A_32, %dma_wait3A_507] : memref<4x2048x4096xf32, #tpu.memory_space<hbm>> -> memref<1x8x4096xf32, #tpu.memory_space<hbm>>
    %dma_wait3A_509 = tpu.memref_squeeze %dma_wait3A_508 : memref<1x8x4096xf32, #tpu.memory_space<hbm>> -> memref<8x4096xf32, #tpu.memory_space<hbm>>
    tpu.wait_dma2 semaphore(%arg12 : memref<!tpu.dma_semaphore, #tpu.memory_space<semaphore_mem>>) src(%arg6 : memref<8x4096xf32, #tpu.memory_space<vmem>>) dst(%dma_wait3A_509 : memref<8x4096xf32, #tpu.memory_space<hbm>>)
    %dma_start3A_510 = arith.constant 168 : i32
    %dma_start3A_511 = tpu.memref_slice %arg5[%dma_start3A_510] : memref<256xi32, #tpu.memory_space<vmem>> -> memref<8xi32, #tpu.memory_space<vmem>>
    %dma_start3A_512 = arith.constant 0 : i32
    %dma_start3A_513 = arith.constant 0 : i32
    %dma_start3A_514 = tpu.memref_slice %arg2[%dma_start3A_512, %dma_start3A_513] : memref<32000x4096xf32, #tpu.memory_space<hbm>> -> memref<32000x4096xf32, #tpu.memory_space<hbm>>
    tpu.enqueue_indirect_dma source(%dma_start3A_514 : memref<32000x4096xf32, #tpu.memory_space<hbm>>) target(%arg6 : memref<8x4096xf32, #tpu.memory_space<vmem>>) offsets(%dma_start3A_511 : memref<8xi32, #tpu.memory_space<vmem>>) semaphore(%arg9 : memref<!tpu.dma_semaphore, #tpu.memory_space<semaphore_mem>>)
    %dma_wait3A_515 = arith.constant 0 : i32
    %dma_wait3A_516 = tpu.memref_slice %arg5[%dma_wait3A_515] : memref<256xi32, #tpu.memory_space<vmem>> -> memref<8xi32, #tpu.memory_space<vmem>>
    %dma_wait3A_517 = arith.constant 0 : i32
    %dma_wait3A_518 = arith.constant 0 : i32
    %dma_wait3A_519 = tpu.memref_slice %arg2[%dma_wait3A_517, %dma_wait3A_518] : memref<32000x4096xf32, #tpu.memory_space<hbm>> -> memref<32000x4096xf32, #tpu.memory_space<hbm>>
    tpu.wait_indirect_dma semaphore(%arg11 : memref<!tpu.dma_semaphore, #tpu.memory_space<semaphore_mem>>) src(%dma_wait3A_519 : memref<32000x4096xf32, #tpu.memory_space<hbm>>) dst(%arg8 : memref<8x4096xf32, #tpu.memory_space<vmem>>)
    %add3A_520 = arith.constant 160 : i32
    %add3A_521 = arith.addi %mul3A_32, %add3A_520 : i32
    %dma_start3A_522 = arith.constant 0 : i32
    %dma_start3A_523 = tpu.memref_slice %arg4[%select_n3A, %add3A_521, %dma_start3A_522] : memref<4x2048x4096xf32, #tpu.memory_space<hbm>> -> memref<1x8x4096xf32, #tpu.memory_space<hbm>>
    %dma_start3A_524 = tpu.memref_squeeze %dma_start3A_523 : memref<1x8x4096xf32, #tpu.memory_space<hbm>> -> memref<8x4096xf32, #tpu.memory_space<hbm>>
    %dma_start3A_525 = arith.constant 0 : i32
    %dma_start3A_526 = tpu.memref_slice %arg4[%select_n3A, %add3A_521, %dma_start3A_525] : memref<4x2048x4096xf32, #tpu.memory_space<hbm>> -> memref<1x8x4096xf32, #tpu.memory_space<hbm>>
    %dma_start3A_527 = tpu.memref_squeeze %dma_start3A_526 : memref<1x8x4096xf32, #tpu.memory_space<hbm>> -> memref<8x4096xf32, #tpu.memory_space<hbm>>
    tpu.enqueue_dma source(%arg8 : memref<8x4096xf32, #tpu.memory_space<vmem>>) target(%dma_start3A_527 : memref<8x4096xf32, #tpu.memory_space<hbm>>) target_semaphore(%arg14 : memref<!tpu.dma_semaphore, #tpu.memory_space<semaphore_mem>>)
    %dma_wait3A_528 = arith.constant 0 : i32
    %dma_wait3A_529 = tpu.memref_slice %arg4[%select_n3A, %mul3A_32, %dma_wait3A_528] : memref<4x2048x4096xf32, #tpu.memory_space<hbm>> -> memref<1x8x4096xf32, #tpu.memory_space<hbm>>
    %dma_wait3A_530 = tpu.memref_squeeze %dma_wait3A_529 : memref<1x8x4096xf32, #tpu.memory_space<hbm>> -> memref<8x4096xf32, #tpu.memory_space<hbm>>
    %dma_wait3A_531 = arith.constant 0 : i32
    %dma_wait3A_532 = tpu.memref_slice %arg4[%select_n3A, %mul3A_32, %dma_wait3A_531] : memref<4x2048x4096xf32, #tpu.memory_space<hbm>> -> memref<1x8x4096xf32, #tpu.memory_space<hbm>>
    %dma_wait3A_533 = tpu.memref_squeeze %dma_wait3A_532 : memref<1x8x4096xf32, #tpu.memory_space<hbm>> -> memref<8x4096xf32, #tpu.memory_space<hbm>>
    tpu.wait_dma2 semaphore(%arg13 : memref<!tpu.dma_semaphore, #tpu.memory_space<semaphore_mem>>) src(%arg7 : memref<8x4096xf32, #tpu.memory_space<vmem>>) dst(%dma_wait3A_533 : memref<8x4096xf32, #tpu.memory_space<hbm>>)
    %dma_start3A_534 = arith.constant 176 : i32
    %dma_start3A_535 = tpu.memref_slice %arg5[%dma_start3A_534] : memref<256xi32, #tpu.memory_space<vmem>> -> memref<8xi32, #tpu.memory_space<vmem>>
    %dma_start3A_536 = arith.constant 0 : i32
    %dma_start3A_537 = arith.constant 0 : i32
    %dma_start3A_538 = tpu.memref_slice %arg2[%dma_start3A_536, %dma_start3A_537] : memref<32000x4096xf32, #tpu.memory_space<hbm>> -> memref<32000x4096xf32, #tpu.memory_space<hbm>>
    tpu.enqueue_indirect_dma source(%dma_start3A_538 : memref<32000x4096xf32, #tpu.memory_space<hbm>>) target(%arg7 : memref<8x4096xf32, #tpu.memory_space<vmem>>) offsets(%dma_start3A_535 : memref<8xi32, #tpu.memory_space<vmem>>) semaphore(%arg10 : memref<!tpu.dma_semaphore, #tpu.memory_space<semaphore_mem>>)
    %dma_wait3A_539 = arith.constant 0 : i32
    %dma_wait3A_540 = tpu.memref_slice %arg5[%dma_wait3A_539] : memref<256xi32, #tpu.memory_space<vmem>> -> memref<8xi32, #tpu.memory_space<vmem>>
    %dma_wait3A_541 = arith.constant 0 : i32
    %dma_wait3A_542 = arith.constant 0 : i32
    %dma_wait3A_543 = tpu.memref_slice %arg2[%dma_wait3A_541, %dma_wait3A_542] : memref<32000x4096xf32, #tpu.memory_space<hbm>> -> memref<32000x4096xf32, #tpu.memory_space<hbm>>
    tpu.wait_indirect_dma semaphore(%arg9 : memref<!tpu.dma_semaphore, #tpu.memory_space<semaphore_mem>>) src(%dma_wait3A_543 : memref<32000x4096xf32, #tpu.memory_space<hbm>>) dst(%arg6 : memref<8x4096xf32, #tpu.memory_space<vmem>>)
    %add3A_544 = arith.constant 168 : i32
    %add3A_545 = arith.addi %mul3A_32, %add3A_544 : i32
    %dma_start3A_546 = arith.constant 0 : i32
    %dma_start3A_547 = tpu.memref_slice %arg4[%select_n3A, %add3A_545, %dma_start3A_546] : memref<4x2048x4096xf32, #tpu.memory_space<hbm>> -> memref<1x8x4096xf32, #tpu.memory_space<hbm>>
    %dma_start3A_548 = tpu.memref_squeeze %dma_start3A_547 : memref<1x8x4096xf32, #tpu.memory_space<hbm>> -> memref<8x4096xf32, #tpu.memory_space<hbm>>
    %dma_start3A_549 = arith.constant 0 : i32
    %dma_start3A_550 = tpu.memref_slice %arg4[%select_n3A, %add3A_545, %dma_start3A_549] : memref<4x2048x4096xf32, #tpu.memory_space<hbm>> -> memref<1x8x4096xf32, #tpu.memory_space<hbm>>
    %dma_start3A_551 = tpu.memref_squeeze %dma_start3A_550 : memref<1x8x4096xf32, #tpu.memory_space<hbm>> -> memref<8x4096xf32, #tpu.memory_space<hbm>>
    tpu.enqueue_dma source(%arg6 : memref<8x4096xf32, #tpu.memory_space<vmem>>) target(%dma_start3A_551 : memref<8x4096xf32, #tpu.memory_space<hbm>>) target_semaphore(%arg12 : memref<!tpu.dma_semaphore, #tpu.memory_space<semaphore_mem>>)
    %dma_wait3A_552 = arith.constant 0 : i32
    %dma_wait3A_553 = tpu.memref_slice %arg4[%select_n3A, %mul3A_32, %dma_wait3A_552] : memref<4x2048x4096xf32, #tpu.memory_space<hbm>> -> memref<1x8x4096xf32, #tpu.memory_space<hbm>>
    %dma_wait3A_554 = tpu.memref_squeeze %dma_wait3A_553 : memref<1x8x4096xf32, #tpu.memory_space<hbm>> -> memref<8x4096xf32, #tpu.memory_space<hbm>>
    %dma_wait3A_555 = arith.constant 0 : i32
    %dma_wait3A_556 = tpu.memref_slice %arg4[%select_n3A, %mul3A_32, %dma_wait3A_555] : memref<4x2048x4096xf32, #tpu.memory_space<hbm>> -> memref<1x8x4096xf32, #tpu.memory_space<hbm>>
    %dma_wait3A_557 = tpu.memref_squeeze %dma_wait3A_556 : memref<1x8x4096xf32, #tpu.memory_space<hbm>> -> memref<8x4096xf32, #tpu.memory_space<hbm>>
    tpu.wait_dma2 semaphore(%arg14 : memref<!tpu.dma_semaphore, #tpu.memory_space<semaphore_mem>>) src(%arg8 : memref<8x4096xf32, #tpu.memory_space<vmem>>) dst(%dma_wait3A_557 : memref<8x4096xf32, #tpu.memory_space<hbm>>)
    %dma_start3A_558 = arith.constant 184 : i32
    %dma_start3A_559 = tpu.memref_slice %arg5[%dma_start3A_558] : memref<256xi32, #tpu.memory_space<vmem>> -> memref<8xi32, #tpu.memory_space<vmem>>
    %dma_start3A_560 = arith.constant 0 : i32
    %dma_start3A_561 = arith.constant 0 : i32
    %dma_start3A_562 = tpu.memref_slice %arg2[%dma_start3A_560, %dma_start3A_561] : memref<32000x4096xf32, #tpu.memory_space<hbm>> -> memref<32000x4096xf32, #tpu.memory_space<hbm>>
    tpu.enqueue_indirect_dma source(%dma_start3A_562 : memref<32000x4096xf32, #tpu.memory_space<hbm>>) target(%arg8 : memref<8x4096xf32, #tpu.memory_space<vmem>>) offsets(%dma_start3A_559 : memref<8xi32, #tpu.memory_space<vmem>>) semaphore(%arg11 : memref<!tpu.dma_semaphore, #tpu.memory_space<semaphore_mem>>)
    %dma_wait3A_563 = arith.constant 0 : i32
    %dma_wait3A_564 = tpu.memref_slice %arg5[%dma_wait3A_563] : memref<256xi32, #tpu.memory_space<vmem>> -> memref<8xi32, #tpu.memory_space<vmem>>
    %dma_wait3A_565 = arith.constant 0 : i32
    %dma_wait3A_566 = arith.constant 0 : i32
    %dma_wait3A_567 = tpu.memref_slice %arg2[%dma_wait3A_565, %dma_wait3A_566] : memref<32000x4096xf32, #tpu.memory_space<hbm>> -> memref<32000x4096xf32, #tpu.memory_space<hbm>>
    tpu.wait_indirect_dma semaphore(%arg10 : memref<!tpu.dma_semaphore, #tpu.memory_space<semaphore_mem>>) src(%dma_wait3A_567 : memref<32000x4096xf32, #tpu.memory_space<hbm>>) dst(%arg7 : memref<8x4096xf32, #tpu.memory_space<vmem>>)
    %add3A_568 = arith.constant 176 : i32
    %add3A_569 = arith.addi %mul3A_32, %add3A_568 : i32
    %dma_start3A_570 = arith.constant 0 : i32
    %dma_start3A_571 = tpu.memref_slice %arg4[%select_n3A, %add3A_569, %dma_start3A_570] : memref<4x2048x4096xf32, #tpu.memory_space<hbm>> -> memref<1x8x4096xf32, #tpu.memory_space<hbm>>
    %dma_start3A_572 = tpu.memref_squeeze %dma_start3A_571 : memref<1x8x4096xf32, #tpu.memory_space<hbm>> -> memref<8x4096xf32, #tpu.memory_space<hbm>>
    %dma_start3A_573 = arith.constant 0 : i32
    %dma_start3A_574 = tpu.memref_slice %arg4[%select_n3A, %add3A_569, %dma_start3A_573] : memref<4x2048x4096xf32, #tpu.memory_space<hbm>> -> memref<1x8x4096xf32, #tpu.memory_space<hbm>>
    %dma_start3A_575 = tpu.memref_squeeze %dma_start3A_574 : memref<1x8x4096xf32, #tpu.memory_space<hbm>> -> memref<8x4096xf32, #tpu.memory_space<hbm>>
    tpu.enqueue_dma source(%arg7 : memref<8x4096xf32, #tpu.memory_space<vmem>>) target(%dma_start3A_575 : memref<8x4096xf32, #tpu.memory_space<hbm>>) target_semaphore(%arg13 : memref<!tpu.dma_semaphore, #tpu.memory_space<semaphore_mem>>)
    %dma_wait3A_576 = arith.constant 0 : i32
    %dma_wait3A_577 = tpu.memref_slice %arg4[%select_n3A, %mul3A_32, %dma_wait3A_576] : memref<4x2048x4096xf32, #tpu.memory_space<hbm>> -> memref<1x8x4096xf32, #tpu.memory_space<hbm>>
    %dma_wait3A_578 = tpu.memref_squeeze %dma_wait3A_577 : memref<1x8x4096xf32, #tpu.memory_space<hbm>> -> memref<8x4096xf32, #tpu.memory_space<hbm>>
    %dma_wait3A_579 = arith.constant 0 : i32
    %dma_wait3A_580 = tpu.memref_slice %arg4[%select_n3A, %mul3A_32, %dma_wait3A_579] : memref<4x2048x4096xf32, #tpu.memory_space<hbm>> -> memref<1x8x4096xf32, #tpu.memory_space<hbm>>
    %dma_wait3A_581 = tpu.memref_squeeze %dma_wait3A_580 : memref<1x8x4096xf32, #tpu.memory_space<hbm>> -> memref<8x4096xf32, #tpu.memory_space<hbm>>
    tpu.wait_dma2 semaphore(%arg12 : memref<!tpu.dma_semaphore, #tpu.memory_space<semaphore_mem>>) src(%arg6 : memref<8x4096xf32, #tpu.memory_space<vmem>>) dst(%dma_wait3A_581 : memref<8x4096xf32, #tpu.memory_space<hbm>>)
    %dma_start3A_582 = arith.constant 192 : i32
    %dma_start3A_583 = tpu.memref_slice %arg5[%dma_start3A_582] : memref<256xi32, #tpu.memory_space<vmem>> -> memref<8xi32, #tpu.memory_space<vmem>>
    %dma_start3A_584 = arith.constant 0 : i32
    %dma_start3A_585 = arith.constant 0 : i32
    %dma_start3A_586 = tpu.memref_slice %arg2[%dma_start3A_584, %dma_start3A_585] : memref<32000x4096xf32, #tpu.memory_space<hbm>> -> memref<32000x4096xf32, #tpu.memory_space<hbm>>
    tpu.enqueue_indirect_dma source(%dma_start3A_586 : memref<32000x4096xf32, #tpu.memory_space<hbm>>) target(%arg6 : memref<8x4096xf32, #tpu.memory_space<vmem>>) offsets(%dma_start3A_583 : memref<8xi32, #tpu.memory_space<vmem>>) semaphore(%arg9 : memref<!tpu.dma_semaphore, #tpu.memory_space<semaphore_mem>>)
    %dma_wait3A_587 = arith.constant 0 : i32
    %dma_wait3A_588 = tpu.memref_slice %arg5[%dma_wait3A_587] : memref<256xi32, #tpu.memory_space<vmem>> -> memref<8xi32, #tpu.memory_space<vmem>>
    %dma_wait3A_589 = arith.constant 0 : i32
    %dma_wait3A_590 = arith.constant 0 : i32
    %dma_wait3A_591 = tpu.memref_slice %arg2[%dma_wait3A_589, %dma_wait3A_590] : memref<32000x4096xf32, #tpu.memory_space<hbm>> -> memref<32000x4096xf32, #tpu.memory_space<hbm>>
    tpu.wait_indirect_dma semaphore(%arg11 : memref<!tpu.dma_semaphore, #tpu.memory_space<semaphore_mem>>) src(%dma_wait3A_591 : memref<32000x4096xf32, #tpu.memory_space<hbm>>) dst(%arg8 : memref<8x4096xf32, #tpu.memory_space<vmem>>)
    %add3A_592 = arith.constant 184 : i32
    %add3A_593 = arith.addi %mul3A_32, %add3A_592 : i32
    %dma_start3A_594 = arith.constant 0 : i32
    %dma_start3A_595 = tpu.memref_slice %arg4[%select_n3A, %add3A_593, %dma_start3A_594] : memref<4x2048x4096xf32, #tpu.memory_space<hbm>> -> memref<1x8x4096xf32, #tpu.memory_space<hbm>>
    %dma_start3A_596 = tpu.memref_squeeze %dma_start3A_595 : memref<1x8x4096xf32, #tpu.memory_space<hbm>> -> memref<8x4096xf32, #tpu.memory_space<hbm>>
    %dma_start3A_597 = arith.constant 0 : i32
    %dma_start3A_598 = tpu.memref_slice %arg4[%select_n3A, %add3A_593, %dma_start3A_597] : memref<4x2048x4096xf32, #tpu.memory_space<hbm>> -> memref<1x8x4096xf32, #tpu.memory_space<hbm>>
    %dma_start3A_599 = tpu.memref_squeeze %dma_start3A_598 : memref<1x8x4096xf32, #tpu.memory_space<hbm>> -> memref<8x4096xf32, #tpu.memory_space<hbm>>
    tpu.enqueue_dma source(%arg8 : memref<8x4096xf32, #tpu.memory_space<vmem>>) target(%dma_start3A_599 : memref<8x4096xf32, #tpu.memory_space<hbm>>) target_semaphore(%arg14 : memref<!tpu.dma_semaphore, #tpu.memory_space<semaphore_mem>>)
    %dma_wait3A_600 = arith.constant 0 : i32
    %dma_wait3A_601 = tpu.memref_slice %arg4[%select_n3A, %mul3A_32, %dma_wait3A_600] : memref<4x2048x4096xf32, #tpu.memory_space<hbm>> -> memref<1x8x4096xf32, #tpu.memory_space<hbm>>
    %dma_wait3A_602 = tpu.memref_squeeze %dma_wait3A_601 : memref<1x8x4096xf32, #tpu.memory_space<hbm>> -> memref<8x4096xf32, #tpu.memory_space<hbm>>
    %dma_wait3A_603 = arith.constant 0 : i32
    %dma_wait3A_604 = tpu.memref_slice %arg4[%select_n3A, %mul3A_32, %dma_wait3A_603] : memref<4x2048x4096xf32, #tpu.memory_space<hbm>> -> memref<1x8x4096xf32, #tpu.memory_space<hbm>>
    %dma_wait3A_605 = tpu.memref_squeeze %dma_wait3A_604 : memref<1x8x4096xf32, #tpu.memory_space<hbm>> -> memref<8x4096xf32, #tpu.memory_space<hbm>>
    tpu.wait_dma2 semaphore(%arg13 : memref<!tpu.dma_semaphore, #tpu.memory_space<semaphore_mem>>) src(%arg7 : memref<8x4096xf32, #tpu.memory_space<vmem>>) dst(%dma_wait3A_605 : memref<8x4096xf32, #tpu.memory_space<hbm>>)
    %dma_start3A_606 = arith.constant 200 : i32
    %dma_start3A_607 = tpu.memref_slice %arg5[%dma_start3A_606] : memref<256xi32, #tpu.memory_space<vmem>> -> memref<8xi32, #tpu.memory_space<vmem>>
    %dma_start3A_608 = arith.constant 0 : i32
    %dma_start3A_609 = arith.constant 0 : i32
    %dma_start3A_610 = tpu.memref_slice %arg2[%dma_start3A_608, %dma_start3A_609] : memref<32000x4096xf32, #tpu.memory_space<hbm>> -> memref<32000x4096xf32, #tpu.memory_space<hbm>>
    tpu.enqueue_indirect_dma source(%dma_start3A_610 : memref<32000x4096xf32, #tpu.memory_space<hbm>>) target(%arg7 : memref<8x4096xf32, #tpu.memory_space<vmem>>) offsets(%dma_start3A_607 : memref<8xi32, #tpu.memory_space<vmem>>) semaphore(%arg10 : memref<!tpu.dma_semaphore, #tpu.memory_space<semaphore_mem>>)
    %dma_wait3A_611 = arith.constant 0 : i32
    %dma_wait3A_612 = tpu.memref_slice %arg5[%dma_wait3A_611] : memref<256xi32, #tpu.memory_space<vmem>> -> memref<8xi32, #tpu.memory_space<vmem>>
    %dma_wait3A_613 = arith.constant 0 : i32
    %dma_wait3A_614 = arith.constant 0 : i32
    %dma_wait3A_615 = tpu.memref_slice %arg2[%dma_wait3A_613, %dma_wait3A_614] : memref<32000x4096xf32, #tpu.memory_space<hbm>> -> memref<32000x4096xf32, #tpu.memory_space<hbm>>
    tpu.wait_indirect_dma semaphore(%arg9 : memref<!tpu.dma_semaphore, #tpu.memory_space<semaphore_mem>>) src(%dma_wait3A_615 : memref<32000x4096xf32, #tpu.memory_space<hbm>>) dst(%arg6 : memref<8x4096xf32, #tpu.memory_space<vmem>>)
    %add3A_616 = arith.constant 192 : i32
    %add3A_617 = arith.addi %mul3A_32, %add3A_616 : i32
    %dma_start3A_618 = arith.constant 0 : i32
    %dma_start3A_619 = tpu.memref_slice %arg4[%select_n3A, %add3A_617, %dma_start3A_618] : memref<4x2048x4096xf32, #tpu.memory_space<hbm>> -> memref<1x8x4096xf32, #tpu.memory_space<hbm>>
    %dma_start3A_620 = tpu.memref_squeeze %dma_start3A_619 : memref<1x8x4096xf32, #tpu.memory_space<hbm>> -> memref<8x4096xf32, #tpu.memory_space<hbm>>
    %dma_start3A_621 = arith.constant 0 : i32
    %dma_start3A_622 = tpu.memref_slice %arg4[%select_n3A, %add3A_617, %dma_start3A_621] : memref<4x2048x4096xf32, #tpu.memory_space<hbm>> -> memref<1x8x4096xf32, #tpu.memory_space<hbm>>
    %dma_start3A_623 = tpu.memref_squeeze %dma_start3A_622 : memref<1x8x4096xf32, #tpu.memory_space<hbm>> -> memref<8x4096xf32, #tpu.memory_space<hbm>>
    tpu.enqueue_dma source(%arg6 : memref<8x4096xf32, #tpu.memory_space<vmem>>) target(%dma_start3A_623 : memref<8x4096xf32, #tpu.memory_space<hbm>>) target_semaphore(%arg12 : memref<!tpu.dma_semaphore, #tpu.memory_space<semaphore_mem>>)
    %dma_wait3A_624 = arith.constant 0 : i32
    %dma_wait3A_625 = tpu.memref_slice %arg4[%select_n3A, %mul3A_32, %dma_wait3A_624] : memref<4x2048x4096xf32, #tpu.memory_space<hbm>> -> memref<1x8x4096xf32, #tpu.memory_space<hbm>>
    %dma_wait3A_626 = tpu.memref_squeeze %dma_wait3A_625 : memref<1x8x4096xf32, #tpu.memory_space<hbm>> -> memref<8x4096xf32, #tpu.memory_space<hbm>>
    %dma_wait3A_627 = arith.constant 0 : i32
    %dma_wait3A_628 = tpu.memref_slice %arg4[%select_n3A, %mul3A_32, %dma_wait3A_627] : memref<4x2048x4096xf32, #tpu.memory_space<hbm>> -> memref<1x8x4096xf32, #tpu.memory_space<hbm>>
    %dma_wait3A_629 = tpu.memref_squeeze %dma_wait3A_628 : memref<1x8x4096xf32, #tpu.memory_space<hbm>> -> memref<8x4096xf32, #tpu.memory_space<hbm>>
    tpu.wait_dma2 semaphore(%arg14 : memref<!tpu.dma_semaphore, #tpu.memory_space<semaphore_mem>>) src(%arg8 : memref<8x4096xf32, #tpu.memory_space<vmem>>) dst(%dma_wait3A_629 : memref<8x4096xf32, #tpu.memory_space<hbm>>)
    %dma_start3A_630 = arith.constant 208 : i32
    %dma_start3A_631 = tpu.memref_slice %arg5[%dma_start3A_630] : memref<256xi32, #tpu.memory_space<vmem>> -> memref<8xi32, #tpu.memory_space<vmem>>
    %dma_start3A_632 = arith.constant 0 : i32
    %dma_start3A_633 = arith.constant 0 : i32
    %dma_start3A_634 = tpu.memref_slice %arg2[%dma_start3A_632, %dma_start3A_633] : memref<32000x4096xf32, #tpu.memory_space<hbm>> -> memref<32000x4096xf32, #tpu.memory_space<hbm>>
    tpu.enqueue_indirect_dma source(%dma_start3A_634 : memref<32000x4096xf32, #tpu.memory_space<hbm>>) target(%arg8 : memref<8x4096xf32, #tpu.memory_space<vmem>>) offsets(%dma_start3A_631 : memref<8xi32, #tpu.memory_space<vmem>>) semaphore(%arg11 : memref<!tpu.dma_semaphore, #tpu.memory_space<semaphore_mem>>)
    %dma_wait3A_635 = arith.constant 0 : i32
    %dma_wait3A_636 = tpu.memref_slice %arg5[%dma_wait3A_635] : memref<256xi32, #tpu.memory_space<vmem>> -> memref<8xi32, #tpu.memory_space<vmem>>
    %dma_wait3A_637 = arith.constant 0 : i32
    %dma_wait3A_638 = arith.constant 0 : i32
    %dma_wait3A_639 = tpu.memref_slice %arg2[%dma_wait3A_637, %dma_wait3A_638] : memref<32000x4096xf32, #tpu.memory_space<hbm>> -> memref<32000x4096xf32, #tpu.memory_space<hbm>>
    tpu.wait_indirect_dma semaphore(%arg10 : memref<!tpu.dma_semaphore, #tpu.memory_space<semaphore_mem>>) src(%dma_wait3A_639 : memref<32000x4096xf32, #tpu.memory_space<hbm>>) dst(%arg7 : memref<8x4096xf32, #tpu.memory_space<vmem>>)
    %add3A_640 = arith.constant 200 : i32
    %add3A_641 = arith.addi %mul3A_32, %add3A_640 : i32
    %dma_start3A_642 = arith.constant 0 : i32
    %dma_start3A_643 = tpu.memref_slice %arg4[%select_n3A, %add3A_641, %dma_start3A_642] : memref<4x2048x4096xf32, #tpu.memory_space<hbm>> -> memref<1x8x4096xf32, #tpu.memory_space<hbm>>
    %dma_start3A_644 = tpu.memref_squeeze %dma_start3A_643 : memref<1x8x4096xf32, #tpu.memory_space<hbm>> -> memref<8x4096xf32, #tpu.memory_space<hbm>>
    %dma_start3A_645 = arith.constant 0 : i32
    %dma_start3A_646 = tpu.memref_slice %arg4[%select_n3A, %add3A_641, %dma_start3A_645] : memref<4x2048x4096xf32, #tpu.memory_space<hbm>> -> memref<1x8x4096xf32, #tpu.memory_space<hbm>>
    %dma_start3A_647 = tpu.memref_squeeze %dma_start3A_646 : memref<1x8x4096xf32, #tpu.memory_space<hbm>> -> memref<8x4096xf32, #tpu.memory_space<hbm>>
    tpu.enqueue_dma source(%arg7 : memref<8x4096xf32, #tpu.memory_space<vmem>>) target(%dma_start3A_647 : memref<8x4096xf32, #tpu.memory_space<hbm>>) target_semaphore(%arg13 : memref<!tpu.dma_semaphore, #tpu.memory_space<semaphore_mem>>)
    %dma_wait3A_648 = arith.constant 0 : i32
    %dma_wait3A_649 = tpu.memref_slice %arg4[%select_n3A, %mul3A_32, %dma_wait3A_648] : memref<4x2048x4096xf32, #tpu.memory_space<hbm>> -> memref<1x8x4096xf32, #tpu.memory_space<hbm>>
    %dma_wait3A_650 = tpu.memref_squeeze %dma_wait3A_649 : memref<1x8x4096xf32, #tpu.memory_space<hbm>> -> memref<8x4096xf32, #tpu.memory_space<hbm>>
    %dma_wait3A_651 = arith.constant 0 : i32
    %dma_wait3A_652 = tpu.memref_slice %arg4[%select_n3A, %mul3A_32, %dma_wait3A_651] : memref<4x2048x4096xf32, #tpu.memory_space<hbm>> -> memref<1x8x4096xf32, #tpu.memory_space<hbm>>
    %dma_wait3A_653 = tpu.memref_squeeze %dma_wait3A_652 : memref<1x8x4096xf32, #tpu.memory_space<hbm>> -> memref<8x4096xf32, #tpu.memory_space<hbm>>
    tpu.wait_dma2 semaphore(%arg12 : memref<!tpu.dma_semaphore, #tpu.memory_space<semaphore_mem>>) src(%arg6 : memref<8x4096xf32, #tpu.memory_space<vmem>>) dst(%dma_wait3A_653 : memref<8x4096xf32, #tpu.memory_space<hbm>>)
    %dma_start3A_654 = arith.constant 216 : i32
    %dma_start3A_655 = tpu.memref_slice %arg5[%dma_start3A_654] : memref<256xi32, #tpu.memory_space<vmem>> -> memref<8xi32, #tpu.memory_space<vmem>>
    %dma_start3A_656 = arith.constant 0 : i32
    %dma_start3A_657 = arith.constant 0 : i32
    %dma_start3A_658 = tpu.memref_slice %arg2[%dma_start3A_656, %dma_start3A_657] : memref<32000x4096xf32, #tpu.memory_space<hbm>> -> memref<32000x4096xf32, #tpu.memory_space<hbm>>
    tpu.enqueue_indirect_dma source(%dma_start3A_658 : memref<32000x4096xf32, #tpu.memory_space<hbm>>) target(%arg6 : memref<8x4096xf32, #tpu.memory_space<vmem>>) offsets(%dma_start3A_655 : memref<8xi32, #tpu.memory_space<vmem>>) semaphore(%arg9 : memref<!tpu.dma_semaphore, #tpu.memory_space<semaphore_mem>>)
    %dma_wait3A_659 = arith.constant 0 : i32
    %dma_wait3A_660 = tpu.memref_slice %arg5[%dma_wait3A_659] : memref<256xi32, #tpu.memory_space<vmem>> -> memref<8xi32, #tpu.memory_space<vmem>>
    %dma_wait3A_661 = arith.constant 0 : i32
    %dma_wait3A_662 = arith.constant 0 : i32
    %dma_wait3A_663 = tpu.memref_slice %arg2[%dma_wait3A_661, %dma_wait3A_662] : memref<32000x4096xf32, #tpu.memory_space<hbm>> -> memref<32000x4096xf32, #tpu.memory_space<hbm>>
    tpu.wait_indirect_dma semaphore(%arg11 : memref<!tpu.dma_semaphore, #tpu.memory_space<semaphore_mem>>) src(%dma_wait3A_663 : memref<32000x4096xf32, #tpu.memory_space<hbm>>) dst(%arg8 : memref<8x4096xf32, #tpu.memory_space<vmem>>)
    %add3A_664 = arith.constant 208 : i32
    %add3A_665 = arith.addi %mul3A_32, %add3A_664 : i32
    %dma_start3A_666 = arith.constant 0 : i32
    %dma_start3A_667 = tpu.memref_slice %arg4[%select_n3A, %add3A_665, %dma_start3A_666] : memref<4x2048x4096xf32, #tpu.memory_space<hbm>> -> memref<1x8x4096xf32, #tpu.memory_space<hbm>>
    %dma_start3A_668 = tpu.memref_squeeze %dma_start3A_667 : memref<1x8x4096xf32, #tpu.memory_space<hbm>> -> memref<8x4096xf32, #tpu.memory_space<hbm>>
    %dma_start3A_669 = arith.constant 0 : i32
    %dma_start3A_670 = tpu.memref_slice %arg4[%select_n3A, %add3A_665, %dma_start3A_669] : memref<4x2048x4096xf32, #tpu.memory_space<hbm>> -> memref<1x8x4096xf32, #tpu.memory_space<hbm>>
    %dma_start3A_671 = tpu.memref_squeeze %dma_start3A_670 : memref<1x8x4096xf32, #tpu.memory_space<hbm>> -> memref<8x4096xf32, #tpu.memory_space<hbm>>
    tpu.enqueue_dma source(%arg8 : memref<8x4096xf32, #tpu.memory_space<vmem>>) target(%dma_start3A_671 : memref<8x4096xf32, #tpu.memory_space<hbm>>) target_semaphore(%arg14 : memref<!tpu.dma_semaphore, #tpu.memory_space<semaphore_mem>>)
    %dma_wait3A_672 = arith.constant 0 : i32
    %dma_wait3A_673 = tpu.memref_slice %arg4[%select_n3A, %mul3A_32, %dma_wait3A_672] : memref<4x2048x4096xf32, #tpu.memory_space<hbm>> -> memref<1x8x4096xf32, #tpu.memory_space<hbm>>
    %dma_wait3A_674 = tpu.memref_squeeze %dma_wait3A_673 : memref<1x8x4096xf32, #tpu.memory_space<hbm>> -> memref<8x4096xf32, #tpu.memory_space<hbm>>
    %dma_wait3A_675 = arith.constant 0 : i32
    %dma_wait3A_676 = tpu.memref_slice %arg4[%select_n3A, %mul3A_32, %dma_wait3A_675] : memref<4x2048x4096xf32, #tpu.memory_space<hbm>> -> memref<1x8x4096xf32, #tpu.memory_space<hbm>>
    %dma_wait3A_677 = tpu.memref_squeeze %dma_wait3A_676 : memref<1x8x4096xf32, #tpu.memory_space<hbm>> -> memref<8x4096xf32, #tpu.memory_space<hbm>>
    tpu.wait_dma2 semaphore(%arg13 : memref<!tpu.dma_semaphore, #tpu.memory_space<semaphore_mem>>) src(%arg7 : memref<8x4096xf32, #tpu.memory_space<vmem>>) dst(%dma_wait3A_677 : memref<8x4096xf32, #tpu.memory_space<hbm>>)
    %dma_start3A_678 = arith.constant 224 : i32
    %dma_start3A_679 = tpu.memref_slice %arg5[%dma_start3A_678] : memref<256xi32, #tpu.memory_space<vmem>> -> memref<8xi32, #tpu.memory_space<vmem>>
    %dma_start3A_680 = arith.constant 0 : i32
    %dma_start3A_681 = arith.constant 0 : i32
    %dma_start3A_682 = tpu.memref_slice %arg2[%dma_start3A_680, %dma_start3A_681] : memref<32000x4096xf32, #tpu.memory_space<hbm>> -> memref<32000x4096xf32, #tpu.memory_space<hbm>>
    tpu.enqueue_indirect_dma source(%dma_start3A_682 : memref<32000x4096xf32, #tpu.memory_space<hbm>>) target(%arg7 : memref<8x4096xf32, #tpu.memory_space<vmem>>) offsets(%dma_start3A_679 : memref<8xi32, #tpu.memory_space<vmem>>) semaphore(%arg10 : memref<!tpu.dma_semaphore, #tpu.memory_space<semaphore_mem>>)
    %dma_wait3A_683 = arith.constant 0 : i32
    %dma_wait3A_684 = tpu.memref_slice %arg5[%dma_wait3A_683] : memref<256xi32, #tpu.memory_space<vmem>> -> memref<8xi32, #tpu.memory_space<vmem>>
    %dma_wait3A_685 = arith.constant 0 : i32
    %dma_wait3A_686 = arith.constant 0 : i32
    %dma_wait3A_687 = tpu.memref_slice %arg2[%dma_wait3A_685, %dma_wait3A_686] : memref<32000x4096xf32, #tpu.memory_space<hbm>> -> memref<32000x4096xf32, #tpu.memory_space<hbm>>
    tpu.wait_indirect_dma semaphore(%arg9 : memref<!tpu.dma_semaphore, #tpu.memory_space<semaphore_mem>>) src(%dma_wait3A_687 : memref<32000x4096xf32, #tpu.memory_space<hbm>>) dst(%arg6 : memref<8x4096xf32, #tpu.memory_space<vmem>>)
    %add3A_688 = arith.constant 216 : i32
    %add3A_689 = arith.addi %mul3A_32, %add3A_688 : i32
    %dma_start3A_690 = arith.constant 0 : i32
    %dma_start3A_691 = tpu.memref_slice %arg4[%select_n3A, %add3A_689, %dma_start3A_690] : memref<4x2048x4096xf32, #tpu.memory_space<hbm>> -> memref<1x8x4096xf32, #tpu.memory_space<hbm>>
    %dma_start3A_692 = tpu.memref_squeeze %dma_start3A_691 : memref<1x8x4096xf32, #tpu.memory_space<hbm>> -> memref<8x4096xf32, #tpu.memory_space<hbm>>
    %dma_start3A_693 = arith.constant 0 : i32
    %dma_start3A_694 = tpu.memref_slice %arg4[%select_n3A, %add3A_689, %dma_start3A_693] : memref<4x2048x4096xf32, #tpu.memory_space<hbm>> -> memref<1x8x4096xf32, #tpu.memory_space<hbm>>
    %dma_start3A_695 = tpu.memref_squeeze %dma_start3A_694 : memref<1x8x4096xf32, #tpu.memory_space<hbm>> -> memref<8x4096xf32, #tpu.memory_space<hbm>>
    tpu.enqueue_dma source(%arg6 : memref<8x4096xf32, #tpu.memory_space<vmem>>) target(%dma_start3A_695 : memref<8x4096xf32, #tpu.memory_space<hbm>>) target_semaphore(%arg12 : memref<!tpu.dma_semaphore, #tpu.memory_space<semaphore_mem>>)
    %dma_wait3A_696 = arith.constant 0 : i32
    %dma_wait3A_697 = tpu.memref_slice %arg4[%select_n3A, %mul3A_32, %dma_wait3A_696] : memref<4x2048x4096xf32, #tpu.memory_space<hbm>> -> memref<1x8x4096xf32, #tpu.memory_space<hbm>>
    %dma_wait3A_698 = tpu.memref_squeeze %dma_wait3A_697 : memref<1x8x4096xf32, #tpu.memory_space<hbm>> -> memref<8x4096xf32, #tpu.memory_space<hbm>>
    %dma_wait3A_699 = arith.constant 0 : i32
    %dma_wait3A_700 = tpu.memref_slice %arg4[%select_n3A, %mul3A_32, %dma_wait3A_699] : memref<4x2048x4096xf32, #tpu.memory_space<hbm>> -> memref<1x8x4096xf32, #tpu.memory_space<hbm>>
    %dma_wait3A_701 = tpu.memref_squeeze %dma_wait3A_700 : memref<1x8x4096xf32, #tpu.memory_space<hbm>> -> memref<8x4096xf32, #tpu.memory_space<hbm>>
    tpu.wait_dma2 semaphore(%arg14 : memref<!tpu.dma_semaphore, #tpu.memory_space<semaphore_mem>>) src(%arg8 : memref<8x4096xf32, #tpu.memory_space<vmem>>) dst(%dma_wait3A_701 : memref<8x4096xf32, #tpu.memory_space<hbm>>)
    %dma_start3A_702 = arith.constant 232 : i32
    %dma_start3A_703 = tpu.memref_slice %arg5[%dma_start3A_702] : memref<256xi32, #tpu.memory_space<vmem>> -> memref<8xi32, #tpu.memory_space<vmem>>
    %dma_start3A_704 = arith.constant 0 : i32
    %dma_start3A_705 = arith.constant 0 : i32
    %dma_start3A_706 = tpu.memref_slice %arg2[%dma_start3A_704, %dma_start3A_705] : memref<32000x4096xf32, #tpu.memory_space<hbm>> -> memref<32000x4096xf32, #tpu.memory_space<hbm>>
    tpu.enqueue_indirect_dma source(%dma_start3A_706 : memref<32000x4096xf32, #tpu.memory_space<hbm>>) target(%arg8 : memref<8x4096xf32, #tpu.memory_space<vmem>>) offsets(%dma_start3A_703 : memref<8xi32, #tpu.memory_space<vmem>>) semaphore(%arg11 : memref<!tpu.dma_semaphore, #tpu.memory_space<semaphore_mem>>)
    %dma_wait3A_707 = arith.constant 0 : i32
    %dma_wait3A_708 = tpu.memref_slice %arg5[%dma_wait3A_707] : memref<256xi32, #tpu.memory_space<vmem>> -> memref<8xi32, #tpu.memory_space<vmem>>
    %dma_wait3A_709 = arith.constant 0 : i32
    %dma_wait3A_710 = arith.constant 0 : i32
    %dma_wait3A_711 = tpu.memref_slice %arg2[%dma_wait3A_709, %dma_wait3A_710] : memref<32000x4096xf32, #tpu.memory_space<hbm>> -> memref<32000x4096xf32, #tpu.memory_space<hbm>>
    tpu.wait_indirect_dma semaphore(%arg10 : memref<!tpu.dma_semaphore, #tpu.memory_space<semaphore_mem>>) src(%dma_wait3A_711 : memref<32000x4096xf32, #tpu.memory_space<hbm>>) dst(%arg7 : memref<8x4096xf32, #tpu.memory_space<vmem>>)
    %add3A_712 = arith.constant 224 : i32
    %add3A_713 = arith.addi %mul3A_32, %add3A_712 : i32
    %dma_start3A_714 = arith.constant 0 : i32
    %dma_start3A_715 = tpu.memref_slice %arg4[%select_n3A, %add3A_713, %dma_start3A_714] : memref<4x2048x4096xf32, #tpu.memory_space<hbm>> -> memref<1x8x4096xf32, #tpu.memory_space<hbm>>
    %dma_start3A_716 = tpu.memref_squeeze %dma_start3A_715 : memref<1x8x4096xf32, #tpu.memory_space<hbm>> -> memref<8x4096xf32, #tpu.memory_space<hbm>>
    %dma_start3A_717 = arith.constant 0 : i32
    %dma_start3A_718 = tpu.memref_slice %arg4[%select_n3A, %add3A_713, %dma_start3A_717] : memref<4x2048x4096xf32, #tpu.memory_space<hbm>> -> memref<1x8x4096xf32, #tpu.memory_space<hbm>>
    %dma_start3A_719 = tpu.memref_squeeze %dma_start3A_718 : memref<1x8x4096xf32, #tpu.memory_space<hbm>> -> memref<8x4096xf32, #tpu.memory_space<hbm>>
    tpu.enqueue_dma source(%arg7 : memref<8x4096xf32, #tpu.memory_space<vmem>>) target(%dma_start3A_719 : memref<8x4096xf32, #tpu.memory_space<hbm>>) target_semaphore(%arg13 : memref<!tpu.dma_semaphore, #tpu.memory_space<semaphore_mem>>)
    %dma_wait3A_720 = arith.constant 0 : i32
    %dma_wait3A_721 = tpu.memref_slice %arg4[%select_n3A, %mul3A_32, %dma_wait3A_720] : memref<4x2048x4096xf32, #tpu.memory_space<hbm>> -> memref<1x8x4096xf32, #tpu.memory_space<hbm>>
    %dma_wait3A_722 = tpu.memref_squeeze %dma_wait3A_721 : memref<1x8x4096xf32, #tpu.memory_space<hbm>> -> memref<8x4096xf32, #tpu.memory_space<hbm>>
    %dma_wait3A_723 = arith.constant 0 : i32
    %dma_wait3A_724 = tpu.memref_slice %arg4[%select_n3A, %mul3A_32, %dma_wait3A_723] : memref<4x2048x4096xf32, #tpu.memory_space<hbm>> -> memref<1x8x4096xf32, #tpu.memory_space<hbm>>
    %dma_wait3A_725 = tpu.memref_squeeze %dma_wait3A_724 : memref<1x8x4096xf32, #tpu.memory_space<hbm>> -> memref<8x4096xf32, #tpu.memory_space<hbm>>
    tpu.wait_dma2 semaphore(%arg12 : memref<!tpu.dma_semaphore, #tpu.memory_space<semaphore_mem>>) src(%arg6 : memref<8x4096xf32, #tpu.memory_space<vmem>>) dst(%dma_wait3A_725 : memref<8x4096xf32, #tpu.memory_space<hbm>>)
    %dma_start3A_726 = arith.constant 240 : i32
    %dma_start3A_727 = tpu.memref_slice %arg5[%dma_start3A_726] : memref<256xi32, #tpu.memory_space<vmem>> -> memref<8xi32, #tpu.memory_space<vmem>>
    %dma_start3A_728 = arith.constant 0 : i32
    %dma_start3A_729 = arith.constant 0 : i32
    %dma_start3A_730 = tpu.memref_slice %arg2[%dma_start3A_728, %dma_start3A_729] : memref<32000x4096xf32, #tpu.memory_space<hbm>> -> memref<32000x4096xf32, #tpu.memory_space<hbm>>
    tpu.enqueue_indirect_dma source(%dma_start3A_730 : memref<32000x4096xf32, #tpu.memory_space<hbm>>) target(%arg6 : memref<8x4096xf32, #tpu.memory_space<vmem>>) offsets(%dma_start3A_727 : memref<8xi32, #tpu.memory_space<vmem>>) semaphore(%arg9 : memref<!tpu.dma_semaphore, #tpu.memory_space<semaphore_mem>>)
    %dma_wait3A_731 = arith.constant 0 : i32
    %dma_wait3A_732 = tpu.memref_slice %arg5[%dma_wait3A_731] : memref<256xi32, #tpu.memory_space<vmem>> -> memref<8xi32, #tpu.memory_space<vmem>>
    %dma_wait3A_733 = arith.constant 0 : i32
    %dma_wait3A_734 = arith.constant 0 : i32
    %dma_wait3A_735 = tpu.memref_slice %arg2[%dma_wait3A_733, %dma_wait3A_734] : memref<32000x4096xf32, #tpu.memory_space<hbm>> -> memref<32000x4096xf32, #tpu.memory_space<hbm>>
    tpu.wait_indirect_dma semaphore(%arg11 : memref<!tpu.dma_semaphore, #tpu.memory_space<semaphore_mem>>) src(%dma_wait3A_735 : memref<32000x4096xf32, #tpu.memory_space<hbm>>) dst(%arg8 : memref<8x4096xf32, #tpu.memory_space<vmem>>)
    %add3A_736 = arith.constant 232 : i32
    %add3A_737 = arith.addi %mul3A_32, %add3A_736 : i32
    %dma_start3A_738 = arith.constant 0 : i32
    %dma_start3A_739 = tpu.memref_slice %arg4[%select_n3A, %add3A_737, %dma_start3A_738] : memref<4x2048x4096xf32, #tpu.memory_space<hbm>> -> memref<1x8x4096xf32, #tpu.memory_space<hbm>>
    %dma_start3A_740 = tpu.memref_squeeze %dma_start3A_739 : memref<1x8x4096xf32, #tpu.memory_space<hbm>> -> memref<8x4096xf32, #tpu.memory_space<hbm>>
    %dma_start3A_741 = arith.constant 0 : i32
    %dma_start3A_742 = tpu.memref_slice %arg4[%select_n3A, %add3A_737, %dma_start3A_741] : memref<4x2048x4096xf32, #tpu.memory_space<hbm>> -> memref<1x8x4096xf32, #tpu.memory_space<hbm>>
    %dma_start3A_743 = tpu.memref_squeeze %dma_start3A_742 : memref<1x8x4096xf32, #tpu.memory_space<hbm>> -> memref<8x4096xf32, #tpu.memory_space<hbm>>
    tpu.enqueue_dma source(%arg8 : memref<8x4096xf32, #tpu.memory_space<vmem>>) target(%dma_start3A_743 : memref<8x4096xf32, #tpu.memory_space<hbm>>) target_semaphore(%arg14 : memref<!tpu.dma_semaphore, #tpu.memory_space<semaphore_mem>>)
    %dma_wait3A_744 = arith.constant 0 : i32
    %dma_wait3A_745 = tpu.memref_slice %arg4[%select_n3A, %mul3A_32, %dma_wait3A_744] : memref<4x2048x4096xf32, #tpu.memory_space<hbm>> -> memref<1x8x4096xf32, #tpu.memory_space<hbm>>
    %dma_wait3A_746 = tpu.memref_squeeze %dma_wait3A_745 : memref<1x8x4096xf32, #tpu.memory_space<hbm>> -> memref<8x4096xf32, #tpu.memory_space<hbm>>
    %dma_wait3A_747 = arith.constant 0 : i32
    %dma_wait3A_748 = tpu.memref_slice %arg4[%select_n3A, %mul3A_32, %dma_wait3A_747] : memref<4x2048x4096xf32, #tpu.memory_space<hbm>> -> memref<1x8x4096xf32, #tpu.memory_space<hbm>>
    %dma_wait3A_749 = tpu.memref_squeeze %dma_wait3A_748 : memref<1x8x4096xf32, #tpu.memory_space<hbm>> -> memref<8x4096xf32, #tpu.memory_space<hbm>>
    tpu.wait_dma2 semaphore(%arg13 : memref<!tpu.dma_semaphore, #tpu.memory_space<semaphore_mem>>) src(%arg7 : memref<8x4096xf32, #tpu.memory_space<vmem>>) dst(%dma_wait3A_749 : memref<8x4096xf32, #tpu.memory_space<hbm>>)
    %dma_start3A_750 = arith.constant 248 : i32
    %dma_start3A_751 = tpu.memref_slice %arg5[%dma_start3A_750] : memref<256xi32, #tpu.memory_space<vmem>> -> memref<8xi32, #tpu.memory_space<vmem>>
    %dma_start3A_752 = arith.constant 0 : i32
    %dma_start3A_753 = arith.constant 0 : i32
    %dma_start3A_754 = tpu.memref_slice %arg2[%dma_start3A_752, %dma_start3A_753] : memref<32000x4096xf32, #tpu.memory_space<hbm>> -> memref<32000x4096xf32, #tpu.memory_space<hbm>>
    tpu.enqueue_indirect_dma source(%dma_start3A_754 : memref<32000x4096xf32, #tpu.memory_space<hbm>>) target(%arg7 : memref<8x4096xf32, #tpu.memory_space<vmem>>) offsets(%dma_start3A_751 : memref<8xi32, #tpu.memory_space<vmem>>) semaphore(%arg10 : memref<!tpu.dma_semaphore, #tpu.memory_space<semaphore_mem>>)
    %dma_wait3A_755 = arith.constant 0 : i32
    %dma_wait3A_756 = tpu.memref_slice %arg5[%dma_wait3A_755] : memref<256xi32, #tpu.memory_space<vmem>> -> memref<8xi32, #tpu.memory_space<vmem>>
    %dma_wait3A_757 = arith.constant 0 : i32
    %dma_wait3A_758 = arith.constant 0 : i32
    %dma_wait3A_759 = tpu.memref_slice %arg2[%dma_wait3A_757, %dma_wait3A_758] : memref<32000x4096xf32, #tpu.memory_space<hbm>> -> memref<32000x4096xf32, #tpu.memory_space<hbm>>
    tpu.wait_indirect_dma semaphore(%arg9 : memref<!tpu.dma_semaphore, #tpu.memory_space<semaphore_mem>>) src(%dma_wait3A_759 : memref<32000x4096xf32, #tpu.memory_space<hbm>>) dst(%arg6 : memref<8x4096xf32, #tpu.memory_space<vmem>>)
    %add3A_760 = arith.constant 240 : i32
    %add3A_761 = arith.addi %mul3A_32, %add3A_760 : i32
    %dma_start3A_762 = arith.constant 0 : i32
    %dma_start3A_763 = tpu.memref_slice %arg4[%select_n3A, %add3A_761, %dma_start3A_762] : memref<4x2048x4096xf32, #tpu.memory_space<hbm>> -> memref<1x8x4096xf32, #tpu.memory_space<hbm>>
    %dma_start3A_764 = tpu.memref_squeeze %dma_start3A_763 : memref<1x8x4096xf32, #tpu.memory_space<hbm>> -> memref<8x4096xf32, #tpu.memory_space<hbm>>
    %dma_start3A_765 = arith.constant 0 : i32
    %dma_start3A_766 = tpu.memref_slice %arg4[%select_n3A, %add3A_761, %dma_start3A_765] : memref<4x2048x4096xf32, #tpu.memory_space<hbm>> -> memref<1x8x4096xf32, #tpu.memory_space<hbm>>
    %dma_start3A_767 = tpu.memref_squeeze %dma_start3A_766 : memref<1x8x4096xf32, #tpu.memory_space<hbm>> -> memref<8x4096xf32, #tpu.memory_space<hbm>>
    tpu.enqueue_dma source(%arg6 : memref<8x4096xf32, #tpu.memory_space<vmem>>) target(%dma_start3A_767 : memref<8x4096xf32, #tpu.memory_space<hbm>>) target_semaphore(%arg12 : memref<!tpu.dma_semaphore, #tpu.memory_space<semaphore_mem>>)
    %dma_wait3A_768 = arith.constant 0 : i32
    %dma_wait3A_769 = tpu.memref_slice %arg5[%dma_wait3A_768] : memref<256xi32, #tpu.memory_space<vmem>> -> memref<8xi32, #tpu.memory_space<vmem>>
    %dma_wait3A_770 = arith.constant 0 : i32
    %dma_wait3A_771 = arith.constant 0 : i32
    %dma_wait3A_772 = tpu.memref_slice %arg2[%dma_wait3A_770, %dma_wait3A_771] : memref<32000x4096xf32, #tpu.memory_space<hbm>> -> memref<32000x4096xf32, #tpu.memory_space<hbm>>
    tpu.wait_indirect_dma semaphore(%arg10 : memref<!tpu.dma_semaphore, #tpu.memory_space<semaphore_mem>>) src(%dma_wait3A_772 : memref<32000x4096xf32, #tpu.memory_space<hbm>>) dst(%arg7 : memref<8x4096xf32, #tpu.memory_space<vmem>>)
    %add3A_773 = arith.constant 248 : i32
    %add3A_774 = arith.addi %mul3A_32, %add3A_773 : i32
    %dma_start3A_775 = arith.constant 0 : i32
    %dma_start3A_776 = tpu.memref_slice %arg4[%select_n3A, %add3A_774, %dma_start3A_775] : memref<4x2048x4096xf32, #tpu.memory_space<hbm>> -> memref<1x8x4096xf32, #tpu.memory_space<hbm>>
    %dma_start3A_777 = tpu.memref_squeeze %dma_start3A_776 : memref<1x8x4096xf32, #tpu.memory_space<hbm>> -> memref<8x4096xf32, #tpu.memory_space<hbm>>
    %dma_start3A_778 = arith.constant 0 : i32
    %dma_start3A_779 = tpu.memref_slice %arg4[%select_n3A, %add3A_774, %dma_start3A_778] : memref<4x2048x4096xf32, #tpu.memory_space<hbm>> -> memref<1x8x4096xf32, #tpu.memory_space<hbm>>
    %dma_start3A_780 = tpu.memref_squeeze %dma_start3A_779 : memref<1x8x4096xf32, #tpu.memory_space<hbm>> -> memref<8x4096xf32, #tpu.memory_space<hbm>>
    tpu.enqueue_dma source(%arg7 : memref<8x4096xf32, #tpu.memory_space<vmem>>) target(%dma_start3A_780 : memref<8x4096xf32, #tpu.memory_space<hbm>>) target_semaphore(%arg13 : memref<!tpu.dma_semaphore, #tpu.memory_space<semaphore_mem>>)
    %dma_wait3A_781 = arith.constant 0 : i32
    %dma_wait3A_782 = tpu.memref_slice %arg4[%select_n3A, %mul3A_32, %dma_wait3A_781] : memref<4x2048x4096xf32, #tpu.memory_space<hbm>> -> memref<1x8x4096xf32, #tpu.memory_space<hbm>>
    %dma_wait3A_783 = tpu.memref_squeeze %dma_wait3A_782 : memref<1x8x4096xf32, #tpu.memory_space<hbm>> -> memref<8x4096xf32, #tpu.memory_space<hbm>>
    %dma_wait3A_784 = arith.constant 0 : i32
    %dma_wait3A_785 = tpu.memref_slice %arg4[%select_n3A, %mul3A_32, %dma_wait3A_784] : memref<4x2048x4096xf32, #tpu.memory_space<hbm>> -> memref<1x8x4096xf32, #tpu.memory_space<hbm>>
    %dma_wait3A_786 = tpu.memref_squeeze %dma_wait3A_785 : memref<1x8x4096xf32, #tpu.memory_space<hbm>> -> memref<8x4096xf32, #tpu.memory_space<hbm>>
    tpu.wait_dma2 semaphore(%arg14 : memref<!tpu.dma_semaphore, #tpu.memory_space<semaphore_mem>>) src(%arg8 : memref<8x4096xf32, #tpu.memory_space<vmem>>) dst(%dma_wait3A_786 : memref<8x4096xf32, #tpu.memory_space<hbm>>)
    %dma_wait3A_787 = arith.constant 0 : i32
    %dma_wait3A_788 = tpu.memref_slice %arg4[%select_n3A, %mul3A_32, %dma_wait3A_787] : memref<4x2048x4096xf32, #tpu.memory_space<hbm>> -> memref<1x8x4096xf32, #tpu.memory_space<hbm>>
    %dma_wait3A_789 = tpu.memref_squeeze %dma_wait3A_788 : memref<1x8x4096xf32, #tpu.memory_space<hbm>> -> memref<8x4096xf32, #tpu.memory_space<hbm>>
    %dma_wait3A_790 = arith.constant 0 : i32
    %dma_wait3A_791 = tpu.memref_slice %arg4[%select_n3A, %mul3A_32, %dma_wait3A_790] : memref<4x2048x4096xf32, #tpu.memory_space<hbm>> -> memref<1x8x4096xf32, #tpu.memory_space<hbm>>
    %dma_wait3A_792 = tpu.memref_squeeze %dma_wait3A_791 : memref<1x8x4096xf32, #tpu.memory_space<hbm>> -> memref<8x4096xf32, #tpu.memory_space<hbm>>
    tpu.wait_dma2 semaphore(%arg12 : memref<!tpu.dma_semaphore, #tpu.memory_space<semaphore_mem>>) src(%arg6 : memref<8x4096xf32, #tpu.memory_space<vmem>>) dst(%dma_wait3A_792 : memref<8x4096xf32, #tpu.memory_space<hbm>>)
    %dma_wait3A_793 = arith.constant 0 : i32
    %dma_wait3A_794 = tpu.memref_slice %arg4[%select_n3A, %mul3A_32, %dma_wait3A_793] : memref<4x2048x4096xf32, #tpu.memory_space<hbm>> -> memref<1x8x4096xf32, #tpu.memory_space<hbm>>
    %dma_wait3A_795 = tpu.memref_squeeze %dma_wait3A_794 : memref<1x8x4096xf32, #tpu.memory_space<hbm>> -> memref<8x4096xf32, #tpu.memory_space<hbm>>
    %dma_wait3A_796 = arith.constant 0 : i32
    %dma_wait3A_797 = tpu.memref_slice %arg4[%select_n3A, %mul3A_32, %dma_wait3A_796] : memref<4x2048x4096xf32, #tpu.memory_space<hbm>> -> memref<1x8x4096xf32, #tpu.memory_space<hbm>>
    %dma_wait3A_798 = tpu.memref_squeeze %dma_wait3A_797 : memref<1x8x4096xf32, #tpu.memory_space<hbm>> -> memref<8x4096xf32, #tpu.memory_space<hbm>>
    tpu.wait_dma2 semaphore(%arg13 : memref<!tpu.dma_semaphore, #tpu.memory_space<semaphore_mem>>) src(%arg7 : memref<8x4096xf32, #tpu.memory_space<vmem>>) dst(%dma_wait3A_798 : memref<8x4096xf32, #tpu.memory_space<hbm>>)
    return
  }
}

</mosaic_0001>

<sc_bundles>
// kernel: _embedding_lookup.3.cloned.1.call-start
scs
__scs_entry_jumppad:
0x0: {  	(pc) =	sbr.rel $0x88, $3  }
0x1: {  	(tag) =	ssettag $0x0;
	lr =	simm.s32 $0x1  }
0x2: {  	[smem:$0x3F9F] =	sst lr;
	_ =	strace $0xD0000000  }
0x3: {  	_ = 	snop  }
0x4: {  	_ = 	snop  }
0x5: {  	_ = 	snop  }
0x6: {  	_ = 	snop  }
0x7: {  	_ = 	snop  }
__scs_overlays_trampoline_lowered:
0x8: {  	[smem:$0x3FAE] =	sst s0  }
0x9: {  	[smem:$0x3FAF] =	sst s1  }
0xa: {  	[smem:$0x3FB0] =	sst s2  }
0xb: {  	[smem:$0x3FB1] =	sst s3  }
0xc: {  	[smem:$0x3FB2] =	sst s4  }
0xd: {  	[smem:$0x3FB3] =	sst s5  }
0xe: {  	[smem:$0x3FB4] =	sst s6  }
0xf: {  	[smem:$0x3FB5] =	sst s7  }
0x10: {  	[smem:$0x3FB6] =	sst s8  }
0x11: {  	[smem:$0x3FB7] =	sst s9;
	s0 =	simm.s32 @!p0 $0x0  }
0x12: {  	s1 =	sld [smem:$0x3F9D];
	s0 =	simm.s32 @p0 $0x1  }
0x13: {  	[smem:$0x3FB8] =	sst s0;
	s0 =	simm.s32 @!p1 $0x0  }
0x14: {  	s2 =	sld [smem:$0x3F9C];
	s0 =	simm.s32 @p1 $0x1  }
0x15: {  	[smem:$0x3FB9] =	sst s0;
	s0 =	simm.s32 @!p2 $0x0  }
0x16: {  	s3 =	sld [smem:$0x3FDB];
	s0 =	simm.s32 @p2 $0x1  }
0x17: {  	s4 =	simm.s32 $0x1BF5;
	[smem:$0x3FBB] =	sst s0  }
0x18: {  	s0 =	sld [smem:$0x3F9E];
	_ =	swait.ge [sflag:s4], $0x0  }
0x19: {  	s7 =	sld [smem:$0x3F9F]  }
0x1a: {  	s8 =	sadd.s32 $0xFFFFE003, lr  }
0x1b: {  	s9 =	sadd.s32 $0xFFFFFEF7, lr;
	s5 =	simm.s32 $0xFFFFFFFF;
	p2 =	slt.u32 s8, $0xFFFFF086  }
0x1c: {  	p1 =	slt.u32 s9, $0xF7A;
	s5 =	simm.s32 @!p2 $0x0  }
0x1d: {  	s5 =	simm.s32 @p1 $0x1;
	p0 =	seq.s32 s7, s2  }
0x1e: {  	s7 =	smul.u32 @!p0 $0xF7A, s2;
	p2 =	seq.s32 @!p0 s5, $0x0  }
0x1f: {  	s9 =	smul.u32 $0xF7A, s1;
	s8 =	simm.s32 @!p0 $0x1BF5;
	p2 =	por !p2, p0  }
0x20: {  	[sflag:s8] =	ssyncset.s32 @!p0 $0xFFFFF086;
	s6 =	sadd.s32 @!p0 s3, s7;
	s7 =	simm.s32 @!p0 $0x108  }
0x21: {  	s3 =	sadd.s32 s3, s9;
	s6 =	sadd.s32 @!p0 $0x88, s6;
	s7 =	simm.s32 @p2 $0x1082  }
0x22: {  	[simem:s7], [sflag:s8] =	dma.local @!p0 [hbm:s6], $0xF7A  }
0x23: {  	s9 =	sor.u32 $0xD0000000, s2;
	s6 =	simm.s32 $0x108;
	_ =	swait.ge @!p0 [sflag:s8], $0x0  }
0x24: {  	s3 =	sadd.s32 $0x88, s3;
	s6 =	simm.s32 @!p1 $0x1082;
	[sflag:s4] =	ssyncset.s32 $0xFFFFF086  }
0x25: {  	[simem:s6], [sflag:s4] =	dma.local [hbm:s3], $0xF7A  }
0x26: {  	[smem:$0x3F9F] =	sst s1;
	(tag) =	ssettag s2;
	_ =	strace s9  }
0x27: {  	s1 =	sld [smem:$0x3FAF]  }
0x28: {  	s2 =	sld [smem:$0x3FB0]  }
0x29: {  	s4 =	sld [smem:$0x3FB2]  }
0x2a: {  	p0 =	seq.s32 s5, $0x0;
	s5 =	sld [smem:$0x3FB3]  }
0x2b: {  	s6 =	sld [smem:$0x3FB4]  }
0x2c: {  	s7 =	sld [smem:$0x3FB5]  }
0x2d: {  	s3 =	simm.s32 $0x108;
	s8 =	sld [smem:$0x3FB6]  }
0x2e: {  	s3 =	simm.s32 @!p0 $0x1082;
	s9 =	sld [smem:$0x3FB7]  }
0x2f: {  	lr =	sadd.s32 s0, s3;
	s0 =	sld [smem:$0x3FAE]  }
0x30: {  	s3 =	sld [smem:$0x3FB1]  }
0x31: {  	[smem:$0x3FBA] =	sst s10  }
0x32: {  	s10 =	sld [smem:$0x3FB8];
	_ =	sdelay $0x3  }
0x33: {  	p0 =	seq.s32 s10, $0x1;
	s10 =	sld [smem:$0x3FBA];
	_ =	sdelay $0x3  }
0x34: {  	[smem:$0x3FBA] =	sst s10  }
0x35: {  	s10 =	sld [smem:$0x3FB9];
	_ =	sdelay $0x3  }
0x36: {  	p1 =	seq.s32 s10, $0x1;
	s10 =	sld [smem:$0x3FBA];
	_ =	sdelay $0x3  }
0x37: {  	[smem:$0x3FBA] =	sst s10  }
0x38: {  	s10 =	sld [smem:$0x3FBB]  }
0x39: {  	_ = 	snop;
	(pc) =	sbr.ind lr, $3  }
0x3a: {  	_ = 	snop  }
0x3b: {  	_ = 	snop  }
0x3c: {  	p2 =	seq.s32 s10, $0x1;
	s10 =	sld [smem:$0x3FBA]  }
0x3d: {  	_ =	shalt  }
0x3e: {  	_ =	shalt  }
0x3f: {  	_ =	shalt  }
0x40: {  	_ =	shalt  }
0x41: {  	_ =	shalt  }
0x42: {  	_ =	shalt  }
0x43: {  	_ =	shalt  }
0x44: {  	_ =	shalt  }
0x45: {  	_ =	shalt  }
0x46: {  	_ =	shalt  }
0x47: {  	_ =	shalt  }
0x48: {  	_ =	shalt  }
0x49: {  	_ =	shalt  }
0x4a: {  	_ =	shalt  }
0x4b: {  	_ =	shalt  }
0x4c: {  	_ =	shalt  }
0x4d: {  	_ =	shalt  }
0x4e: {  	_ =	shalt  }
0x4f: {  	_ =	shalt  }
0x50: {  	_ =	shalt  }
0x51: {  	_ =	shalt  }
0x52: {  	_ =	shalt  }
0x53: {  	_ =	shalt  }
0x54: {  	_ =	shalt  }
0x55: {  	_ =	shalt  }
0x56: {  	_ =	shalt  }
0x57: {  	_ =	shalt  }
0x58: {  	_ =	shalt  }
0x59: {  	_ =	shalt  }
0x5a: {  	_ =	shalt  }
0x5b: {  	_ =	shalt  }
0x5c: {  	_ =	shalt  }
0x5d: {  	_ =	shalt  }
0x5e: {  	_ =	shalt  }
0x5f: {  	_ =	shalt  }
0x60: {  	_ =	shalt  }
0x61: {  	_ =	shalt  }
0x62: {  	_ =	shalt  }
0x63: {  	_ =	shalt  }
0x64: {  	_ =	shalt  }
0x65: {  	_ =	shalt  }
0x66: {  	_ =	shalt  }
0x67: {  	_ =	shalt  }
0x68: {  	_ =	shalt  }
0x69: {  	_ =	shalt  }
0x6a: {  	_ =	shalt  }
0x6b: {  	_ =	shalt  }
0x6c: {  	_ =	shalt  }
0x6d: {  	_ =	shalt  }
0x6e: {  	_ =	shalt  }
0x6f: {  	_ =	shalt  }
0x70: {  	_ =	shalt  }
0x71: {  	_ =	shalt  }
0x72: {  	_ =	shalt  }
0x73: {  	_ =	shalt  }
0x74: {  	_ =	shalt  }
0x75: {  	_ =	shalt  }
0x76: {  	_ =	shalt  }
0x77: {  	_ =	shalt  }
0x78: {  	_ =	shalt  }
0x79: {  	_ =	shalt  }
0x7a: {  	_ =	shalt  }
0x7b: {  	_ =	shalt  }
0x7c: {  	_ =	shalt  }
0x7d: {  	_ =	shalt  }
0x7e: {  	_ =	shalt  }
0x7f: {  	_ =	shalt  }
0x80: {  	_ =	shalt  }
0x81: {  	_ =	shalt  }
0x82: {  	_ =	shalt  }
0x83: {  	_ =	shalt  }
0x84: {  	_ =	shalt  }
0x85: {  	_ =	shalt  }
0x86: {  	_ =	shalt  }
0x87: {  	_ =	shalt  }
.Lfunc_end0:
.L_simem_size_0:
called_computation_lowered:
.L_overlay_start_0:
0x88: {  	s2 =	sld [smem:$0x3FD9]  }
0x89: {  	s3 =	sld [smem:$0x3FFE];
	_ =	sdelay $0x1  }
0x8a: {  	s1 =	srdreg.scid  }
0x8b: {  	s0 =	sand.u32 $0x1, s1  }
0x8c: {  	s18 =	sshll.u32 s0, $0xA;
	s2 =	sadd.s32 s3, s2  }
0x8d: {  	s2 =	sadd.s32 s2, s18  }
0x8e: {  	[smem:$0x3FC6] =	sst s2  }
0x8f: {  	_ = 	snop  }
0x90: {  	s2 =	sld [smem:$0x3FC9]  }
0x91: {  	s19 =	sld [smem:$0x3FC8]  }
0x92: {  	s4 =	sld [smem:$0x3FD0];
	(tm) =	ssettm $0x1  }
0x93: {  	s5 =	sld [smem:$0x3FFB];
	_ =	sdelay $0x3  }
0x94: {  	_ =	strace s5  }
0x95: {  	s5 =	sld [smem:$0x3FFC];
	_ =	sdelay $0x3  }
0x96: {  	_ =	strace s5  }
0x97: {  	s5 =	sld [smem:$0x3FFD];
	_ =	sdelay $0x3  }
0x98: {  	_ =	strace s5  }
0x99: {  	_ =	strace $0x8FFFFFFF  }
0x9a: {  	s20 =	sld [smem:$0x3FDB];
	_ =	sdelay $0x1  }
0x9b: {  	s6 =	simm.s32 $_scs_section_size  }
0x9c: {  	s7 =	simm.s32 $_size__tile_overlayer_lowered;
	s8 =	simm.s32 $_tile_overlayer_lowered  }
0x9d: {  	s23 =	simm.s32 $0x1BFF;
	s22 =	sshll.u32 s8, $0x1;
	s5 =	sadd.s32 s6, s20  }
0x9e: {  	s9 =	simm.s32 $0x0;
	s21 =	sshll.u32 s7, $0x1;
	s7 =	sadd.s32 s22, s5  }
0x9f: {  	[timem:s9], [sflag:s23] =	dma.local [hbm:s7], s21  }
0xa0: {  	_ =	swait.ge [sflag:s23], s21  }
0xa1: {  	s6 =	ssub.s32 $0x0, s21;
	[sflag:s23] =	ssyncset.done $0x0  }
0xa2: {  	[sflag:s23] =	ssyncadd.s32 s6;
	_ =	sdelay $0x1  }
0xa3: {  	s24 =	simm.s32 $0x1B8B  }
0xa4: {  	_ =	swait.ge [sflag:s24], $0x1  }
0xa5: {  	[sflag:s24] =	ssyncset.done $0x0  }
0xa6: {  	s25 =	simm.s32 $0x1B8E;
	[sflag:s24] =	ssyncadd.s32 $0xFFFFFFFF  }
0xa7: {  	s26 =	simm.s32 $execute0_lowered;
	[smem:$0x3FD2] =	sst s25  }
0xa8: {  	s6 =	sshll.u32 s26, $0x1;
	_ =	strace $0x80000046;
	[dreg:$0x1] =	wrdreg $0xFFFFFFFF  }
0xa9: {  	s28 =	simm.s32 $_size_execute0_lowered;
	s5 =	sadd.s32 s5, s6;
	[dreg:$0x0] =	wrdreg $0x0  }
0xaa: {  	s6 =	sshll.u32 s28, $0x1;
	[dreg:$0x2] =	wrdreg s5  }
0xab: {  	[dreg:$0x3] =	wrdreg s6  }
0xac: {  	[dreg:$0x4] =	wrdreg $0xC0  }
0xad: {  	_ =	task [dreg:s9], $0x5FFFF  }
0xae: {  	[dreg:$0x1] =	wrdreg $0xFFFFFFFF  }
0xaf: {  	[dreg:$0x0] =	wrdreg $0x60  }
0xb0: {  	[dreg:$0x2] =	wrdreg s2  }
0xb1: {  	[dreg:$0x3] =	wrdreg s19  }
0xb2: {  	[dreg:$0x4] =	wrdreg s4  }
0xb3: {  	[dreg:$0x5] =	wrdreg $0x9  }
0xb4: {  	_ =	task.clear_ibuf [dreg:s9], $0x6FFFF;
	_ =	strace $0x90000046  }
0xb5: {  	s29 =	simm.s32 $0x9;
	_ =	strace $0x80000048  }
0xb6: {  	_ =	swait.ge [sflag:s29], $0x1  }
0xb7: {  	[sflag:s29] =	ssyncadd.s32 $0xFFFFFFFF  }
0xb8: {  	_ =	strace $0x90000048  }
0xb9: {  	_ =	sfence  }
0xba: {  	s30 =	sld [smem:$0x0];
	_ =	sdelay $0x2  }
0xbb: {  	s31 =	sshll.u32 s1, $0xD;
	s1 =	sshrl.u32 s1, $0x2  }
0xbc: {  	s3 =	sand.u32 $0x4000, s31;
	s1 =	sadd.s32 s1, s30  }
0xbd: {  	s0 =	sor.u32 s3, s0;
	s1 =	sshll.u32 s1, $0x11  }
0xbe: {  	s0 =	sor.u32 s1, s0  }
0xbf: {  	s0 =	sadd.s32 $0x8F2B, s0  }
0xc0: {  	[sflag:s0] =	ssyncadd.remote.s32 $0x1  }
0xc1: {  	_ =	sfence.sel $0xFFFF  }
0xc2: {  	[dreg:$0x0] =	wrdreg $0xFFFFFFFF;
	(pc) =	sbr.abs _section_cstart, $3  }
0xc3: {  	[dreg:$0x1] =	wrdreg $0xFFFFFFFF  }
0xc4: {  	_ =	task.clear_ibuf [dreg:s9], $0x2FFFF;
	_ =	strace $0x9FFFFFFF  }
0xc5: {  	(tm) =	ssettm $0x7FFFFFFF  }
tec
execute0_lowered:
.L_overlay_start_1:
0x0: {  	(tag) =	ssettag $0x1  }
0x1: {  	s22 =	rddreg [dreg:$0x0]  }
0x2: {  	s0 =	rddreg [dreg:$0x1]  }
0x3: {  	s1 =	rddreg [dreg:$0x2];
	s6 =	stileid.u32  }
0x4: {  	s4 =	srdreg.scid;
	s3 =	simm.s32 $0x0;
	s5 =	sshll.u32 s6, $0x1  }
0x5: {  	s4 =	sand.u32 $0x1, s4;
	s6 =	sshrl.u32 s6, $0x2;
	s5 =	sand.u32 $0x6, s5  }
0x6: {  	s8 =	sshll.u32 s6, $0x4;
	s6 =	sshll.u32 s6, $0x14;
	s5 =	sor.u32 s4, s5  }
0x7: {  	s0 =	sadd.s32 s0, s8;
	s7 =	sshll.u32 s5, $0x11;
	s5 =	sshll.u32 s5, $0x7  }
0x8: {  	[smem:$0x7FF] =	sst s3;
	s6 =	sor.u32 s6, s7;
	s0 =	sadd.s32 s5, s0  }
0x9: {  	_ =	strace $0x80000047;
	s18 =	sadd.s32 s1, s6;
	[dreg:$0x4] =	wrdreg s0  }
0xa: {  	s23 =	sadd.s32 $0x1000, s18;
	[smem:$0x7FA] =	sst s18  }
0xb: {  	s24 =	sadd.s32 $0x2000, s18;
	[dreg:$0x5] =	wrdreg s23  }
0xc: {  	s25 =	sadd.s32 $0x3000, s18;
	[dreg:$0x6] =	wrdreg s24  }
0xd: {  	s26 =	sadd.s32 $0x4000, s18;
	[dreg:$0x7] =	wrdreg s25  }
0xe: {  	s28 =	sadd.s32 $0x5000, s18;
	[dreg:$0x8] =	wrdreg s26  }
0xf: {  	s29 =	sadd.s32 $0x6000, s18;
	[dreg:$0x9] =	wrdreg s28  }
0x10: {  	s30 =	sadd.s32 $0x7000, s18;
	[dreg:$0xa] =	wrdreg s29  }
0x11: {  	s31 =	sadd.s32 $0x8000, s18;
	[dreg:$0xb] =	wrdreg s30  }
0x12: {  	s1 =	sadd.s32 $0x9000, s18;
	[dreg:$0xc] =	wrdreg s31  }
0x13: {  	s2 =	sadd.s32 $0xA000, s18;
	[dreg:$0xd] =	wrdreg s1  }
0x14: {  	s5 =	sadd.s32 $0xB000, s18;
	[dreg:$0xe] =	wrdreg s2  }
0x15: {  	s6 =	sadd.s32 $0xC000, s18;
	[dreg:$0xf] =	wrdreg s5  }
0x16: {  	s7 =	sadd.s32 $0xD000, s18;
	[dreg:$0x10] =	wrdreg s6  }
0x17: {  	s8 =	sadd.s32 $0xE000, s18;
	[dreg:$0x11] =	wrdreg s7  }
0x18: {  	s9 =	sadd.s32 $0xF000, s18;
	[dreg:$0x12] =	wrdreg s8  }
0x19: {  	s11 =	sadd.s32 $0x10000, s18;
	[dreg:$0x13] =	wrdreg s9  }
0x1a: {  	s10 =	ssub.s32 $0x2, s4;
	s12 =	sadd.s32 $0x11000, s18;
	[dreg:$0x14] =	wrdreg s11  }
0x1b: {  	s4 =	sshrl.u32 s10, $0x1;
	s13 =	sadd.s32 $0x12000, s18;
	[dreg:$0x15] =	wrdreg s12  }
0x1c: {  	s14 =	sadd.s32 $0x13000, s18;
	s15 =	sadd.s32 $0x14000, s18;
	[dreg:$0x16] =	wrdreg s13  }
0x1d: {  	s16 =	sadd.s32 $0x15000, s18;
	s17 =	sadd.s32 $0x16000, s18;
	[dreg:$0x17] =	wrdreg s14  }
0x1e: {  	s19 =	sadd.s32 $0x17000, s18;
	s20 =	sadd.s32 $0x18000, s18;
	[dreg:$0x18] =	wrdreg s15  }
0x1f: {  	s21 =	sadd.s32 $0x19000, s18;
	s1 =	ssub.s32 s10, s4;
	[dreg:$0x19] =	wrdreg s16  }
0x20: {  	s5 =	sadd.s32 $0x100, s22;
	s6 =	sadd.s32 $0x200, s22;
	[dreg:$0x1a] =	wrdreg s17  }
0x21: {  	s7 =	sadd.s32 $0x300, s22;
	s8 =	sadd.s32 $0x400, s22;
	[dreg:$0x1b] =	wrdreg s19  }
0x22: {  	s9 =	sadd.s32 $0x500, s22;
	s10 =	sadd.s32 $0x600, s22;
	[dreg:$0x1c] =	wrdreg s20  }
0x23: {  	s11 =	sadd.s32 $0x700, s22;
	s12 =	sadd.s32 $0x800, s22;
	[dreg:$0x1d] =	wrdreg s21  }
0x24: {  	s23 =	sadd.s32 $0x1A000, s18;
	s13 =	sadd.s32 $0x900, s22;
	s24 =	sadd.s32 $0x1B000, s18  }
0x25: {  	s14 =	sadd.s32 $0xA00, s22;
	s25 =	sadd.s32 $0x1C000, s18;
	[dreg:$0x1e] =	wrdreg s23  }
0x26: {  	s15 =	sadd.s32 $0xB00, s22;
	s26 =	sadd.s32 $0x1D000, s18;
	[dreg:$0x1f] =	wrdreg s24  }
0x27: {  	s16 =	sadd.s32 $0xC00, s22;
	s28 =	sadd.s32 $0x1E000, s18;
	[smem:$0x7F7] =	sst s25  }
0x28: {  	s17 =	sadd.s32 $0xD00, s22;
	s29 =	sadd.s32 $0x1F000, s18;
	[smem:$0x7F8] =	sst s26  }
0x29: {  	s18 =	sadd.s32 $0xE00, s22;
	s30 =	simm.s32 $0x80;
	[smem:$0x7F9] =	sst s28  }
0x2a: {  	s19 =	sadd.s32 $0xF00, s22;
	s31 =	simm.s32 $0x200;
	[smem:$0x7FB] =	sst s29  }
0x2b: {  	v0 =	vlaneseq.u32;
	s21 =	simm.s32 $0x2;
	s4 =	simm.s32 $0x4;
	[smem:$0x7FC] =	sst s30  }
0x2c: {  	v1 =	vshrl.u32 v0, $0x3;
	s20 =	smax.u32 s1, $0x1;
	[smem:$0x7FD] =	sst s31;
	s1 =	simm.s32 $0x1  }
0x2d: {  	vm0 =	vmmov $0xffff;
	v0 =	vand.u32 $0x7, v0;
	v1 =	vmul.u32 $0x8, v1;
	s23 =	simm.s32 $0x3;
	s24 =	simm.s32 $0x5;
	s25 =	simm.s32 $0x6  }
.LBB2_1:
0x2e: {  	s29 =	sld [smem:$0x7FC]  }
0x2f: {  	s30 =	sld [smem:$0x7FD];
	_ =	sdelay $0x1  }
0x30: {  	s28 =	rddreg [dreg:$0x4]  }
0x31: {  	[tilespmem:s3], [sflag:$0x7] =	stream.strided.gather [hbm4b:s28+s29], $0x100, s30, s29, $0x38;
	[tilespmem:$0x18100] =	vst v63  }
0x32: {  	[smem:$0x7F6] =	sst s20;
	s29 =	simm.s32 $0x7  }
0x33: {  	_ =	swait.ge [sflag:s29], $0x100  }
0x34: {  	[sflag:s29] =	ssyncset.done $0x0  }
0x35: {  	[sflag:s29] =	ssyncadd.s32 $0xFFFFFF00  }
0x36: {  	v2 =	vld.msk [tilespmem:$0x0], $0xff;
	_ =	sdelay $0x4  }
0x37: {  	v3 =	vshll.u32 v2, $0x5  }
0x38: {  	v2 =	vand.u32 $0x7, v2;
	v3 =	vand.u32 $0xFFFFFF00, v3  }
0x39: {  	v2 =	vor.u32 v2, v3  }
0x3a: {  	v2 =	vperm.xlane v2, v0;
	_ =	sdelay $0x1  }
0x3b: {  	v2 =	vadd.s32 v1, v2;
	_ =	sdelay $0x3  }
0x3c: {  	s0 =	simm.s32 $0x100  }
0x3d: {  	[tilespmem:s0], [sflag:$0x1] =	stream.indirect_vreg.gather [hbm4b:s22+s3], $0x80, v2, vm0, $0xb8;
	[tilespmem:$0x18100] =	vst v63  }
0x3e: {  	s30 =	simm.s32 $0x900  }
0x3f: {  	[tilespmem:s30], [sflag:$0x1] =	stream.indirect_vreg.gather [hbm4b:s5+s3], $0x80, v2, vm0, $0xb8;
	[tilespmem:$0x18100] =	vst v63  }
0x40: {  	s31 =	simm.s32 $0x1100  }
0x41: {  	[tilespmem:s31], [sflag:$0x1] =	stream.indirect_vreg.gather [hbm4b:s6+s3], $0x80, v2, vm0, $0xb8;
	[tilespmem:$0x18100] =	vst v63  }
0x42: {  	s0 =	simm.s32 $0x1900  }
0x43: {  	[tilespmem:s0], [sflag:$0x1] =	stream.indirect_vreg.gather [hbm4b:s7+s3], $0x80, v2, vm0, $0xb8;
	[tilespmem:$0x18100] =	vst v63  }
0x44: {  	s2 =	simm.s32 $0x2100  }
0x45: {  	[tilespmem:s2], [sflag:$0x1] =	stream.indirect_vreg.gather [hbm4b:s8+s3], $0x80, v2, vm0, $0xb8;
	[tilespmem:$0x18100] =	vst v63  }
0x46: {  	s26 =	simm.s32 $0x2900  }
0x47: {  	[tilespmem:s26], [sflag:$0x1] =	stream.indirect_vreg.gather [hbm4b:s9+s3], $0x80, v2, vm0, $0xb8;
	[tilespmem:$0x18100] =	vst v63  }
0x48: {  	s28 =	simm.s32 $0x3100  }
0x49: {  	[tilespmem:s28], [sflag:$0x1] =	stream.indirect_vreg.gather [hbm4b:s10+s3], $0x80, v2, vm0, $0xb8;
	[tilespmem:$0x18100] =	vst v63  }
0x4a: {  	s29 =	simm.s32 $0x3900  }
0x4b: {  	[tilespmem:s29], [sflag:$0x1] =	stream.indirect_vreg.gather [hbm4b:s11+s3], $0x80, v2, vm0, $0xb8;
	[tilespmem:$0x18100] =	vst v63  }
0x4c: {  	s30 =	simm.s32 $0x4100  }
0x4d: {  	[tilespmem:s30], [sflag:$0x1] =	stream.indirect_vreg.gather [hbm4b:s12+s3], $0x80, v2, vm0, $0xb8;
	[tilespmem:$0x18100] =	vst v63  }
0x4e: {  	s31 =	simm.s32 $0x4900  }
0x4f: {  	[tilespmem:s31], [sflag:$0x1] =	stream.indirect_vreg.gather [hbm4b:s13+s3], $0x80, v2, vm0, $0xb8;
	[tilespmem:$0x18100] =	vst v63  }
0x50: {  	s0 =	simm.s32 $0x5100  }
0x51: {  	[tilespmem:s0], [sflag:$0x1] =	stream.indirect_vreg.gather [hbm4b:s14+s3], $0x80, v2, vm0, $0xb8;
	[tilespmem:$0x18100] =	vst v63  }
0x52: {  	s2 =	simm.s32 $0x5900  }
0x53: {  	[tilespmem:s2], [sflag:$0x1] =	stream.indirect_vreg.gather [hbm4b:s15+s3], $0x80, v2, vm0, $0xb8;
	[tilespmem:$0x18100] =	vst v63  }
0x54: {  	s26 =	simm.s32 $0x6100  }
0x55: {  	[tilespmem:s26], [sflag:$0x1] =	stream.indirect_vreg.gather [hbm4b:s16+s3], $0x80, v2, vm0, $0xb8;
	[tilespmem:$0x18100] =	vst v63  }
0x56: {  	s28 =	simm.s32 $0x6900  }
0x57: {  	[tilespmem:s28], [sflag:$0x1] =	stream.indirect_vreg.gather [hbm4b:s17+s3], $0x80, v2, vm0, $0xb8;
	[tilespmem:$0x18100] =	vst v63  }
0x58: {  	s29 =	simm.s32 $0x7100  }
0x59: {  	[tilespmem:s29], [sflag:$0x1] =	stream.indirect_vreg.gather [hbm4b:s18+s3], $0x80, v2, vm0, $0xb8;
	[tilespmem:$0x18100] =	vst v63  }
0x5a: {  	s30 =	simm.s32 $0x7900  }
0x5b: {  	[tilespmem:s30], [sflag:$0x1] =	stream.indirect_vreg.gather [hbm4b:s19+s3], $0x80, v2, vm0, $0xb8;
	[tilespmem:$0x18100] =	vst v63  }
0x5c: {  	v2 =	vld.msk [tilespmem:$0x8], $0xff;
	_ =	sdelay $0x4  }
0x5d: {  	v3 =	vshll.u32 v2, $0x5  }
0x5e: {  	v2 =	vand.u32 $0x7, v2;
	v3 =	vand.u32 $0xFFFFFF00, v3  }
0x5f: {  	v2 =	vor.u32 v2, v3  }
0x60: {  	v2 =	vperm.xlane v2, v0;
	_ =	sdelay $0x1  }
0x61: {  	v2 =	vadd.s32 v1, v2;
	_ =	sdelay $0x3  }
0x62: {  	s31 =	simm.s32 $0x8100  }
0x63: {  	[tilespmem:s31], [sflag:$0x2] =	stream.indirect_vreg.gather [hbm4b:s22+s3], $0x80, v2, vm0, $0xb8;
	[tilespmem:$0x18100] =	vst v63  }
0x64: {  	s2 =	simm.s32 $0x8900  }
0x65: {  	[tilespmem:s2], [sflag:$0x2] =	stream.indirect_vreg.gather [hbm4b:s5+s3], $0x80, v2, vm0, $0xb8;
	[tilespmem:$0x18100] =	vst v63  }
0x66: {  	s26 =	simm.s32 $0x9100  }
0x67: {  	[tilespmem:s26], [sflag:$0x2] =	stream.indirect_vreg.gather [hbm4b:s6+s3], $0x80, v2, vm0, $0xb8;
	[tilespmem:$0x18100] =	vst v63  }
0x68: {  	s30 =	simm.s32 $0x9900  }
0x69: {  	[tilespmem:s30], [sflag:$0x2] =	stream.indirect_vreg.gather [hbm4b:s7+s3], $0x80, v2, vm0, $0xb8;
	[tilespmem:$0x18100] =	vst v63  }
0x6a: {  	s31 =	simm.s32 $0xA100  }
0x6b: {  	[tilespmem:s31], [sflag:$0x2] =	stream.indirect_vreg.gather [hbm4b:s8+s3], $0x80, v2, vm0, $0xb8;
	[tilespmem:$0x18100] =	vst v63  }
0x6c: {  	s0 =	simm.s32 $0xA900  }
0x6d: {  	[tilespmem:s0], [sflag:$0x2] =	stream.indirect_vreg.gather [hbm4b:s9+s3], $0x80, v2, vm0, $0xb8;
	[tilespmem:$0x18100] =	vst v63  }
0x6e: {  	s2 =	simm.s32 $0xB100  }
0x6f: {  	[tilespmem:s2], [sflag:$0x2] =	stream.indirect_vreg.gather [hbm4b:s10+s3], $0x80, v2, vm0, $0xb8;
	[tilespmem:$0x18100] =	vst v63  }
0x70: {  	s26 =	simm.s32 $0xB900  }
0x71: {  	[tilespmem:s26], [sflag:$0x2] =	stream.indirect_vreg.gather [hbm4b:s11+s3], $0x80, v2, vm0, $0xb8;
	[tilespmem:$0x18100] =	vst v63  }
0x72: {  	s30 =	simm.s32 $0xC100  }
0x73: {  	[tilespmem:s30], [sflag:$0x2] =	stream.indirect_vreg.gather [hbm4b:s12+s3], $0x80, v2, vm0, $0xb8;
	[tilespmem:$0x18100] =	vst v63  }
0x74: {  	s31 =	simm.s32 $0xC900  }
0x75: {  	[tilespmem:s31], [sflag:$0x2] =	stream.indirect_vreg.gather [hbm4b:s13+s3], $0x80, v2, vm0, $0xb8;
	[tilespmem:$0x18100] =	vst v63  }
0x76: {  	s0 =	simm.s32 $0xD100  }
0x77: {  	[tilespmem:s0], [sflag:$0x2] =	stream.indirect_vreg.gather [hbm4b:s14+s3], $0x80, v2, vm0, $0xb8;
	[tilespmem:$0x18100] =	vst v63  }
0x78: {  	s2 =	simm.s32 $0xD900  }
0x79: {  	[tilespmem:s2], [sflag:$0x2] =	stream.indirect_vreg.gather [hbm4b:s15+s3], $0x80, v2, vm0, $0xb8;
	[tilespmem:$0x18100] =	vst v63  }
0x7a: {  	s26 =	simm.s32 $0xE100  }
0x7b: {  	[tilespmem:s26], [sflag:$0x2] =	stream.indirect_vreg.gather [hbm4b:s16+s3], $0x80, v2, vm0, $0xb8;
	[tilespmem:$0x18100] =	vst v63  }
0x7c: {  	s30 =	simm.s32 $0xE900  }
0x7d: {  	[tilespmem:s30], [sflag:$0x2] =	stream.indirect_vreg.gather [hbm4b:s17+s3], $0x80, v2, vm0, $0xb8;
	[tilespmem:$0x18100] =	vst v63  }
0x7e: {  	s31 =	simm.s32 $0xF100  }
0x7f: {  	[tilespmem:s31], [sflag:$0x2] =	stream.indirect_vreg.gather [hbm4b:s18+s3], $0x80, v2, vm0, $0xb8;
	[tilespmem:$0x18100] =	vst v63  }
0x80: {  	s0 =	simm.s32 $0xF900  }
0x81: {  	[tilespmem:s0], [sflag:$0x2] =	stream.indirect_vreg.gather [hbm4b:s19+s3], $0x80, v2, vm0, $0xb8;
	[tilespmem:$0x18100] =	vst v63  }
0x82: {  	v2 =	vld.msk [tilespmem:$0x10], $0xff;
	_ =	sdelay $0x4  }
0x83: {  	v3 =	vshll.u32 v2, $0x5  }
0x84: {  	v2 =	vand.u32 $0x7, v2;
	v3 =	vand.u32 $0xFFFFFF00, v3  }
0x85: {  	v2 =	vor.u32 v2, v3  }
0x86: {  	v2 =	vperm.xlane v2, v0;
	_ =	sdelay $0x1  }
0x87: {  	v2 =	vadd.s32 v1, v2;
	_ =	sdelay $0x3  }
0x88: {  	s2 =	simm.s32 $0x10100  }
0x89: {  	[tilespmem:s2], [sflag:$0x3] =	stream.indirect_vreg.gather [hbm4b:s22+s3], $0x80, v2, vm0, $0xb8;
	[tilespmem:$0x18100] =	vst v63  }
0x8a: {  	s26 =	simm.s32 $0x10900  }
0x8b: {  	[tilespmem:s26], [sflag:$0x3] =	stream.indirect_vreg.gather [hbm4b:s5+s3], $0x80, v2, vm0, $0xb8;
	[tilespmem:$0x18100] =	vst v63  }
0x8c: {  	s28 =	simm.s32 $0x11100  }
0x8d: {  	[tilespmem:s28], [sflag:$0x3] =	stream.indirect_vreg.gather [hbm4b:s6+s3], $0x80, v2, vm0, $0xb8;
	[tilespmem:$0x18100] =	vst v63  }
0x8e: {  	s30 =	simm.s32 $0x11900  }
0x8f: {  	[tilespmem:s30], [sflag:$0x3] =	stream.indirect_vreg.gather [hbm4b:s7+s3], $0x80, v2, vm0, $0xb8;
	[tilespmem:$0x18100] =	vst v63  }
0x90: {  	s31 =	simm.s32 $0x12100  }
0x91: {  	[tilespmem:s31], [sflag:$0x3] =	stream.indirect_vreg.gather [hbm4b:s8+s3], $0x80, v2, vm0, $0xb8;
	[tilespmem:$0x18100] =	vst v63  }
0x92: {  	s2 =	simm.s32 $0x12900  }
0x93: {  	[tilespmem:s2], [sflag:$0x3] =	stream.indirect_vreg.gather [hbm4b:s9+s3], $0x80, v2, vm0, $0xb8;
	[tilespmem:$0x18100] =	vst v63  }
0x94: {  	s26 =	simm.s32 $0x13100  }
0x95: {  	[tilespmem:s26], [sflag:$0x3] =	stream.indirect_vreg.gather [hbm4b:s10+s3], $0x80, v2, vm0, $0xb8;
	[tilespmem:$0x18100] =	vst v63  }
0x96: {  	s28 =	simm.s32 $0x13900  }
0x97: {  	[tilespmem:s28], [sflag:$0x3] =	stream.indirect_vreg.gather [hbm4b:s11+s3], $0x80, v2, vm0, $0xb8;
	[tilespmem:$0x18100] =	vst v63  }
0x98: {  	s30 =	simm.s32 $0x14100  }
0x99: {  	[tilespmem:s30], [sflag:$0x3] =	stream.indirect_vreg.gather [hbm4b:s12+s3], $0x80, v2, vm0, $0xb8;
	[tilespmem:$0x18100] =	vst v63  }
0x9a: {  	s31 =	simm.s32 $0x14900  }
0x9b: {  	[tilespmem:s31], [sflag:$0x3] =	stream.indirect_vreg.gather [hbm4b:s13+s3], $0x80, v2, vm0, $0xb8;
	[tilespmem:$0x18100] =	vst v63  }
0x9c: {  	s2 =	simm.s32 $0x15100  }
0x9d: {  	[tilespmem:s2], [sflag:$0x3] =	stream.indirect_vreg.gather [hbm4b:s14+s3], $0x80, v2, vm0, $0xb8;
	[tilespmem:$0x18100] =	vst v63  }
0x9e: {  	s26 =	simm.s32 $0x15900  }
0x9f: {  	[tilespmem:s26], [sflag:$0x3] =	stream.indirect_vreg.gather [hbm4b:s15+s3], $0x80, v2, vm0, $0xb8;
	[tilespmem:$0x18100] =	vst v63  }
0xa0: {  	s28 =	simm.s32 $0x16100  }
0xa1: {  	[tilespmem:s28], [sflag:$0x3] =	stream.indirect_vreg.gather [hbm4b:s16+s3], $0x80, v2, vm0, $0xb8;
	[tilespmem:$0x18100] =	vst v63  }
0xa2: {  	s30 =	simm.s32 $0x16900  }
0xa3: {  	[tilespmem:s30], [sflag:$0x3] =	stream.indirect_vreg.gather [hbm4b:s17+s3], $0x80, v2, vm0, $0xb8;
	[tilespmem:$0x18100] =	vst v63  }
0xa4: {  	s31 =	simm.s32 $0x17100  }
0xa5: {  	[tilespmem:s31], [sflag:$0x3] =	stream.indirect_vreg.gather [hbm4b:s18+s3], $0x80, v2, vm0, $0xb8;
	[tilespmem:$0x18100] =	vst v63  }
0xa6: {  	s2 =	simm.s32 $0x17900  }
0xa7: {  	[tilespmem:s2], [sflag:$0x3] =	stream.indirect_vreg.gather [hbm4b:s19+s3], $0x80, v2, vm0, $0xb8;
	[tilespmem:$0x18100] =	vst v63  }
0xa8: {  	_ =	swait.ge [sflag:s1], $0x8000  }
0xa9: {  	s26 =	sld [smem:$0x7FA]  }
0xaa: {  	[sflag:s1] =	ssyncset.done $0x0  }
0xab: {  	s30 =	simm.s32 $0x100;
	[sflag:s1] =	ssyncadd.s32 $0xFFFF8000  }
0xac: {  	[hbm4b:s26+s3] =	stream.linear.scatter [tilespmem:s30], [sflag:$0x4], $0x8000, $0x38;
	[tilespmem:$0x18100] =	vst v63  }
0xad: {  	_ =	swait.ge [sflag:s21], $0x8000  }
0xae: {  	[sflag:s21] =	ssyncset.done $0x0  }
0xaf: {  	s20 =	simm.s32 $0x8100;
	s31 =	rddreg [dreg:$0x5];
	[sflag:s21] =	ssyncadd.s32 $0xFFFF8000  }
0xb0: {  	[hbm4b:s31+s3] =	stream.linear.scatter [tilespmem:s20], [sflag:$0x5], $0x8000, $0x38;
	[tilespmem:$0x18100] =	vst v63  }
0xb1: {  	_ =	swait.ge [sflag:s4], $0x8000  }
0xb2: {  	[sflag:s4] =	ssyncset.done $0x0  }
0xb3: {  	[sflag:s4] =	ssyncadd.s32 $0xFFFF8000  }
0xb4: {  	v2 =	vld.msk [tilespmem:$0x18], $0xff;
	_ =	sdelay $0x4  }
0xb5: {  	v3 =	vshll.u32 v2, $0x5  }
0xb6: {  	v2 =	vand.u32 $0x7, v2;
	v3 =	vand.u32 $0xFFFFFF00, v3  }
0xb7: {  	v2 =	vor.u32 v2, v3  }
0xb8: {  	v2 =	vperm.xlane v2, v0;
	_ =	sdelay $0x1  }
0xb9: {  	v2 =	vadd.s32 v1, v2;
	_ =	sdelay $0x4  }
0xba: {  	[tilespmem:s30], [sflag:$0x1] =	stream.indirect_vreg.gather [hbm4b:s22+s3], $0x80, v2, vm0, $0xb8;
	[tilespmem:$0x18100] =	vst v63  }
0xbb: {  	s2 =	simm.s32 $0x900  }
0xbc: {  	[tilespmem:s2], [sflag:$0x1] =	stream.indirect_vreg.gather [hbm4b:s5+s3], $0x80, v2, vm0, $0xb8;
	[tilespmem:$0x18100] =	vst v63  }
0xbd: {  	s26 =	simm.s32 $0x1100  }
0xbe: {  	[tilespmem:s26], [sflag:$0x1] =	stream.indirect_vreg.gather [hbm4b:s6+s3], $0x80, v2, vm0, $0xb8;
	[tilespmem:$0x18100] =	vst v63  }
0xbf: {  	s31 =	simm.s32 $0x1900  }
0xc0: {  	[tilespmem:s31], [sflag:$0x1] =	stream.indirect_vreg.gather [hbm4b:s7+s3], $0x80, v2, vm0, $0xb8;
	[tilespmem:$0x18100] =	vst v63  }
0xc1: {  	s28 =	simm.s32 $0x2100  }
0xc2: {  	[tilespmem:s28], [sflag:$0x1] =	stream.indirect_vreg.gather [hbm4b:s8+s3], $0x80, v2, vm0, $0xb8;
	[tilespmem:$0x18100] =	vst v63  }
0xc3: {  	s30 =	simm.s32 $0x2900  }
0xc4: {  	[tilespmem:s30], [sflag:$0x1] =	stream.indirect_vreg.gather [hbm4b:s9+s3], $0x80, v2, vm0, $0xb8;
	[tilespmem:$0x18100] =	vst v63  }
0xc5: {  	s26 =	simm.s32 $0x3100  }
0xc6: {  	[tilespmem:s26], [sflag:$0x1] =	stream.indirect_vreg.gather [hbm4b:s10+s3], $0x80, v2, vm0, $0xb8;
	[tilespmem:$0x18100] =	vst v63  }
0xc7: {  	s30 =	simm.s32 $0x3900  }
0xc8: {  	[tilespmem:s30], [sflag:$0x1] =	stream.indirect_vreg.gather [hbm4b:s11+s3], $0x80, v2, vm0, $0xb8;
	[tilespmem:$0x18100] =	vst v63  }
0xc9: {  	s2 =	simm.s32 $0x4100  }
0xca: {  	[tilespmem:s2], [sflag:$0x1] =	stream.indirect_vreg.gather [hbm4b:s12+s3], $0x80, v2, vm0, $0xb8;
	[tilespmem:$0x18100] =	vst v63  }
0xcb: {  	s28 =	simm.s32 $0x4900  }
0xcc: {  	[tilespmem:s28], [sflag:$0x1] =	stream.indirect_vreg.gather [hbm4b:s13+s3], $0x80, v2, vm0, $0xb8;
	[tilespmem:$0x18100] =	vst v63  }
0xcd: {  	s2 =	simm.s32 $0x5100  }
0xce: {  	[tilespmem:s2], [sflag:$0x1] =	stream.indirect_vreg.gather [hbm4b:s14+s3], $0x80, v2, vm0, $0xb8;
	[tilespmem:$0x18100] =	vst v63  }
0xcf: {  	s28 =	simm.s32 $0x5900  }
0xd0: {  	[tilespmem:s28], [sflag:$0x1] =	stream.indirect_vreg.gather [hbm4b:s15+s3], $0x80, v2, vm0, $0xb8;
	[tilespmem:$0x18100] =	vst v63  }
0xd1: {  	s2 =	simm.s32 $0x6100  }
0xd2: {  	[tilespmem:s2], [sflag:$0x1] =	stream.indirect_vreg.gather [hbm4b:s16+s3], $0x80, v2, vm0, $0xb8;
	[tilespmem:$0x18100] =	vst v63  }
0xd3: {  	s28 =	simm.s32 $0x6900  }
0xd4: {  	[tilespmem:s28], [sflag:$0x1] =	stream.indirect_vreg.gather [hbm4b:s17+s3], $0x80, v2, vm0, $0xb8;
	[tilespmem:$0x18100] =	vst v63  }
0xd5: {  	s2 =	simm.s32 $0x7100  }
0xd6: {  	[tilespmem:s2], [sflag:$0x1] =	stream.indirect_vreg.gather [hbm4b:s18+s3], $0x80, v2, vm0, $0xb8;
	[tilespmem:$0x18100] =	vst v63  }
0xd7: {  	s28 =	simm.s32 $0x7900  }
0xd8: {  	[tilespmem:s28], [sflag:$0x1] =	stream.indirect_vreg.gather [hbm4b:s19+s3], $0x80, v2, vm0, $0xb8;
	[tilespmem:$0x18100] =	vst v63  }
0xd9: {  	_ =	swait.ge [sflag:s23], $0x8000  }
0xda: {  	[sflag:s23] =	ssyncset.done $0x0  }
0xdb: {  	s2 =	simm.s32 $0x10100;
	s0 =	rddreg [dreg:$0x6];
	[sflag:s23] =	ssyncadd.s32 $0xFFFF8000  }
0xdc: {  	[hbm4b:s0+s3] =	stream.linear.scatter [tilespmem:s2], [sflag:$0x6], $0x8000, $0x38;
	[tilespmem:$0x18100] =	vst v63  }
0xdd: {  	_ =	swait.ge [sflag:s24], $0x8000  }
0xde: {  	[sflag:s24] =	ssyncset.done $0x0  }
0xdf: {  	[sflag:s24] =	ssyncadd.s32 $0xFFFF8000  }
0xe0: {  	v2 =	vld.msk [tilespmem:$0x20], $0xff;
	_ =	sdelay $0x4  }
0xe1: {  	v3 =	vshll.u32 v2, $0x5  }
0xe2: {  	v2 =	vand.u32 $0x7, v2;
	v3 =	vand.u32 $0xFFFFFF00, v3  }
0xe3: {  	v2 =	vor.u32 v2, v3  }
0xe4: {  	v2 =	vperm.xlane v2, v0;
	_ =	sdelay $0x1  }
0xe5: {  	v2 =	vadd.s32 v1, v2;
	_ =	sdelay $0x3  }
0xe6: {  	s0 =	simm.s32 $0x8100  }
0xe7: {  	[tilespmem:s0], [sflag:$0x2] =	stream.indirect_vreg.gather [hbm4b:s22+s3], $0x80, v2, vm0, $0xb8;
	[tilespmem:$0x18100] =	vst v63  }
0xe8: {  	s29 =	simm.s32 $0x8900  }
0xe9: {  	[tilespmem:s29], [sflag:$0x2] =	stream.indirect_vreg.gather [hbm4b:s5+s3], $0x80, v2, vm0, $0xb8;
	[tilespmem:$0x18100] =	vst v63  }
0xea: {  	s29 =	simm.s32 $0x9100  }
0xeb: {  	[tilespmem:s29], [sflag:$0x2] =	stream.indirect_vreg.gather [hbm4b:s6+s3], $0x80, v2, vm0, $0xb8;
	[tilespmem:$0x18100] =	vst v63  }
0xec: {  	s29 =	simm.s32 $0x9900  }
0xed: {  	[tilespmem:s29], [sflag:$0x2] =	stream.indirect_vreg.gather [hbm4b:s7+s3], $0x80, v2, vm0, $0xb8;
	[tilespmem:$0x18100] =	vst v63  }
0xee: {  	s29 =	simm.s32 $0xA100  }
0xef: {  	[tilespmem:s29], [sflag:$0x2] =	stream.indirect_vreg.gather [hbm4b:s8+s3], $0x80, v2, vm0, $0xb8;
	[tilespmem:$0x18100] =	vst v63  }
0xf0: {  	s29 =	simm.s32 $0xA900  }
0xf1: {  	[tilespmem:s29], [sflag:$0x2] =	stream.indirect_vreg.gather [hbm4b:s9+s3], $0x80, v2, vm0, $0xb8;
	[tilespmem:$0x18100] =	vst v63  }
0xf2: {  	s29 =	simm.s32 $0xB100  }
0xf3: {  	[tilespmem:s29], [sflag:$0x2] =	stream.indirect_vreg.gather [hbm4b:s10+s3], $0x80, v2, vm0, $0xb8;
	[tilespmem:$0x18100] =	vst v63  }
0xf4: {  	s29 =	simm.s32 $0xB900  }
0xf5: {  	[tilespmem:s29], [sflag:$0x2] =	stream.indirect_vreg.gather [hbm4b:s11+s3], $0x80, v2, vm0, $0xb8;
	[tilespmem:$0x18100] =	vst v63  }
0xf6: {  	s29 =	simm.s32 $0xC100  }
0xf7: {  	[tilespmem:s29], [sflag:$0x2] =	stream.indirect_vreg.gather [hbm4b:s12+s3], $0x80, v2, vm0, $0xb8;
	[tilespmem:$0x18100] =	vst v63  }
0xf8: {  	s29 =	simm.s32 $0xC900  }
0xf9: {  	[tilespmem:s29], [sflag:$0x2] =	stream.indirect_vreg.gather [hbm4b:s13+s3], $0x80, v2, vm0, $0xb8;
	[tilespmem:$0x18100] =	vst v63  }
0xfa: {  	s29 =	simm.s32 $0xD100  }
0xfb: {  	[tilespmem:s29], [sflag:$0x2] =	stream.indirect_vreg.gather [hbm4b:s14+s3], $0x80, v2, vm0, $0xb8;
	[tilespmem:$0x18100] =	vst v63  }
0xfc: {  	s29 =	simm.s32 $0xD900  }
0xfd: {  	[tilespmem:s29], [sflag:$0x2] =	stream.indirect_vreg.gather [hbm4b:s15+s3], $0x80, v2, vm0, $0xb8;
	[tilespmem:$0x18100] =	vst v63  }
0xfe: {  	s29 =	simm.s32 $0xE100  }
0xff: {  	[tilespmem:s29], [sflag:$0x2] =	stream.indirect_vreg.gather [hbm4b:s16+s3], $0x80, v2, vm0, $0xb8;
	[tilespmem:$0x18100] =	vst v63  }
0x100: {  	s29 =	simm.s32 $0xE900  }
0x101: {  	[tilespmem:s29], [sflag:$0x2] =	stream.indirect_vreg.gather [hbm4b:s17+s3], $0x80, v2, vm0, $0xb8;
	[tilespmem:$0x18100] =	vst v63  }
0x102: {  	s29 =	simm.s32 $0xF100  }
0x103: {  	[tilespmem:s29], [sflag:$0x2] =	stream.indirect_vreg.gather [hbm4b:s18+s3], $0x80, v2, vm0, $0xb8;
	[tilespmem:$0x18100] =	vst v63  }
0x104: {  	s29 =	simm.s32 $0xF900  }
0x105: {  	[tilespmem:s29], [sflag:$0x2] =	stream.indirect_vreg.gather [hbm4b:s19+s3], $0x80, v2, vm0, $0xb8;
	[tilespmem:$0x18100] =	vst v63  }
0x106: {  	_ =	swait.ge [sflag:s1], $0x8000  }
0x107: {  	[sflag:s1] =	ssyncset.done $0x0  }
0x108: {  	s20 =	simm.s32 $0x100;
	s29 =	rddreg [dreg:$0x7];
	[sflag:s1] =	ssyncadd.s32 $0xFFFF8000  }
0x109: {  	[hbm4b:s29+s3] =	stream.linear.scatter [tilespmem:s20], [sflag:$0x4], $0x8000, $0x38;
	[tilespmem:$0x18100] =	vst v63  }
0x10a: {  	_ =	swait.ge [sflag:s25], $0x8000  }
0x10b: {  	[sflag:s25] =	ssyncset.done $0x0  }
0x10c: {  	[sflag:s25] =	ssyncadd.s32 $0xFFFF8000  }
0x10d: {  	v2 =	vld.msk [tilespmem:$0x28], $0xff;
	_ =	sdelay $0x4  }
0x10e: {  	v3 =	vshll.u32 v2, $0x5  }
0x10f: {  	v2 =	vand.u32 $0x7, v2;
	v3 =	vand.u32 $0xFFFFFF00, v3  }
0x110: {  	v2 =	vor.u32 v2, v3  }
0x111: {  	v2 =	vperm.xlane v2, v0;
	_ =	sdelay $0x1  }
0x112: {  	v2 =	vadd.s32 v1, v2;
	_ =	sdelay $0x4  }
0x113: {  	[tilespmem:s2], [sflag:$0x3] =	stream.indirect_vreg.gather [hbm4b:s22+s3], $0x80, v2, vm0, $0xb8;
	[tilespmem:$0x18100] =	vst v63  }
0x114: {  	s29 =	simm.s32 $0x10900  }
0x115: {  	[tilespmem:s29], [sflag:$0x3] =	stream.indirect_vreg.gather [hbm4b:s5+s3], $0x80, v2, vm0, $0xb8;
	[tilespmem:$0x18100] =	vst v63  }
0x116: {  	s28 =	simm.s32 $0x11100  }
0x117: {  	[tilespmem:s28], [sflag:$0x3] =	stream.indirect_vreg.gather [hbm4b:s6+s3], $0x80, v2, vm0, $0xb8;
	[tilespmem:$0x18100] =	vst v63  }
0x118: {  	s28 =	simm.s32 $0x11900  }
0x119: {  	[tilespmem:s28], [sflag:$0x3] =	stream.indirect_vreg.gather [hbm4b:s7+s3], $0x80, v2, vm0, $0xb8;
	[tilespmem:$0x18100] =	vst v63  }
0x11a: {  	s28 =	simm.s32 $0x12100  }
0x11b: {  	[tilespmem:s28], [sflag:$0x3] =	stream.indirect_vreg.gather [hbm4b:s8+s3], $0x80, v2, vm0, $0xb8;
	[tilespmem:$0x18100] =	vst v63  }
0x11c: {  	s28 =	simm.s32 $0x12900  }
0x11d: {  	[tilespmem:s28], [sflag:$0x3] =	stream.indirect_vreg.gather [hbm4b:s9+s3], $0x80, v2, vm0, $0xb8;
	[tilespmem:$0x18100] =	vst v63  }
0x11e: {  	s28 =	simm.s32 $0x13100  }
0x11f: {  	[tilespmem:s28], [sflag:$0x3] =	stream.indirect_vreg.gather [hbm4b:s10+s3], $0x80, v2, vm0, $0xb8;
	[tilespmem:$0x18100] =	vst v63  }
0x120: {  	s28 =	simm.s32 $0x13900  }
0x121: {  	[tilespmem:s28], [sflag:$0x3] =	stream.indirect_vreg.gather [hbm4b:s11+s3], $0x80, v2, vm0, $0xb8;
	[tilespmem:$0x18100] =	vst v63  }
0x122: {  	s28 =	simm.s32 $0x14100  }
0x123: {  	[tilespmem:s28], [sflag:$0x3] =	stream.indirect_vreg.gather [hbm4b:s12+s3], $0x80, v2, vm0, $0xb8;
	[tilespmem:$0x18100] =	vst v63  }
0x124: {  	s28 =	simm.s32 $0x14900  }
0x125: {  	[tilespmem:s28], [sflag:$0x3] =	stream.indirect_vreg.gather [hbm4b:s13+s3], $0x80, v2, vm0, $0xb8;
	[tilespmem:$0x18100] =	vst v63  }
0x126: {  	s28 =	simm.s32 $0x15100  }
0x127: {  	[tilespmem:s28], [sflag:$0x3] =	stream.indirect_vreg.gather [hbm4b:s14+s3], $0x80, v2, vm0, $0xb8;
	[tilespmem:$0x18100] =	vst v63  }
0x128: {  	s28 =	simm.s32 $0x15900  }
0x129: {  	[tilespmem:s28], [sflag:$0x3] =	stream.indirect_vreg.gather [hbm4b:s15+s3], $0x80, v2, vm0, $0xb8;
	[tilespmem:$0x18100] =	vst v63  }
0x12a: {  	s28 =	simm.s32 $0x16100  }
0x12b: {  	[tilespmem:s28], [sflag:$0x3] =	stream.indirect_vreg.gather [hbm4b:s16+s3], $0x80, v2, vm0, $0xb8;
	[tilespmem:$0x18100] =	vst v63  }
0x12c: {  	s28 =	simm.s32 $0x16900  }
0x12d: {  	[tilespmem:s28], [sflag:$0x3] =	stream.indirect_vreg.gather [hbm4b:s17+s3], $0x80, v2, vm0, $0xb8;
	[tilespmem:$0x18100] =	vst v63  }
0x12e: {  	s28 =	simm.s32 $0x17100  }
0x12f: {  	[tilespmem:s28], [sflag:$0x3] =	stream.indirect_vreg.gather [hbm4b:s18+s3], $0x80, v2, vm0, $0xb8;
	[tilespmem:$0x18100] =	vst v63  }
0x130: {  	s28 =	simm.s32 $0x17900  }
0x131: {  	[tilespmem:s28], [sflag:$0x3] =	stream.indirect_vreg.gather [hbm4b:s19+s3], $0x80, v2, vm0, $0xb8;
	[tilespmem:$0x18100] =	vst v63  }
0x132: {  	_ =	swait.ge [sflag:s21], $0x8000  }
0x133: {  	[sflag:s21] =	ssyncset.done $0x0  }
0x134: {  	s28 =	rddreg [dreg:$0x8];
	[sflag:s21] =	ssyncadd.s32 $0xFFFF8000  }
0x135: {  	[hbm4b:s28+s3] =	stream.linear.scatter [tilespmem:s0], [sflag:$0x5], $0x8000, $0x38;
	[tilespmem:$0x18100] =	vst v63  }
0x136: {  	_ =	swait.ge [sflag:s4], $0x8000  }
0x137: {  	[sflag:s4] =	ssyncset.done $0x0  }
0x138: {  	[sflag:s4] =	ssyncadd.s32 $0xFFFF8000  }
0x139: {  	v2 =	vld.msk [tilespmem:$0x30], $0xff;
	_ =	sdelay $0x4  }
0x13a: {  	v3 =	vshll.u32 v2, $0x5  }
0x13b: {  	v2 =	vand.u32 $0x7, v2;
	v3 =	vand.u32 $0xFFFFFF00, v3  }
0x13c: {  	v2 =	vor.u32 v2, v3  }
0x13d: {  	v2 =	vperm.xlane v2, v0;
	_ =	sdelay $0x1  }
0x13e: {  	v2 =	vadd.s32 v1, v2;
	_ =	sdelay $0x3  }
0x13f: {  	s20 =	simm.s32 $0x100  }
0x140: {  	[tilespmem:s20], [sflag:$0x1] =	stream.indirect_vreg.gather [hbm4b:s22+s3], $0x80, v2, vm0, $0xb8;
	[tilespmem:$0x18100] =	vst v63  }
0x141: {  	s28 =	simm.s32 $0x900  }
0x142: {  	[tilespmem:s28], [sflag:$0x1] =	stream.indirect_vreg.gather [hbm4b:s5+s3], $0x80, v2, vm0, $0xb8;
	[tilespmem:$0x18100] =	vst v63  }
0x143: {  	s28 =	simm.s32 $0x1100  }
0x144: {  	[tilespmem:s28], [sflag:$0x1] =	stream.indirect_vreg.gather [hbm4b:s6+s3], $0x80, v2, vm0, $0xb8;
	[tilespmem:$0x18100] =	vst v63  }
0x145: {  	_ = 	snop  }
0x146: {  	[tilespmem:s31], [sflag:$0x1] =	stream.indirect_vreg.gather [hbm4b:s7+s3], $0x80, v2, vm0, $0xb8;
	[tilespmem:$0x18100] =	vst v63  }
0x147: {  	s31 =	simm.s32 $0x2100  }
0x148: {  	[tilespmem:s31], [sflag:$0x1] =	stream.indirect_vreg.gather [hbm4b:s8+s3], $0x80, v2, vm0, $0xb8;
	[tilespmem:$0x18100] =	vst v63  }
0x149: {  	s31 =	simm.s32 $0x2900  }
0x14a: {  	[tilespmem:s31], [sflag:$0x1] =	stream.indirect_vreg.gather [hbm4b:s9+s3], $0x80, v2, vm0, $0xb8;
	[tilespmem:$0x18100] =	vst v63  }
0x14b: {  	_ = 	snop  }
0x14c: {  	[tilespmem:s26], [sflag:$0x1] =	stream.indirect_vreg.gather [hbm4b:s10+s3], $0x80, v2, vm0, $0xb8;
	[tilespmem:$0x18100] =	vst v63  }
0x14d: {  	_ = 	snop  }
0x14e: {  	[tilespmem:s30], [sflag:$0x1] =	stream.indirect_vreg.gather [hbm4b:s11+s3], $0x80, v2, vm0, $0xb8;
	[tilespmem:$0x18100] =	vst v63  }
0x14f: {  	s30 =	simm.s32 $0x4100  }
0x150: {  	[tilespmem:s30], [sflag:$0x1] =	stream.indirect_vreg.gather [hbm4b:s12+s3], $0x80, v2, vm0, $0xb8;
	[tilespmem:$0x18100] =	vst v63  }
0x151: {  	s31 =	simm.s32 $0x4900  }
0x152: {  	[tilespmem:s31], [sflag:$0x1] =	stream.indirect_vreg.gather [hbm4b:s13+s3], $0x80, v2, vm0, $0xb8;
	[tilespmem:$0x18100] =	vst v63  }
0x153: {  	s28 =	simm.s32 $0x5100  }
0x154: {  	[tilespmem:s28], [sflag:$0x1] =	stream.indirect_vreg.gather [hbm4b:s14+s3], $0x80, v2, vm0, $0xb8;
	[tilespmem:$0x18100] =	vst v63  }
0x155: {  	s30 =	simm.s32 $0x5900  }
0x156: {  	[tilespmem:s30], [sflag:$0x1] =	stream.indirect_vreg.gather [hbm4b:s15+s3], $0x80, v2, vm0, $0xb8;
	[tilespmem:$0x18100] =	vst v63  }
0x157: {  	s31 =	simm.s32 $0x6100  }
0x158: {  	[tilespmem:s31], [sflag:$0x1] =	stream.indirect_vreg.gather [hbm4b:s16+s3], $0x80, v2, vm0, $0xb8;
	[tilespmem:$0x18100] =	vst v63  }
0x159: {  	s28 =	simm.s32 $0x6900  }
0x15a: {  	[tilespmem:s28], [sflag:$0x1] =	stream.indirect_vreg.gather [hbm4b:s17+s3], $0x80, v2, vm0, $0xb8;
	[tilespmem:$0x18100] =	vst v63  }
0x15b: {  	s30 =	simm.s32 $0x7100  }
0x15c: {  	[tilespmem:s30], [sflag:$0x1] =	stream.indirect_vreg.gather [hbm4b:s18+s3], $0x80, v2, vm0, $0xb8;
	[tilespmem:$0x18100] =	vst v63  }
0x15d: {  	s31 =	simm.s32 $0x7900  }
0x15e: {  	[tilespmem:s31], [sflag:$0x1] =	stream.indirect_vreg.gather [hbm4b:s19+s3], $0x80, v2, vm0, $0xb8;
	[tilespmem:$0x18100] =	vst v63  }
0x15f: {  	_ =	swait.ge [sflag:s23], $0x8000  }
0x160: {  	[sflag:s23] =	ssyncset.done $0x0  }
0x161: {  	s2 =	simm.s32 $0x10100;
	s26 =	rddreg [dreg:$0x9];
	[sflag:s23] =	ssyncadd.s32 $0xFFFF8000  }
0x162: {  	[hbm4b:s26+s3] =	stream.linear.scatter [tilespmem:s2], [sflag:$0x6], $0x8000, $0x38;
	[tilespmem:$0x18100] =	vst v63  }
0x163: {  	_ =	swait.ge [sflag:s24], $0x8000  }
0x164: {  	[sflag:s24] =	ssyncset.done $0x0  }
0x165: {  	[sflag:s24] =	ssyncadd.s32 $0xFFFF8000  }
0x166: {  	v2 =	vld.msk [tilespmem:$0x38], $0xff;
	_ =	sdelay $0x4  }
0x167: {  	v3 =	vshll.u32 v2, $0x5  }
0x168: {  	v2 =	vand.u32 $0x7, v2;
	v3 =	vand.u32 $0xFFFFFF00, v3  }
0x169: {  	v2 =	vor.u32 v2, v3  }
0x16a: {  	v2 =	vperm.xlane v2, v0;
	_ =	sdelay $0x1  }
0x16b: {  	v2 =	vadd.s32 v1, v2;
	_ =	sdelay $0x3  }
0x16c: {  	s0 =	simm.s32 $0x8100  }
0x16d: {  	[tilespmem:s0], [sflag:$0x2] =	stream.indirect_vreg.gather [hbm4b:s22+s3], $0x80, v2, vm0, $0xb8;
	[tilespmem:$0x18100] =	vst v63  }
0x16e: {  	s28 =	simm.s32 $0x8900  }
0x16f: {  	[tilespmem:s28], [sflag:$0x2] =	stream.indirect_vreg.gather [hbm4b:s5+s3], $0x80, v2, vm0, $0xb8;
	[tilespmem:$0x18100] =	vst v63  }
0x170: {  	s30 =	simm.s32 $0x9100  }
0x171: {  	[tilespmem:s30], [sflag:$0x2] =	stream.indirect_vreg.gather [hbm4b:s6+s3], $0x80, v2, vm0, $0xb8;
	[tilespmem:$0x18100] =	vst v63  }
0x172: {  	s31 =	simm.s32 $0x9900  }
0x173: {  	[tilespmem:s31], [sflag:$0x2] =	stream.indirect_vreg.gather [hbm4b:s7+s3], $0x80, v2, vm0, $0xb8;
	[tilespmem:$0x18100] =	vst v63  }
0x174: {  	s30 =	simm.s32 $0xA100  }
0x175: {  	[tilespmem:s30], [sflag:$0x2] =	stream.indirect_vreg.gather [hbm4b:s8+s3], $0x80, v2, vm0, $0xb8;
	[tilespmem:$0x18100] =	vst v63  }
0x176: {  	s31 =	simm.s32 $0xA900  }
0x177: {  	[tilespmem:s31], [sflag:$0x2] =	stream.indirect_vreg.gather [hbm4b:s9+s3], $0x80, v2, vm0, $0xb8;
	[tilespmem:$0x18100] =	vst v63  }
0x178: {  	s28 =	simm.s32 $0xB100  }
0x179: {  	[tilespmem:s28], [sflag:$0x2] =	stream.indirect_vreg.gather [hbm4b:s10+s3], $0x80, v2, vm0, $0xb8;
	[tilespmem:$0x18100] =	vst v63  }
0x17a: {  	s28 =	simm.s32 $0xB900  }
0x17b: {  	[tilespmem:s28], [sflag:$0x2] =	stream.indirect_vreg.gather [hbm4b:s11+s3], $0x80, v2, vm0, $0xb8;
	[tilespmem:$0x18100] =	vst v63  }
0x17c: {  	s28 =	simm.s32 $0xC100  }
0x17d: {  	[tilespmem:s28], [sflag:$0x2] =	stream.indirect_vreg.gather [hbm4b:s12+s3], $0x80, v2, vm0, $0xb8;
	[tilespmem:$0x18100] =	vst v63  }
0x17e: {  	s28 =	simm.s32 $0xC900  }
0x17f: {  	[tilespmem:s28], [sflag:$0x2] =	stream.indirect_vreg.gather [hbm4b:s13+s3], $0x80, v2, vm0, $0xb8;
	[tilespmem:$0x18100] =	vst v63  }
0x180: {  	s28 =	simm.s32 $0xD100  }
0x181: {  	[tilespmem:s28], [sflag:$0x2] =	stream.indirect_vreg.gather [hbm4b:s14+s3], $0x80, v2, vm0, $0xb8;
	[tilespmem:$0x18100] =	vst v63  }
0x182: {  	s28 =	simm.s32 $0xD900  }
0x183: {  	[tilespmem:s28], [sflag:$0x2] =	stream.indirect_vreg.gather [hbm4b:s15+s3], $0x80, v2, vm0, $0xb8;
	[tilespmem:$0x18100] =	vst v63  }
0x184: {  	s28 =	simm.s32 $0xE100  }
0x185: {  	[tilespmem:s28], [sflag:$0x2] =	stream.indirect_vreg.gather [hbm4b:s16+s3], $0x80, v2, vm0, $0xb8;
	[tilespmem:$0x18100] =	vst v63  }
0x186: {  	s28 =	simm.s32 $0xE900  }
0x187: {  	[tilespmem:s28], [sflag:$0x2] =	stream.indirect_vreg.gather [hbm4b:s17+s3], $0x80, v2, vm0, $0xb8;
	[tilespmem:$0x18100] =	vst v63  }
0x188: {  	s28 =	simm.s32 $0xF100  }
0x189: {  	[tilespmem:s28], [sflag:$0x2] =	stream.indirect_vreg.gather [hbm4b:s18+s3], $0x80, v2, vm0, $0xb8;
	[tilespmem:$0x18100] =	vst v63  }
0x18a: {  	s28 =	simm.s32 $0xF900  }
0x18b: {  	[tilespmem:s28], [sflag:$0x2] =	stream.indirect_vreg.gather [hbm4b:s19+s3], $0x80, v2, vm0, $0xb8;
	[tilespmem:$0x18100] =	vst v63  }
0x18c: {  	_ =	swait.ge [sflag:s1], $0x8000  }
0x18d: {  	[sflag:s1] =	ssyncset.done $0x0  }
0x18e: {  	s20 =	simm.s32 $0x100;
	s0 =	rddreg [dreg:$0xa];
	[sflag:s1] =	ssyncadd.s32 $0xFFFF8000  }
0x18f: {  	[hbm4b:s0+s3] =	stream.linear.scatter [tilespmem:s20], [sflag:$0x4], $0x8000, $0x38;
	[tilespmem:$0x18100] =	vst v63  }
0x190: {  	_ =	swait.ge [sflag:s25], $0x8000  }
0x191: {  	[sflag:s25] =	ssyncset.done $0x0  }
0x192: {  	[sflag:s25] =	ssyncadd.s32 $0xFFFF8000  }
0x193: {  	v2 =	vld.msk [tilespmem:$0x40], $0xff;
	_ =	sdelay $0x4  }
0x194: {  	v3 =	vshll.u32 v2, $0x5  }
0x195: {  	v2 =	vand.u32 $0x7, v2;
	v3 =	vand.u32 $0xFFFFFF00, v3  }
0x196: {  	v2 =	vor.u32 v2, v3  }
0x197: {  	v2 =	vperm.xlane v2, v0;
	_ =	sdelay $0x1  }
0x198: {  	v2 =	vadd.s32 v1, v2;
	_ =	sdelay $0x3  }
0x199: {  	s2 =	simm.s32 $0x10100  }
0x19a: {  	[tilespmem:s2], [sflag:$0x3] =	stream.indirect_vreg.gather [hbm4b:s22+s3], $0x80, v2, vm0, $0xb8;
	[tilespmem:$0x18100] =	vst v63  }
0x19b: {  	_ = 	snop  }
0x19c: {  	[tilespmem:s29], [sflag:$0x3] =	stream.indirect_vreg.gather [hbm4b:s5+s3], $0x80, v2, vm0, $0xb8;
	[tilespmem:$0x18100] =	vst v63  }
0x19d: {  	s28 =	simm.s32 $0x11100  }
0x19e: {  	[tilespmem:s28], [sflag:$0x3] =	stream.indirect_vreg.gather [hbm4b:s6+s3], $0x80, v2, vm0, $0xb8;
	[tilespmem:$0x18100] =	vst v63  }
0x19f: {  	s28 =	simm.s32 $0x11900  }
0x1a0: {  	[tilespmem:s28], [sflag:$0x3] =	stream.indirect_vreg.gather [hbm4b:s7+s3], $0x80, v2, vm0, $0xb8;
	[tilespmem:$0x18100] =	vst v63  }
0x1a1: {  	s28 =	simm.s32 $0x12100  }
0x1a2: {  	[tilespmem:s28], [sflag:$0x3] =	stream.indirect_vreg.gather [hbm4b:s8+s3], $0x80, v2, vm0, $0xb8;
	[tilespmem:$0x18100] =	vst v63  }
0x1a3: {  	s28 =	simm.s32 $0x12900  }
0x1a4: {  	[tilespmem:s28], [sflag:$0x3] =	stream.indirect_vreg.gather [hbm4b:s9+s3], $0x80, v2, vm0, $0xb8;
	[tilespmem:$0x18100] =	vst v63  }
0x1a5: {  	s28 =	simm.s32 $0x13100  }
0x1a6: {  	[tilespmem:s28], [sflag:$0x3] =	stream.indirect_vreg.gather [hbm4b:s10+s3], $0x80, v2, vm0, $0xb8;
	[tilespmem:$0x18100] =	vst v63  }
0x1a7: {  	s28 =	simm.s32 $0x13900  }
0x1a8: {  	[tilespmem:s28], [sflag:$0x3] =	stream.indirect_vreg.gather [hbm4b:s11+s3], $0x80, v2, vm0, $0xb8;
	[tilespmem:$0x18100] =	vst v63  }
0x1a9: {  	s28 =	simm.s32 $0x14100  }
0x1aa: {  	[tilespmem:s28], [sflag:$0x3] =	stream.indirect_vreg.gather [hbm4b:s12+s3], $0x80, v2, vm0, $0xb8;
	[tilespmem:$0x18100] =	vst v63  }
0x1ab: {  	s28 =	simm.s32 $0x14900  }
0x1ac: {  	[tilespmem:s28], [sflag:$0x3] =	stream.indirect_vreg.gather [hbm4b:s13+s3], $0x80, v2, vm0, $0xb8;
	[tilespmem:$0x18100] =	vst v63  }
0x1ad: {  	s28 =	simm.s32 $0x15100  }
0x1ae: {  	[tilespmem:s28], [sflag:$0x3] =	stream.indirect_vreg.gather [hbm4b:s14+s3], $0x80, v2, vm0, $0xb8;
	[tilespmem:$0x18100] =	vst v63  }
0x1af: {  	s28 =	simm.s32 $0x15900  }
0x1b0: {  	[tilespmem:s28], [sflag:$0x3] =	stream.indirect_vreg.gather [hbm4b:s15+s3], $0x80, v2, vm0, $0xb8;
	[tilespmem:$0x18100] =	vst v63  }
0x1b1: {  	s28 =	simm.s32 $0x16100  }
0x1b2: {  	[tilespmem:s28], [sflag:$0x3] =	stream.indirect_vreg.gather [hbm4b:s16+s3], $0x80, v2, vm0, $0xb8;
	[tilespmem:$0x18100] =	vst v63  }
0x1b3: {  	s28 =	simm.s32 $0x16900  }
0x1b4: {  	[tilespmem:s28], [sflag:$0x3] =	stream.indirect_vreg.gather [hbm4b:s17+s3], $0x80, v2, vm0, $0xb8;
	[tilespmem:$0x18100] =	vst v63  }
0x1b5: {  	s28 =	simm.s32 $0x17100  }
0x1b6: {  	[tilespmem:s28], [sflag:$0x3] =	stream.indirect_vreg.gather [hbm4b:s18+s3], $0x80, v2, vm0, $0xb8;
	[tilespmem:$0x18100] =	vst v63  }
0x1b7: {  	s28 =	simm.s32 $0x17900  }
0x1b8: {  	[tilespmem:s28], [sflag:$0x3] =	stream.indirect_vreg.gather [hbm4b:s19+s3], $0x80, v2, vm0, $0xb8;
	[tilespmem:$0x18100] =	vst v63  }
0x1b9: {  	_ =	swait.ge [sflag:s21], $0x8000  }
0x1ba: {  	[sflag:s21] =	ssyncset.done $0x0  }
0x1bb: {  	s26 =	simm.s32 $0x8100;
	s2 =	rddreg [dreg:$0xb];
	[sflag:s21] =	ssyncadd.s32 $0xFFFF8000  }
0x1bc: {  	[hbm4b:s2+s3] =	stream.linear.scatter [tilespmem:s26], [sflag:$0x5], $0x8000, $0x38;
	[tilespmem:$0x18100] =	vst v63  }
0x1bd: {  	_ =	swait.ge [sflag:s4], $0x8000  }
0x1be: {  	[sflag:s4] =	ssyncset.done $0x0  }
0x1bf: {  	[sflag:s4] =	ssyncadd.s32 $0xFFFF8000  }
0x1c0: {  	v2 =	vld.msk [tilespmem:$0x48], $0xff;
	_ =	sdelay $0x4  }
0x1c1: {  	v3 =	vshll.u32 v2, $0x5  }
0x1c2: {  	v2 =	vand.u32 $0x7, v2;
	v3 =	vand.u32 $0xFFFFFF00, v3  }
0x1c3: {  	v2 =	vor.u32 v2, v3  }
0x1c4: {  	v2 =	vperm.xlane v2, v0;
	_ =	sdelay $0x1  }
0x1c5: {  	v2 =	vadd.s32 v1, v2;
	_ =	sdelay $0x3  }
0x1c6: {  	s0 =	simm.s32 $0x100  }
0x1c7: {  	[tilespmem:s0], [sflag:$0x1] =	stream.indirect_vreg.gather [hbm4b:s22+s3], $0x80, v2, vm0, $0xb8;
	[tilespmem:$0x18100] =	vst v63  }
0x1c8: {  	s28 =	simm.s32 $0x900  }
0x1c9: {  	[tilespmem:s28], [sflag:$0x1] =	stream.indirect_vreg.gather [hbm4b:s5+s3], $0x80, v2, vm0, $0xb8;
	[tilespmem:$0x18100] =	vst v63  }
0x1ca: {  	s2 =	simm.s32 $0x1100  }
0x1cb: {  	[tilespmem:s2], [sflag:$0x1] =	stream.indirect_vreg.gather [hbm4b:s6+s3], $0x80, v2, vm0, $0xb8;
	[tilespmem:$0x18100] =	vst v63  }
0x1cc: {  	s28 =	simm.s32 $0x1900  }
0x1cd: {  	[tilespmem:s28], [sflag:$0x1] =	stream.indirect_vreg.gather [hbm4b:s7+s3], $0x80, v2, vm0, $0xb8;
	[tilespmem:$0x18100] =	vst v63  }
0x1ce: {  	s2 =	simm.s32 $0x2100  }
0x1cf: {  	[tilespmem:s2], [sflag:$0x1] =	stream.indirect_vreg.gather [hbm4b:s8+s3], $0x80, v2, vm0, $0xb8;
	[tilespmem:$0x18100] =	vst v63  }
0x1d0: {  	s28 =	simm.s32 $0x2900  }
0x1d1: {  	[tilespmem:s28], [sflag:$0x1] =	stream.indirect_vreg.gather [hbm4b:s9+s3], $0x80, v2, vm0, $0xb8;
	[tilespmem:$0x18100] =	vst v63  }
0x1d2: {  	s2 =	simm.s32 $0x3100  }
0x1d3: {  	[tilespmem:s2], [sflag:$0x1] =	stream.indirect_vreg.gather [hbm4b:s10+s3], $0x80, v2, vm0, $0xb8;
	[tilespmem:$0x18100] =	vst v63  }
0x1d4: {  	s28 =	simm.s32 $0x3900  }
0x1d5: {  	[tilespmem:s28], [sflag:$0x1] =	stream.indirect_vreg.gather [hbm4b:s11+s3], $0x80, v2, vm0, $0xb8;
	[tilespmem:$0x18100] =	vst v63  }
0x1d6: {  	s2 =	simm.s32 $0x4100  }
0x1d7: {  	[tilespmem:s2], [sflag:$0x1] =	stream.indirect_vreg.gather [hbm4b:s12+s3], $0x80, v2, vm0, $0xb8;
	[tilespmem:$0x18100] =	vst v63  }
0x1d8: {  	s28 =	simm.s32 $0x4900  }
0x1d9: {  	[tilespmem:s28], [sflag:$0x1] =	stream.indirect_vreg.gather [hbm4b:s13+s3], $0x80, v2, vm0, $0xb8;
	[tilespmem:$0x18100] =	vst v63  }
0x1da: {  	s2 =	simm.s32 $0x5100  }
0x1db: {  	[tilespmem:s2], [sflag:$0x1] =	stream.indirect_vreg.gather [hbm4b:s14+s3], $0x80, v2, vm0, $0xb8;
	[tilespmem:$0x18100] =	vst v63  }
0x1dc: {  	s28 =	simm.s32 $0x5900  }
0x1dd: {  	[tilespmem:s28], [sflag:$0x1] =	stream.indirect_vreg.gather [hbm4b:s15+s3], $0x80, v2, vm0, $0xb8;
	[tilespmem:$0x18100] =	vst v63  }
0x1de: {  	s2 =	simm.s32 $0x6100  }
0x1df: {  	[tilespmem:s2], [sflag:$0x1] =	stream.indirect_vreg.gather [hbm4b:s16+s3], $0x80, v2, vm0, $0xb8;
	[tilespmem:$0x18100] =	vst v63  }
0x1e0: {  	s28 =	simm.s32 $0x6900  }
0x1e1: {  	[tilespmem:s28], [sflag:$0x1] =	stream.indirect_vreg.gather [hbm4b:s17+s3], $0x80, v2, vm0, $0xb8;
	[tilespmem:$0x18100] =	vst v63  }
0x1e2: {  	s2 =	simm.s32 $0x7100  }
0x1e3: {  	[tilespmem:s2], [sflag:$0x1] =	stream.indirect_vreg.gather [hbm4b:s18+s3], $0x80, v2, vm0, $0xb8;
	[tilespmem:$0x18100] =	vst v63  }
0x1e4: {  	s28 =	simm.s32 $0x7900  }
0x1e5: {  	[tilespmem:s28], [sflag:$0x1] =	stream.indirect_vreg.gather [hbm4b:s19+s3], $0x80, v2, vm0, $0xb8;
	[tilespmem:$0x18100] =	vst v63  }
0x1e6: {  	_ =	swait.ge [sflag:s23], $0x8000  }
0x1e7: {  	[sflag:s23] =	ssyncset.done $0x0  }
0x1e8: {  	s20 =	simm.s32 $0x10100;
	s2 =	rddreg [dreg:$0xc];
	[sflag:s23] =	ssyncadd.s32 $0xFFFF8000  }
0x1e9: {  	[hbm4b:s2+s3] =	stream.linear.scatter [tilespmem:s20], [sflag:$0x6], $0x8000, $0x38;
	[tilespmem:$0x18100] =	vst v63  }
0x1ea: {  	_ =	swait.ge [sflag:s24], $0x8000  }
0x1eb: {  	[sflag:s24] =	ssyncset.done $0x0  }
0x1ec: {  	[sflag:s24] =	ssyncadd.s32 $0xFFFF8000  }
0x1ed: {  	v2 =	vld.msk [tilespmem:$0x50], $0xff;
	_ =	sdelay $0x4  }
0x1ee: {  	v3 =	vshll.u32 v2, $0x5  }
0x1ef: {  	v2 =	vand.u32 $0x7, v2;
	v3 =	vand.u32 $0xFFFFFF00, v3  }
0x1f0: {  	v2 =	vor.u32 v2, v3  }
0x1f1: {  	v2 =	vperm.xlane v2, v0;
	_ =	sdelay $0x1  }
0x1f2: {  	v2 =	vadd.s32 v1, v2;
	_ =	sdelay $0x3  }
0x1f3: {  	s26 =	simm.s32 $0x8100  }
0x1f4: {  	[tilespmem:s26], [sflag:$0x2] =	stream.indirect_vreg.gather [hbm4b:s22+s3], $0x80, v2, vm0, $0xb8;
	[tilespmem:$0x18100] =	vst v63  }
0x1f5: {  	s28 =	simm.s32 $0x8900  }
0x1f6: {  	[tilespmem:s28], [sflag:$0x2] =	stream.indirect_vreg.gather [hbm4b:s5+s3], $0x80, v2, vm0, $0xb8;
	[tilespmem:$0x18100] =	vst v63  }
0x1f7: {  	s26 =	simm.s32 $0x9100  }
0x1f8: {  	[tilespmem:s26], [sflag:$0x2] =	stream.indirect_vreg.gather [hbm4b:s6+s3], $0x80, v2, vm0, $0xb8;
	[tilespmem:$0x18100] =	vst v63  }
0x1f9: {  	s28 =	simm.s32 $0x9900  }
0x1fa: {  	[tilespmem:s28], [sflag:$0x2] =	stream.indirect_vreg.gather [hbm4b:s7+s3], $0x80, v2, vm0, $0xb8;
	[tilespmem:$0x18100] =	vst v63  }
0x1fb: {  	_ = 	snop  }
0x1fc: {  	[tilespmem:s30], [sflag:$0x2] =	stream.indirect_vreg.gather [hbm4b:s8+s3], $0x80, v2, vm0, $0xb8;
	[tilespmem:$0x18100] =	vst v63  }
0x1fd: {  	_ = 	snop  }
0x1fe: {  	[tilespmem:s31], [sflag:$0x2] =	stream.indirect_vreg.gather [hbm4b:s9+s3], $0x80, v2, vm0, $0xb8;
	[tilespmem:$0x18100] =	vst v63  }
0x1ff: {  	s31 =	simm.s32 $0xB100  }
0x200: {  	[tilespmem:s31], [sflag:$0x2] =	stream.indirect_vreg.gather [hbm4b:s10+s3], $0x80, v2, vm0, $0xb8;
	[tilespmem:$0x18100] =	vst v63  }
0x201: {  	s26 =	simm.s32 $0xB900  }
0x202: {  	[tilespmem:s26], [sflag:$0x2] =	stream.indirect_vreg.gather [hbm4b:s11+s3], $0x80, v2, vm0, $0xb8;
	[tilespmem:$0x18100] =	vst v63  }
0x203: {  	s28 =	simm.s32 $0xC100  }
0x204: {  	[tilespmem:s28], [sflag:$0x2] =	stream.indirect_vreg.gather [hbm4b:s12+s3], $0x80, v2, vm0, $0xb8;
	[tilespmem:$0x18100] =	vst v63  }
0x205: {  	s31 =	simm.s32 $0xC900  }
0x206: {  	[tilespmem:s31], [sflag:$0x2] =	stream.indirect_vreg.gather [hbm4b:s13+s3], $0x80, v2, vm0, $0xb8;
	[tilespmem:$0x18100] =	vst v63  }
0x207: {  	s26 =	simm.s32 $0xD100  }
0x208: {  	[tilespmem:s26], [sflag:$0x2] =	stream.indirect_vreg.gather [hbm4b:s14+s3], $0x80, v2, vm0, $0xb8;
	[tilespmem:$0x18100] =	vst v63  }
0x209: {  	s28 =	simm.s32 $0xD900  }
0x20a: {  	[tilespmem:s28], [sflag:$0x2] =	stream.indirect_vreg.gather [hbm4b:s15+s3], $0x80, v2, vm0, $0xb8;
	[tilespmem:$0x18100] =	vst v63  }
0x20b: {  	s31 =	simm.s32 $0xE100  }
0x20c: {  	[tilespmem:s31], [sflag:$0x2] =	stream.indirect_vreg.gather [hbm4b:s16+s3], $0x80, v2, vm0, $0xb8;
	[tilespmem:$0x18100] =	vst v63  }
0x20d: {  	s26 =	simm.s32 $0xE900  }
0x20e: {  	[tilespmem:s26], [sflag:$0x2] =	stream.indirect_vreg.gather [hbm4b:s17+s3], $0x80, v2, vm0, $0xb8;
	[tilespmem:$0x18100] =	vst v63  }
0x20f: {  	s28 =	simm.s32 $0xF100  }
0x210: {  	[tilespmem:s28], [sflag:$0x2] =	stream.indirect_vreg.gather [hbm4b:s18+s3], $0x80, v2, vm0, $0xb8;
	[tilespmem:$0x18100] =	vst v63  }
0x211: {  	s31 =	simm.s32 $0xF900  }
0x212: {  	[tilespmem:s31], [sflag:$0x2] =	stream.indirect_vreg.gather [hbm4b:s19+s3], $0x80, v2, vm0, $0xb8;
	[tilespmem:$0x18100] =	vst v63  }
0x213: {  	_ =	swait.ge [sflag:s1], $0x8000  }
0x214: {  	[sflag:s1] =	ssyncset.done $0x0  }
0x215: {  	s0 =	simm.s32 $0x100;
	s26 =	rddreg [dreg:$0xd];
	[sflag:s1] =	ssyncadd.s32 $0xFFFF8000  }
0x216: {  	[hbm4b:s26+s3] =	stream.linear.scatter [tilespmem:s0], [sflag:$0x4], $0x8000, $0x38;
	[tilespmem:$0x18100] =	vst v63  }
0x217: {  	_ =	swait.ge [sflag:s25], $0x8000  }
0x218: {  	[sflag:s25] =	ssyncset.done $0x0  }
0x219: {  	[sflag:s25] =	ssyncadd.s32 $0xFFFF8000  }
0x21a: {  	v2 =	vld.msk [tilespmem:$0x58], $0xff;
	_ =	sdelay $0x4  }
0x21b: {  	v3 =	vshll.u32 v2, $0x5  }
0x21c: {  	v2 =	vand.u32 $0x7, v2;
	v3 =	vand.u32 $0xFFFFFF00, v3  }
0x21d: {  	v2 =	vor.u32 v2, v3  }
0x21e: {  	v2 =	vperm.xlane v2, v0;
	_ =	sdelay $0x1  }
0x21f: {  	v2 =	vadd.s32 v1, v2;
	_ =	sdelay $0x3  }
0x220: {  	s2 =	simm.s32 $0x10100  }
0x221: {  	[tilespmem:s2], [sflag:$0x3] =	stream.indirect_vreg.gather [hbm4b:s22+s3], $0x80, v2, vm0, $0xb8;
	[tilespmem:$0x18100] =	vst v63  }
0x222: {  	s29 =	simm.s32 $0x10900  }
0x223: {  	[tilespmem:s29], [sflag:$0x3] =	stream.indirect_vreg.gather [hbm4b:s5+s3], $0x80, v2, vm0, $0xb8;
	[tilespmem:$0x18100] =	vst v63  }
0x224: {  	s29 =	simm.s32 $0x11100  }
0x225: {  	[tilespmem:s29], [sflag:$0x3] =	stream.indirect_vreg.gather [hbm4b:s6+s3], $0x80, v2, vm0, $0xb8;
	[tilespmem:$0x18100] =	vst v63  }
0x226: {  	s31 =	simm.s32 $0x11900  }
0x227: {  	[tilespmem:s31], [sflag:$0x3] =	stream.indirect_vreg.gather [hbm4b:s7+s3], $0x80, v2, vm0, $0xb8;
	[tilespmem:$0x18100] =	vst v63  }
0x228: {  	s28 =	simm.s32 $0x12100  }
0x229: {  	[tilespmem:s28], [sflag:$0x3] =	stream.indirect_vreg.gather [hbm4b:s8+s3], $0x80, v2, vm0, $0xb8;
	[tilespmem:$0x18100] =	vst v63  }
0x22a: {  	s29 =	simm.s32 $0x12900  }
0x22b: {  	[tilespmem:s29], [sflag:$0x3] =	stream.indirect_vreg.gather [hbm4b:s9+s3], $0x80, v2, vm0, $0xb8;
	[tilespmem:$0x18100] =	vst v63  }
0x22c: {  	s31 =	simm.s32 $0x13100  }
0x22d: {  	[tilespmem:s31], [sflag:$0x3] =	stream.indirect_vreg.gather [hbm4b:s10+s3], $0x80, v2, vm0, $0xb8;
	[tilespmem:$0x18100] =	vst v63  }
0x22e: {  	s28 =	simm.s32 $0x13900  }
0x22f: {  	[tilespmem:s28], [sflag:$0x3] =	stream.indirect_vreg.gather [hbm4b:s11+s3], $0x80, v2, vm0, $0xb8;
	[tilespmem:$0x18100] =	vst v63  }
0x230: {  	s29 =	simm.s32 $0x14100  }
0x231: {  	[tilespmem:s29], [sflag:$0x3] =	stream.indirect_vreg.gather [hbm4b:s12+s3], $0x80, v2, vm0, $0xb8;
	[tilespmem:$0x18100] =	vst v63  }
0x232: {  	s31 =	simm.s32 $0x14900  }
0x233: {  	[tilespmem:s31], [sflag:$0x3] =	stream.indirect_vreg.gather [hbm4b:s13+s3], $0x80, v2, vm0, $0xb8;
	[tilespmem:$0x18100] =	vst v63  }
0x234: {  	s28 =	simm.s32 $0x15100  }
0x235: {  	[tilespmem:s28], [sflag:$0x3] =	stream.indirect_vreg.gather [hbm4b:s14+s3], $0x80, v2, vm0, $0xb8;
	[tilespmem:$0x18100] =	vst v63  }
0x236: {  	s29 =	simm.s32 $0x15900  }
0x237: {  	[tilespmem:s29], [sflag:$0x3] =	stream.indirect_vreg.gather [hbm4b:s15+s3], $0x80, v2, vm0, $0xb8;
	[tilespmem:$0x18100] =	vst v63  }
0x238: {  	s31 =	simm.s32 $0x16100  }
0x239: {  	[tilespmem:s31], [sflag:$0x3] =	stream.indirect_vreg.gather [hbm4b:s16+s3], $0x80, v2, vm0, $0xb8;
	[tilespmem:$0x18100] =	vst v63  }
0x23a: {  	s28 =	simm.s32 $0x16900  }
0x23b: {  	[tilespmem:s28], [sflag:$0x3] =	stream.indirect_vreg.gather [hbm4b:s17+s3], $0x80, v2, vm0, $0xb8;
	[tilespmem:$0x18100] =	vst v63  }
0x23c: {  	s29 =	simm.s32 $0x17100  }
0x23d: {  	[tilespmem:s29], [sflag:$0x3] =	stream.indirect_vreg.gather [hbm4b:s18+s3], $0x80, v2, vm0, $0xb8;
	[tilespmem:$0x18100] =	vst v63  }
0x23e: {  	s31 =	simm.s32 $0x17900  }
0x23f: {  	[tilespmem:s31], [sflag:$0x3] =	stream.indirect_vreg.gather [hbm4b:s19+s3], $0x80, v2, vm0, $0xb8;
	[tilespmem:$0x18100] =	vst v63  }
0x240: {  	_ =	swait.ge [sflag:s21], $0x8000  }
0x241: {  	[sflag:s21] =	ssyncset.done $0x0  }
0x242: {  	s20 =	simm.s32 $0x8100;
	s2 =	rddreg [dreg:$0xe];
	[sflag:s21] =	ssyncadd.s32 $0xFFFF8000  }
0x243: {  	[hbm4b:s2+s3] =	stream.linear.scatter [tilespmem:s20], [sflag:$0x5], $0x8000, $0x38;
	[tilespmem:$0x18100] =	vst v63  }
0x244: {  	_ =	swait.ge [sflag:s4], $0x8000  }
0x245: {  	[sflag:s4] =	ssyncset.done $0x0  }
0x246: {  	[sflag:s4] =	ssyncadd.s32 $0xFFFF8000  }
0x247: {  	v2 =	vld.msk [tilespmem:$0x60], $0xff;
	_ =	sdelay $0x4  }
0x248: {  	v3 =	vshll.u32 v2, $0x5  }
0x249: {  	v2 =	vand.u32 $0x7, v2;
	v3 =	vand.u32 $0xFFFFFF00, v3  }
0x24a: {  	v2 =	vor.u32 v2, v3  }
0x24b: {  	v2 =	vperm.xlane v2, v0;
	_ =	sdelay $0x1  }
0x24c: {  	v2 =	vadd.s32 v1, v2;
	_ =	sdelay $0x4  }
0x24d: {  	[tilespmem:s0], [sflag:$0x1] =	stream.indirect_vreg.gather [hbm4b:s22+s3], $0x80, v2, vm0, $0xb8;
	[tilespmem:$0x18100] =	vst v63  }
0x24e: {  	s29 =	simm.s32 $0x900  }
0x24f: {  	[tilespmem:s29], [sflag:$0x1] =	stream.indirect_vreg.gather [hbm4b:s5+s3], $0x80, v2, vm0, $0xb8;
	[tilespmem:$0x18100] =	vst v63  }
0x250: {  	s28 =	simm.s32 $0x1100  }
0x251: {  	[tilespmem:s28], [sflag:$0x1] =	stream.indirect_vreg.gather [hbm4b:s6+s3], $0x80, v2, vm0, $0xb8;
	[tilespmem:$0x18100] =	vst v63  }
0x252: {  	s31 =	simm.s32 $0x1900  }
0x253: {  	[tilespmem:s31], [sflag:$0x1] =	stream.indirect_vreg.gather [hbm4b:s7+s3], $0x80, v2, vm0, $0xb8;
	[tilespmem:$0x18100] =	vst v63  }
0x254: {  	s28 =	simm.s32 $0x2100  }
0x255: {  	[tilespmem:s28], [sflag:$0x1] =	stream.indirect_vreg.gather [hbm4b:s8+s3], $0x80, v2, vm0, $0xb8;
	[tilespmem:$0x18100] =	vst v63  }
0x256: {  	s31 =	simm.s32 $0x2900  }
0x257: {  	[tilespmem:s31], [sflag:$0x1] =	stream.indirect_vreg.gather [hbm4b:s9+s3], $0x80, v2, vm0, $0xb8;
	[tilespmem:$0x18100] =	vst v63  }
0x258: {  	s28 =	simm.s32 $0x3100  }
0x259: {  	[tilespmem:s28], [sflag:$0x1] =	stream.indirect_vreg.gather [hbm4b:s10+s3], $0x80, v2, vm0, $0xb8;
	[tilespmem:$0x18100] =	vst v63  }
0x25a: {  	s31 =	simm.s32 $0x3900  }
0x25b: {  	[tilespmem:s31], [sflag:$0x1] =	stream.indirect_vreg.gather [hbm4b:s11+s3], $0x80, v2, vm0, $0xb8;
	[tilespmem:$0x18100] =	vst v63  }
0x25c: {  	s28 =	simm.s32 $0x4100  }
0x25d: {  	[tilespmem:s28], [sflag:$0x1] =	stream.indirect_vreg.gather [hbm4b:s12+s3], $0x80, v2, vm0, $0xb8;
	[tilespmem:$0x18100] =	vst v63  }
0x25e: {  	s31 =	simm.s32 $0x4900  }
0x25f: {  	[tilespmem:s31], [sflag:$0x1] =	stream.indirect_vreg.gather [hbm4b:s13+s3], $0x80, v2, vm0, $0xb8;
	[tilespmem:$0x18100] =	vst v63  }
0x260: {  	s28 =	simm.s32 $0x5100  }
0x261: {  	[tilespmem:s28], [sflag:$0x1] =	stream.indirect_vreg.gather [hbm4b:s14+s3], $0x80, v2, vm0, $0xb8;
	[tilespmem:$0x18100] =	vst v63  }
0x262: {  	s31 =	simm.s32 $0x5900  }
0x263: {  	[tilespmem:s31], [sflag:$0x1] =	stream.indirect_vreg.gather [hbm4b:s15+s3], $0x80, v2, vm0, $0xb8;
	[tilespmem:$0x18100] =	vst v63  }
0x264: {  	s28 =	simm.s32 $0x6100  }
0x265: {  	[tilespmem:s28], [sflag:$0x1] =	stream.indirect_vreg.gather [hbm4b:s16+s3], $0x80, v2, vm0, $0xb8;
	[tilespmem:$0x18100] =	vst v63  }
0x266: {  	s31 =	simm.s32 $0x6900  }
0x267: {  	[tilespmem:s31], [sflag:$0x1] =	stream.indirect_vreg.gather [hbm4b:s17+s3], $0x80, v2, vm0, $0xb8;
	[tilespmem:$0x18100] =	vst v63  }
0x268: {  	s28 =	simm.s32 $0x7100  }
0x269: {  	[tilespmem:s28], [sflag:$0x1] =	stream.indirect_vreg.gather [hbm4b:s18+s3], $0x80, v2, vm0, $0xb8;
	[tilespmem:$0x18100] =	vst v63  }
0x26a: {  	s31 =	simm.s32 $0x7900  }
0x26b: {  	[tilespmem:s31], [sflag:$0x1] =	stream.indirect_vreg.gather [hbm4b:s19+s3], $0x80, v2, vm0, $0xb8;
	[tilespmem:$0x18100] =	vst v63  }
0x26c: {  	_ =	swait.ge [sflag:s23], $0x8000  }
0x26d: {  	[sflag:s23] =	ssyncset.done $0x0  }
0x26e: {  	s26 =	simm.s32 $0x10100;
	s20 =	rddreg [dreg:$0xf];
	[sflag:s23] =	ssyncadd.s32 $0xFFFF8000  }
0x26f: {  	[hbm4b:s20+s3] =	stream.linear.scatter [tilespmem:s26], [sflag:$0x6], $0x8000, $0x38;
	[tilespmem:$0x18100] =	vst v63  }
0x270: {  	_ =	swait.ge [sflag:s24], $0x8000  }
0x271: {  	[sflag:s24] =	ssyncset.done $0x0  }
0x272: {  	[sflag:s24] =	ssyncadd.s32 $0xFFFF8000  }
0x273: {  	v2 =	vld.msk [tilespmem:$0x68], $0xff;
	_ =	sdelay $0x4  }
0x274: {  	v3 =	vshll.u32 v2, $0x5  }
0x275: {  	v2 =	vand.u32 $0x7, v2;
	v3 =	vand.u32 $0xFFFFFF00, v3  }
0x276: {  	v2 =	vor.u32 v2, v3  }
0x277: {  	v2 =	vperm.xlane v2, v0;
	_ =	sdelay $0x1  }
0x278: {  	v2 =	vadd.s32 v1, v2;
	_ =	sdelay $0x3  }
0x279: {  	s2 =	simm.s32 $0x8100  }
0x27a: {  	[tilespmem:s2], [sflag:$0x2] =	stream.indirect_vreg.gather [hbm4b:s22+s3], $0x80, v2, vm0, $0xb8;
	[tilespmem:$0x18100] =	vst v63  }
0x27b: {  	s31 =	simm.s32 $0x8900  }
0x27c: {  	[tilespmem:s31], [sflag:$0x2] =	stream.indirect_vreg.gather [hbm4b:s5+s3], $0x80, v2, vm0, $0xb8;
	[tilespmem:$0x18100] =	vst v63  }
0x27d: {  	s28 =	simm.s32 $0x9100  }
0x27e: {  	[tilespmem:s28], [sflag:$0x2] =	stream.indirect_vreg.gather [hbm4b:s6+s3], $0x80, v2, vm0, $0xb8;
	[tilespmem:$0x18100] =	vst v63  }
0x27f: {  	s31 =	simm.s32 $0x9900  }
0x280: {  	[tilespmem:s31], [sflag:$0x2] =	stream.indirect_vreg.gather [hbm4b:s7+s3], $0x80, v2, vm0, $0xb8;
	[tilespmem:$0x18100] =	vst v63  }
0x281: {  	s28 =	simm.s32 $0xA100  }
0x282: {  	[tilespmem:s28], [sflag:$0x2] =	stream.indirect_vreg.gather [hbm4b:s8+s3], $0x80, v2, vm0, $0xb8;
	[tilespmem:$0x18100] =	vst v63  }
0x283: {  	s30 =	simm.s32 $0xA900  }
0x284: {  	[tilespmem:s30], [sflag:$0x2] =	stream.indirect_vreg.gather [hbm4b:s9+s3], $0x80, v2, vm0, $0xb8;
	[tilespmem:$0x18100] =	vst v63  }
0x285: {  	s26 =	simm.s32 $0xB100  }
0x286: {  	[tilespmem:s26], [sflag:$0x2] =	stream.indirect_vreg.gather [hbm4b:s10+s3], $0x80, v2, vm0, $0xb8;
	[tilespmem:$0x18100] =	vst v63  }
0x287: {  	s30 =	simm.s32 $0xB900  }
0x288: {  	[tilespmem:s30], [sflag:$0x2] =	stream.indirect_vreg.gather [hbm4b:s11+s3], $0x80, v2, vm0, $0xb8;
	[tilespmem:$0x18100] =	vst v63  }
0x289: {  	s31 =	simm.s32 $0xC100  }
0x28a: {  	[tilespmem:s31], [sflag:$0x2] =	stream.indirect_vreg.gather [hbm4b:s12+s3], $0x80, v2, vm0, $0xb8;
	[tilespmem:$0x18100] =	vst v63  }
0x28b: {  	s28 =	simm.s32 $0xC900  }
0x28c: {  	[tilespmem:s28], [sflag:$0x2] =	stream.indirect_vreg.gather [hbm4b:s13+s3], $0x80, v2, vm0, $0xb8;
	[tilespmem:$0x18100] =	vst v63  }
0x28d: {  	s28 =	simm.s32 $0xD100  }
0x28e: {  	[tilespmem:s28], [sflag:$0x2] =	stream.indirect_vreg.gather [hbm4b:s14+s3], $0x80, v2, vm0, $0xb8;
	[tilespmem:$0x18100] =	vst v63  }
0x28f: {  	s28 =	simm.s32 $0xD900  }
0x290: {  	[tilespmem:s28], [sflag:$0x2] =	stream.indirect_vreg.gather [hbm4b:s15+s3], $0x80, v2, vm0, $0xb8;
	[tilespmem:$0x18100] =	vst v63  }
0x291: {  	s28 =	simm.s32 $0xE100  }
0x292: {  	[tilespmem:s28], [sflag:$0x2] =	stream.indirect_vreg.gather [hbm4b:s16+s3], $0x80, v2, vm0, $0xb8;
	[tilespmem:$0x18100] =	vst v63  }
0x293: {  	s28 =	simm.s32 $0xE900  }
0x294: {  	[tilespmem:s28], [sflag:$0x2] =	stream.indirect_vreg.gather [hbm4b:s17+s3], $0x80, v2, vm0, $0xb8;
	[tilespmem:$0x18100] =	vst v63  }
0x295: {  	s28 =	simm.s32 $0xF100  }
0x296: {  	[tilespmem:s28], [sflag:$0x2] =	stream.indirect_vreg.gather [hbm4b:s18+s3], $0x80, v2, vm0, $0xb8;
	[tilespmem:$0x18100] =	vst v63  }
0x297: {  	s28 =	simm.s32 $0xF900  }
0x298: {  	[tilespmem:s28], [sflag:$0x2] =	stream.indirect_vreg.gather [hbm4b:s19+s3], $0x80, v2, vm0, $0xb8;
	[tilespmem:$0x18100] =	vst v63  }
0x299: {  	_ =	swait.ge [sflag:s1], $0x8000  }
0x29a: {  	[sflag:s1] =	ssyncset.done $0x0  }
0x29b: {  	s0 =	simm.s32 $0x100;
	s28 =	rddreg [dreg:$0x10];
	[sflag:s1] =	ssyncadd.s32 $0xFFFF8000  }
0x29c: {  	[hbm4b:s28+s3] =	stream.linear.scatter [tilespmem:s0], [sflag:$0x4], $0x8000, $0x38;
	[tilespmem:$0x18100] =	vst v63  }
0x29d: {  	_ =	swait.ge [sflag:s25], $0x8000  }
0x29e: {  	[sflag:s25] =	ssyncset.done $0x0  }
0x29f: {  	[sflag:s25] =	ssyncadd.s32 $0xFFFF8000  }
0x2a0: {  	v2 =	vld.msk [tilespmem:$0x70], $0xff;
	_ =	sdelay $0x4  }
0x2a1: {  	v3 =	vshll.u32 v2, $0x5  }
0x2a2: {  	v2 =	vand.u32 $0x7, v2;
	v3 =	vand.u32 $0xFFFFFF00, v3  }
0x2a3: {  	v2 =	vor.u32 v2, v3  }
0x2a4: {  	v2 =	vperm.xlane v2, v0;
	_ =	sdelay $0x1  }
0x2a5: {  	v2 =	vadd.s32 v1, v2;
	_ =	sdelay $0x3  }
0x2a6: {  	s20 =	simm.s32 $0x10100  }
0x2a7: {  	[tilespmem:s20], [sflag:$0x3] =	stream.indirect_vreg.gather [hbm4b:s22+s3], $0x80, v2, vm0, $0xb8;
	[tilespmem:$0x18100] =	vst v63  }
0x2a8: {  	s28 =	simm.s32 $0x10900  }
0x2a9: {  	[tilespmem:s28], [sflag:$0x3] =	stream.indirect_vreg.gather [hbm4b:s5+s3], $0x80, v2, vm0, $0xb8;
	[tilespmem:$0x18100] =	vst v63  }
0x2aa: {  	s28 =	simm.s32 $0x11100  }
0x2ab: {  	[tilespmem:s28], [sflag:$0x3] =	stream.indirect_vreg.gather [hbm4b:s6+s3], $0x80, v2, vm0, $0xb8;
	[tilespmem:$0x18100] =	vst v63  }
0x2ac: {  	s28 =	simm.s32 $0x11900  }
0x2ad: {  	[tilespmem:s28], [sflag:$0x3] =	stream.indirect_vreg.gather [hbm4b:s7+s3], $0x80, v2, vm0, $0xb8;
	[tilespmem:$0x18100] =	vst v63  }
0x2ae: {  	s28 =	simm.s32 $0x12100  }
0x2af: {  	[tilespmem:s28], [sflag:$0x3] =	stream.indirect_vreg.gather [hbm4b:s8+s3], $0x80, v2, vm0, $0xb8;
	[tilespmem:$0x18100] =	vst v63  }
0x2b0: {  	s28 =	simm.s32 $0x12900  }
0x2b1: {  	[tilespmem:s28], [sflag:$0x3] =	stream.indirect_vreg.gather [hbm4b:s9+s3], $0x80, v2, vm0, $0xb8;
	[tilespmem:$0x18100] =	vst v63  }
0x2b2: {  	s28 =	simm.s32 $0x13100  }
0x2b3: {  	[tilespmem:s28], [sflag:$0x3] =	stream.indirect_vreg.gather [hbm4b:s10+s3], $0x80, v2, vm0, $0xb8;
	[tilespmem:$0x18100] =	vst v63  }
0x2b4: {  	s28 =	simm.s32 $0x13900  }
0x2b5: {  	[tilespmem:s28], [sflag:$0x3] =	stream.indirect_vreg.gather [hbm4b:s11+s3], $0x80, v2, vm0, $0xb8;
	[tilespmem:$0x18100] =	vst v63  }
0x2b6: {  	s28 =	simm.s32 $0x14100  }
0x2b7: {  	[tilespmem:s28], [sflag:$0x3] =	stream.indirect_vreg.gather [hbm4b:s12+s3], $0x80, v2, vm0, $0xb8;
	[tilespmem:$0x18100] =	vst v63  }
0x2b8: {  	s28 =	simm.s32 $0x14900  }
0x2b9: {  	[tilespmem:s28], [sflag:$0x3] =	stream.indirect_vreg.gather [hbm4b:s13+s3], $0x80, v2, vm0, $0xb8;
	[tilespmem:$0x18100] =	vst v63  }
0x2ba: {  	s28 =	simm.s32 $0x15100  }
0x2bb: {  	[tilespmem:s28], [sflag:$0x3] =	stream.indirect_vreg.gather [hbm4b:s14+s3], $0x80, v2, vm0, $0xb8;
	[tilespmem:$0x18100] =	vst v63  }
0x2bc: {  	s28 =	simm.s32 $0x15900  }
0x2bd: {  	[tilespmem:s28], [sflag:$0x3] =	stream.indirect_vreg.gather [hbm4b:s15+s3], $0x80, v2, vm0, $0xb8;
	[tilespmem:$0x18100] =	vst v63  }
0x2be: {  	s28 =	simm.s32 $0x16100  }
0x2bf: {  	[tilespmem:s28], [sflag:$0x3] =	stream.indirect_vreg.gather [hbm4b:s16+s3], $0x80, v2, vm0, $0xb8;
	[tilespmem:$0x18100] =	vst v63  }
0x2c0: {  	s28 =	simm.s32 $0x16900  }
0x2c1: {  	[tilespmem:s28], [sflag:$0x3] =	stream.indirect_vreg.gather [hbm4b:s17+s3], $0x80, v2, vm0, $0xb8;
	[tilespmem:$0x18100] =	vst v63  }
0x2c2: {  	s28 =	simm.s32 $0x17100  }
0x2c3: {  	[tilespmem:s28], [sflag:$0x3] =	stream.indirect_vreg.gather [hbm4b:s18+s3], $0x80, v2, vm0, $0xb8;
	[tilespmem:$0x18100] =	vst v63  }
0x2c4: {  	s28 =	simm.s32 $0x17900  }
0x2c5: {  	[tilespmem:s28], [sflag:$0x3] =	stream.indirect_vreg.gather [hbm4b:s19+s3], $0x80, v2, vm0, $0xb8;
	[tilespmem:$0x18100] =	vst v63  }
0x2c6: {  	_ =	swait.ge [sflag:s21], $0x8000  }
0x2c7: {  	[sflag:s21] =	ssyncset.done $0x0  }
0x2c8: {  	s2 =	simm.s32 $0x8100;
	s28 =	rddreg [dreg:$0x11];
	[sflag:s21] =	ssyncadd.s32 $0xFFFF8000  }
0x2c9: {  	[hbm4b:s28+s3] =	stream.linear.scatter [tilespmem:s2], [sflag:$0x5], $0x8000, $0x38;
	[tilespmem:$0x18100] =	vst v63  }
0x2ca: {  	_ =	swait.ge [sflag:s4], $0x8000  }
0x2cb: {  	[sflag:s4] =	ssyncset.done $0x0  }
0x2cc: {  	[sflag:s4] =	ssyncadd.s32 $0xFFFF8000  }
0x2cd: {  	v2 =	vld.msk [tilespmem:$0x78], $0xff;
	_ =	sdelay $0x4  }
0x2ce: {  	v3 =	vshll.u32 v2, $0x5  }
0x2cf: {  	v2 =	vand.u32 $0x7, v2;
	v3 =	vand.u32 $0xFFFFFF00, v3  }
0x2d0: {  	v2 =	vor.u32 v2, v3  }
0x2d1: {  	v2 =	vperm.xlane v2, v0;
	_ =	sdelay $0x1  }
0x2d2: {  	v2 =	vadd.s32 v1, v2;
	_ =	sdelay $0x3  }
0x2d3: {  	s0 =	simm.s32 $0x100  }
0x2d4: {  	[tilespmem:s0], [sflag:$0x1] =	stream.indirect_vreg.gather [hbm4b:s22+s3], $0x80, v2, vm0, $0xb8;
	[tilespmem:$0x18100] =	vst v63  }
0x2d5: {  	_ = 	snop  }
0x2d6: {  	[tilespmem:s29], [sflag:$0x1] =	stream.indirect_vreg.gather [hbm4b:s5+s3], $0x80, v2, vm0, $0xb8;
	[tilespmem:$0x18100] =	vst v63  }
0x2d7: {  	s29 =	simm.s32 $0x1100  }
0x2d8: {  	[tilespmem:s29], [sflag:$0x1] =	stream.indirect_vreg.gather [hbm4b:s6+s3], $0x80, v2, vm0, $0xb8;
	[tilespmem:$0x18100] =	vst v63  }
0x2d9: {  	s29 =	simm.s32 $0x1900  }
0x2da: {  	[tilespmem:s29], [sflag:$0x1] =	stream.indirect_vreg.gather [hbm4b:s7+s3], $0x80, v2, vm0, $0xb8;
	[tilespmem:$0x18100] =	vst v63  }
0x2db: {  	s29 =	simm.s32 $0x2100  }
0x2dc: {  	[tilespmem:s29], [sflag:$0x1] =	stream.indirect_vreg.gather [hbm4b:s8+s3], $0x80, v2, vm0, $0xb8;
	[tilespmem:$0x18100] =	vst v63  }
0x2dd: {  	s29 =	simm.s32 $0x2900  }
0x2de: {  	[tilespmem:s29], [sflag:$0x1] =	stream.indirect_vreg.gather [hbm4b:s9+s3], $0x80, v2, vm0, $0xb8;
	[tilespmem:$0x18100] =	vst v63  }
0x2df: {  	s29 =	simm.s32 $0x3100  }
0x2e0: {  	[tilespmem:s29], [sflag:$0x1] =	stream.indirect_vreg.gather [hbm4b:s10+s3], $0x80, v2, vm0, $0xb8;
	[tilespmem:$0x18100] =	vst v63  }
0x2e1: {  	s29 =	simm.s32 $0x3900  }
0x2e2: {  	[tilespmem:s29], [sflag:$0x1] =	stream.indirect_vreg.gather [hbm4b:s11+s3], $0x80, v2, vm0, $0xb8;
	[tilespmem:$0x18100] =	vst v63  }
0x2e3: {  	s29 =	simm.s32 $0x4100  }
0x2e4: {  	[tilespmem:s29], [sflag:$0x1] =	stream.indirect_vreg.gather [hbm4b:s12+s3], $0x80, v2, vm0, $0xb8;
	[tilespmem:$0x18100] =	vst v63  }
0x2e5: {  	s29 =	simm.s32 $0x4900  }
0x2e6: {  	[tilespmem:s29], [sflag:$0x1] =	stream.indirect_vreg.gather [hbm4b:s13+s3], $0x80, v2, vm0, $0xb8;
	[tilespmem:$0x18100] =	vst v63  }
0x2e7: {  	s29 =	simm.s32 $0x5100  }
0x2e8: {  	[tilespmem:s29], [sflag:$0x1] =	stream.indirect_vreg.gather [hbm4b:s14+s3], $0x80, v2, vm0, $0xb8;
	[tilespmem:$0x18100] =	vst v63  }
0x2e9: {  	s29 =	simm.s32 $0x5900  }
0x2ea: {  	[tilespmem:s29], [sflag:$0x1] =	stream.indirect_vreg.gather [hbm4b:s15+s3], $0x80, v2, vm0, $0xb8;
	[tilespmem:$0x18100] =	vst v63  }
0x2eb: {  	s29 =	simm.s32 $0x6100  }
0x2ec: {  	[tilespmem:s29], [sflag:$0x1] =	stream.indirect_vreg.gather [hbm4b:s16+s3], $0x80, v2, vm0, $0xb8;
	[tilespmem:$0x18100] =	vst v63  }
0x2ed: {  	s29 =	simm.s32 $0x6900  }
0x2ee: {  	[tilespmem:s29], [sflag:$0x1] =	stream.indirect_vreg.gather [hbm4b:s17+s3], $0x80, v2, vm0, $0xb8;
	[tilespmem:$0x18100] =	vst v63  }
0x2ef: {  	s29 =	simm.s32 $0x7100  }
0x2f0: {  	[tilespmem:s29], [sflag:$0x1] =	stream.indirect_vreg.gather [hbm4b:s18+s3], $0x80, v2, vm0, $0xb8;
	[tilespmem:$0x18100] =	vst v63  }
0x2f1: {  	s29 =	simm.s32 $0x7900  }
0x2f2: {  	[tilespmem:s29], [sflag:$0x1] =	stream.indirect_vreg.gather [hbm4b:s19+s3], $0x80, v2, vm0, $0xb8;
	[tilespmem:$0x18100] =	vst v63  }
0x2f3: {  	_ =	swait.ge [sflag:s23], $0x8000  }
0x2f4: {  	[sflag:s23] =	ssyncset.done $0x0  }
0x2f5: {  	s20 =	simm.s32 $0x10100;
	s29 =	rddreg [dreg:$0x12];
	[sflag:s23] =	ssyncadd.s32 $0xFFFF8000  }
0x2f6: {  	[hbm4b:s29+s3] =	stream.linear.scatter [tilespmem:s20], [sflag:$0x6], $0x8000, $0x38;
	[tilespmem:$0x18100] =	vst v63  }
0x2f7: {  	_ =	swait.ge [sflag:s24], $0x8000  }
0x2f8: {  	[sflag:s24] =	ssyncset.done $0x0  }
0x2f9: {  	[sflag:s24] =	ssyncadd.s32 $0xFFFF8000  }
0x2fa: {  	v2 =	vld.msk [tilespmem:$0x80], $0xff;
	_ =	sdelay $0x4  }
0x2fb: {  	v3 =	vshll.u32 v2, $0x5  }
0x2fc: {  	v2 =	vand.u32 $0x7, v2;
	v3 =	vand.u32 $0xFFFFFF00, v3  }
0x2fd: {  	v2 =	vor.u32 v2, v3  }
0x2fe: {  	v2 =	vperm.xlane v2, v0;
	_ =	sdelay $0x1  }
0x2ff: {  	v2 =	vadd.s32 v1, v2;
	_ =	sdelay $0x3  }
0x300: {  	s2 =	simm.s32 $0x8100  }
0x301: {  	[tilespmem:s2], [sflag:$0x2] =	stream.indirect_vreg.gather [hbm4b:s22+s3], $0x80, v2, vm0, $0xb8;
	[tilespmem:$0x18100] =	vst v63  }
0x302: {  	s28 =	simm.s32 $0x8900  }
0x303: {  	[tilespmem:s28], [sflag:$0x2] =	stream.indirect_vreg.gather [hbm4b:s5+s3], $0x80, v2, vm0, $0xb8;
	[tilespmem:$0x18100] =	vst v63  }
0x304: {  	s28 =	simm.s32 $0x9100  }
0x305: {  	[tilespmem:s28], [sflag:$0x2] =	stream.indirect_vreg.gather [hbm4b:s6+s3], $0x80, v2, vm0, $0xb8;
	[tilespmem:$0x18100] =	vst v63  }
0x306: {  	s28 =	simm.s32 $0x9900  }
0x307: {  	[tilespmem:s28], [sflag:$0x2] =	stream.indirect_vreg.gather [hbm4b:s7+s3], $0x80, v2, vm0, $0xb8;
	[tilespmem:$0x18100] =	vst v63  }
0x308: {  	s28 =	simm.s32 $0xA100  }
0x309: {  	[tilespmem:s28], [sflag:$0x2] =	stream.indirect_vreg.gather [hbm4b:s8+s3], $0x80, v2, vm0, $0xb8;
	[tilespmem:$0x18100] =	vst v63  }
0x30a: {  	s28 =	simm.s32 $0xA900  }
0x30b: {  	[tilespmem:s28], [sflag:$0x2] =	stream.indirect_vreg.gather [hbm4b:s9+s3], $0x80, v2, vm0, $0xb8;
	[tilespmem:$0x18100] =	vst v63  }
0x30c: {  	_ = 	snop  }
0x30d: {  	[tilespmem:s26], [sflag:$0x2] =	stream.indirect_vreg.gather [hbm4b:s10+s3], $0x80, v2, vm0, $0xb8;
	[tilespmem:$0x18100] =	vst v63  }
0x30e: {  	_ = 	snop  }
0x30f: {  	[tilespmem:s30], [sflag:$0x2] =	stream.indirect_vreg.gather [hbm4b:s11+s3], $0x80, v2, vm0, $0xb8;
	[tilespmem:$0x18100] =	vst v63  }
0x310: {  	_ = 	snop  }
0x311: {  	[tilespmem:s31], [sflag:$0x2] =	stream.indirect_vreg.gather [hbm4b:s12+s3], $0x80, v2, vm0, $0xb8;
	[tilespmem:$0x18100] =	vst v63  }
0x312: {  	s28 =	simm.s32 $0xC900  }
0x313: {  	[tilespmem:s28], [sflag:$0x2] =	stream.indirect_vreg.gather [hbm4b:s13+s3], $0x80, v2, vm0, $0xb8;
	[tilespmem:$0x18100] =	vst v63  }
0x314: {  	s28 =	simm.s32 $0xD100  }
0x315: {  	[tilespmem:s28], [sflag:$0x2] =	stream.indirect_vreg.gather [hbm4b:s14+s3], $0x80, v2, vm0, $0xb8;
	[tilespmem:$0x18100] =	vst v63  }
0x316: {  	s28 =	simm.s32 $0xD900  }
0x317: {  	[tilespmem:s28], [sflag:$0x2] =	stream.indirect_vreg.gather [hbm4b:s15+s3], $0x80, v2, vm0, $0xb8;
	[tilespmem:$0x18100] =	vst v63  }
0x318: {  	s28 =	simm.s32 $0xE100  }
0x319: {  	[tilespmem:s28], [sflag:$0x2] =	stream.indirect_vreg.gather [hbm4b:s16+s3], $0x80, v2, vm0, $0xb8;
	[tilespmem:$0x18100] =	vst v63  }
0x31a: {  	s28 =	simm.s32 $0xE900  }
0x31b: {  	[tilespmem:s28], [sflag:$0x2] =	stream.indirect_vreg.gather [hbm4b:s17+s3], $0x80, v2, vm0, $0xb8;
	[tilespmem:$0x18100] =	vst v63  }
0x31c: {  	s28 =	simm.s32 $0xF100  }
0x31d: {  	[tilespmem:s28], [sflag:$0x2] =	stream.indirect_vreg.gather [hbm4b:s18+s3], $0x80, v2, vm0, $0xb8;
	[tilespmem:$0x18100] =	vst v63  }
0x31e: {  	s28 =	simm.s32 $0xF900  }
0x31f: {  	[tilespmem:s28], [sflag:$0x2] =	stream.indirect_vreg.gather [hbm4b:s19+s3], $0x80, v2, vm0, $0xb8;
	[tilespmem:$0x18100] =	vst v63  }
0x320: {  	_ =	swait.ge [sflag:s1], $0x8000  }
0x321: {  	[sflag:s1] =	ssyncset.done $0x0  }
0x322: {  	s0 =	simm.s32 $0x100;
	s26 =	rddreg [dreg:$0x13];
	[sflag:s1] =	ssyncadd.s32 $0xFFFF8000  }
0x323: {  	[hbm4b:s26+s3] =	stream.linear.scatter [tilespmem:s0], [sflag:$0x4], $0x8000, $0x38;
	[tilespmem:$0x18100] =	vst v63  }
0x324: {  	_ =	swait.ge [sflag:s25], $0x8000  }
0x325: {  	[sflag:s25] =	ssyncset.done $0x0  }
0x326: {  	[sflag:s25] =	ssyncadd.s32 $0xFFFF8000  }
0x327: {  	v2 =	vld.msk [tilespmem:$0x88], $0xff;
	_ =	sdelay $0x4  }
0x328: {  	v3 =	vshll.u32 v2, $0x5  }
0x329: {  	v2 =	vand.u32 $0x7, v2;
	v3 =	vand.u32 $0xFFFFFF00, v3  }
0x32a: {  	v2 =	vor.u32 v2, v3  }
0x32b: {  	v2 =	vperm.xlane v2, v0;
	_ =	sdelay $0x1  }
0x32c: {  	v2 =	vadd.s32 v1, v2;
	_ =	sdelay $0x3  }
0x32d: {  	s29 =	simm.s32 $0x10100  }
0x32e: {  	[tilespmem:s29], [sflag:$0x3] =	stream.indirect_vreg.gather [hbm4b:s22+s3], $0x80, v2, vm0, $0xb8;
	[tilespmem:$0x18100] =	vst v63  }
0x32f: {  	s28 =	simm.s32 $0x10900  }
0x330: {  	[tilespmem:s28], [sflag:$0x3] =	stream.indirect_vreg.gather [hbm4b:s5+s3], $0x80, v2, vm0, $0xb8;
	[tilespmem:$0x18100] =	vst v63  }
0x331: {  	s28 =	simm.s32 $0x11100  }
0x332: {  	[tilespmem:s28], [sflag:$0x3] =	stream.indirect_vreg.gather [hbm4b:s6+s3], $0x80, v2, vm0, $0xb8;
	[tilespmem:$0x18100] =	vst v63  }
0x333: {  	s28 =	simm.s32 $0x11900  }
0x334: {  	[tilespmem:s28], [sflag:$0x3] =	stream.indirect_vreg.gather [hbm4b:s7+s3], $0x80, v2, vm0, $0xb8;
	[tilespmem:$0x18100] =	vst v63  }
0x335: {  	s28 =	simm.s32 $0x12100  }
0x336: {  	[tilespmem:s28], [sflag:$0x3] =	stream.indirect_vreg.gather [hbm4b:s8+s3], $0x80, v2, vm0, $0xb8;
	[tilespmem:$0x18100] =	vst v63  }
0x337: {  	s28 =	simm.s32 $0x12900  }
0x338: {  	[tilespmem:s28], [sflag:$0x3] =	stream.indirect_vreg.gather [hbm4b:s9+s3], $0x80, v2, vm0, $0xb8;
	[tilespmem:$0x18100] =	vst v63  }
0x339: {  	s28 =	simm.s32 $0x13100  }
0x33a: {  	[tilespmem:s28], [sflag:$0x3] =	stream.indirect_vreg.gather [hbm4b:s10+s3], $0x80, v2, vm0, $0xb8;
	[tilespmem:$0x18100] =	vst v63  }
0x33b: {  	s28 =	simm.s32 $0x13900  }
0x33c: {  	[tilespmem:s28], [sflag:$0x3] =	stream.indirect_vreg.gather [hbm4b:s11+s3], $0x80, v2, vm0, $0xb8;
	[tilespmem:$0x18100] =	vst v63  }
0x33d: {  	s28 =	simm.s32 $0x14100  }
0x33e: {  	[tilespmem:s28], [sflag:$0x3] =	stream.indirect_vreg.gather [hbm4b:s12+s3], $0x80, v2, vm0, $0xb8;
	[tilespmem:$0x18100] =	vst v63  }
0x33f: {  	s28 =	simm.s32 $0x14900  }
0x340: {  	[tilespmem:s28], [sflag:$0x3] =	stream.indirect_vreg.gather [hbm4b:s13+s3], $0x80, v2, vm0, $0xb8;
	[tilespmem:$0x18100] =	vst v63  }
0x341: {  	s28 =	simm.s32 $0x15100  }
0x342: {  	[tilespmem:s28], [sflag:$0x3] =	stream.indirect_vreg.gather [hbm4b:s14+s3], $0x80, v2, vm0, $0xb8;
	[tilespmem:$0x18100] =	vst v63  }
0x343: {  	s28 =	simm.s32 $0x15900  }
0x344: {  	[tilespmem:s28], [sflag:$0x3] =	stream.indirect_vreg.gather [hbm4b:s15+s3], $0x80, v2, vm0, $0xb8;
	[tilespmem:$0x18100] =	vst v63  }
0x345: {  	s28 =	simm.s32 $0x16100  }
0x346: {  	[tilespmem:s28], [sflag:$0x3] =	stream.indirect_vreg.gather [hbm4b:s16+s3], $0x80, v2, vm0, $0xb8;
	[tilespmem:$0x18100] =	vst v63  }
0x347: {  	s28 =	simm.s32 $0x16900  }
0x348: {  	[tilespmem:s28], [sflag:$0x3] =	stream.indirect_vreg.gather [hbm4b:s17+s3], $0x80, v2, vm0, $0xb8;
	[tilespmem:$0x18100] =	vst v63  }
0x349: {  	s28 =	simm.s32 $0x17100  }
0x34a: {  	[tilespmem:s28], [sflag:$0x3] =	stream.indirect_vreg.gather [hbm4b:s18+s3], $0x80, v2, vm0, $0xb8;
	[tilespmem:$0x18100] =	vst v63  }
0x34b: {  	s28 =	simm.s32 $0x17900  }
0x34c: {  	[tilespmem:s28], [sflag:$0x3] =	stream.indirect_vreg.gather [hbm4b:s19+s3], $0x80, v2, vm0, $0xb8;
	[tilespmem:$0x18100] =	vst v63  }
0x34d: {  	_ =	swait.ge [sflag:s21], $0x8000  }
0x34e: {  	[sflag:s21] =	ssyncset.done $0x0  }
0x34f: {  	s0 =	rddreg [dreg:$0x14];
	[sflag:s21] =	ssyncadd.s32 $0xFFFF8000  }
0x350: {  	[hbm4b:s0+s3] =	stream.linear.scatter [tilespmem:s2], [sflag:$0x5], $0x8000, $0x38;
	[tilespmem:$0x18100] =	vst v63  }
0x351: {  	_ =	swait.ge [sflag:s4], $0x8000  }
0x352: {  	[sflag:s4] =	ssyncset.done $0x0  }
0x353: {  	[sflag:s4] =	ssyncadd.s32 $0xFFFF8000  }
0x354: {  	v2 =	vld.msk [tilespmem:$0x90], $0xff;
	_ =	sdelay $0x4  }
0x355: {  	v3 =	vshll.u32 v2, $0x5  }
0x356: {  	v2 =	vand.u32 $0x7, v2;
	v3 =	vand.u32 $0xFFFFFF00, v3  }
0x357: {  	v2 =	vor.u32 v2, v3  }
0x358: {  	v2 =	vperm.xlane v2, v0;
	_ =	sdelay $0x1  }
0x359: {  	v2 =	vadd.s32 v1, v2;
	_ =	sdelay $0x3  }
0x35a: {  	s26 =	simm.s32 $0x100  }
0x35b: {  	[tilespmem:s26], [sflag:$0x1] =	stream.indirect_vreg.gather [hbm4b:s22+s3], $0x80, v2, vm0, $0xb8;
	[tilespmem:$0x18100] =	vst v63  }
0x35c: {  	s28 =	simm.s32 $0x900  }
0x35d: {  	[tilespmem:s28], [sflag:$0x1] =	stream.indirect_vreg.gather [hbm4b:s5+s3], $0x80, v2, vm0, $0xb8;
	[tilespmem:$0x18100] =	vst v63  }
0x35e: {  	s28 =	simm.s32 $0x1100  }
0x35f: {  	[tilespmem:s28], [sflag:$0x1] =	stream.indirect_vreg.gather [hbm4b:s6+s3], $0x80, v2, vm0, $0xb8;
	[tilespmem:$0x18100] =	vst v63  }
0x360: {  	s28 =	simm.s32 $0x1900  }
0x361: {  	[tilespmem:s28], [sflag:$0x1] =	stream.indirect_vreg.gather [hbm4b:s7+s3], $0x80, v2, vm0, $0xb8;
	[tilespmem:$0x18100] =	vst v63  }
0x362: {  	s28 =	simm.s32 $0x2100  }
0x363: {  	[tilespmem:s28], [sflag:$0x1] =	stream.indirect_vreg.gather [hbm4b:s8+s3], $0x80, v2, vm0, $0xb8;
	[tilespmem:$0x18100] =	vst v63  }
0x364: {  	s28 =	simm.s32 $0x2900  }
0x365: {  	[tilespmem:s28], [sflag:$0x1] =	stream.indirect_vreg.gather [hbm4b:s9+s3], $0x80, v2, vm0, $0xb8;
	[tilespmem:$0x18100] =	vst v63  }
0x366: {  	s28 =	simm.s32 $0x3100  }
0x367: {  	[tilespmem:s28], [sflag:$0x1] =	stream.indirect_vreg.gather [hbm4b:s10+s3], $0x80, v2, vm0, $0xb8;
	[tilespmem:$0x18100] =	vst v63  }
0x368: {  	s28 =	simm.s32 $0x3900  }
0x369: {  	[tilespmem:s28], [sflag:$0x1] =	stream.indirect_vreg.gather [hbm4b:s11+s3], $0x80, v2, vm0, $0xb8;
	[tilespmem:$0x18100] =	vst v63  }
0x36a: {  	s28 =	simm.s32 $0x4100  }
0x36b: {  	[tilespmem:s28], [sflag:$0x1] =	stream.indirect_vreg.gather [hbm4b:s12+s3], $0x80, v2, vm0, $0xb8;
	[tilespmem:$0x18100] =	vst v63  }
0x36c: {  	s28 =	simm.s32 $0x4900  }
0x36d: {  	[tilespmem:s28], [sflag:$0x1] =	stream.indirect_vreg.gather [hbm4b:s13+s3], $0x80, v2, vm0, $0xb8;
	[tilespmem:$0x18100] =	vst v63  }
0x36e: {  	s28 =	simm.s32 $0x5100  }
0x36f: {  	[tilespmem:s28], [sflag:$0x1] =	stream.indirect_vreg.gather [hbm4b:s14+s3], $0x80, v2, vm0, $0xb8;
	[tilespmem:$0x18100] =	vst v63  }
0x370: {  	s28 =	simm.s32 $0x5900  }
0x371: {  	[tilespmem:s28], [sflag:$0x1] =	stream.indirect_vreg.gather [hbm4b:s15+s3], $0x80, v2, vm0, $0xb8;
	[tilespmem:$0x18100] =	vst v63  }
0x372: {  	s28 =	simm.s32 $0x6100  }
0x373: {  	[tilespmem:s28], [sflag:$0x1] =	stream.indirect_vreg.gather [hbm4b:s16+s3], $0x80, v2, vm0, $0xb8;
	[tilespmem:$0x18100] =	vst v63  }
0x374: {  	s28 =	simm.s32 $0x6900  }
0x375: {  	[tilespmem:s28], [sflag:$0x1] =	stream.indirect_vreg.gather [hbm4b:s17+s3], $0x80, v2, vm0, $0xb8;
	[tilespmem:$0x18100] =	vst v63  }
0x376: {  	s28 =	simm.s32 $0x7100  }
0x377: {  	[tilespmem:s28], [sflag:$0x1] =	stream.indirect_vreg.gather [hbm4b:s18+s3], $0x80, v2, vm0, $0xb8;
	[tilespmem:$0x18100] =	vst v63  }
0x378: {  	s28 =	simm.s32 $0x7900  }
0x379: {  	[tilespmem:s28], [sflag:$0x1] =	stream.indirect_vreg.gather [hbm4b:s19+s3], $0x80, v2, vm0, $0xb8;
	[tilespmem:$0x18100] =	vst v63  }
0x37a: {  	_ =	swait.ge [sflag:s23], $0x8000  }
0x37b: {  	[sflag:s23] =	ssyncset.done $0x0  }
0x37c: {  	s28 =	rddreg [dreg:$0x15];
	[sflag:s23] =	ssyncadd.s32 $0xFFFF8000  }
0x37d: {  	[hbm4b:s28+s3] =	stream.linear.scatter [tilespmem:s29], [sflag:$0x6], $0x8000, $0x38;
	[tilespmem:$0x18100] =	vst v63  }
0x37e: {  	_ =	swait.ge [sflag:s24], $0x8000  }
0x37f: {  	[sflag:s24] =	ssyncset.done $0x0  }
0x380: {  	[sflag:s24] =	ssyncadd.s32 $0xFFFF8000  }
0x381: {  	v2 =	vld.msk [tilespmem:$0x98], $0xff;
	_ =	sdelay $0x4  }
0x382: {  	v3 =	vshll.u32 v2, $0x5  }
0x383: {  	v2 =	vand.u32 $0x7, v2;
	v3 =	vand.u32 $0xFFFFFF00, v3  }
0x384: {  	v2 =	vor.u32 v2, v3  }
0x385: {  	v2 =	vperm.xlane v2, v0;
	_ =	sdelay $0x1  }
0x386: {  	v2 =	vadd.s32 v1, v2;
	_ =	sdelay $0x4  }
0x387: {  	[tilespmem:s2], [sflag:$0x2] =	stream.indirect_vreg.gather [hbm4b:s22+s3], $0x80, v2, vm0, $0xb8;
	[tilespmem:$0x18100] =	vst v63  }
0x388: {  	s20 =	simm.s32 $0x8900  }
0x389: {  	[tilespmem:s20], [sflag:$0x2] =	stream.indirect_vreg.gather [hbm4b:s5+s3], $0x80, v2, vm0, $0xb8;
	[tilespmem:$0x18100] =	vst v63  }
0x38a: {  	s28 =	simm.s32 $0x9100  }
0x38b: {  	[tilespmem:s28], [sflag:$0x2] =	stream.indirect_vreg.gather [hbm4b:s6+s3], $0x80, v2, vm0, $0xb8;
	[tilespmem:$0x18100] =	vst v63  }
0x38c: {  	s28 =	simm.s32 $0x9900  }
0x38d: {  	[tilespmem:s28], [sflag:$0x2] =	stream.indirect_vreg.gather [hbm4b:s7+s3], $0x80, v2, vm0, $0xb8;
	[tilespmem:$0x18100] =	vst v63  }
0x38e: {  	s28 =	simm.s32 $0xA100  }
0x38f: {  	[tilespmem:s28], [sflag:$0x2] =	stream.indirect_vreg.gather [hbm4b:s8+s3], $0x80, v2, vm0, $0xb8;
	[tilespmem:$0x18100] =	vst v63  }
0x390: {  	s28 =	simm.s32 $0xA900  }
0x391: {  	[tilespmem:s28], [sflag:$0x2] =	stream.indirect_vreg.gather [hbm4b:s9+s3], $0x80, v2, vm0, $0xb8;
	[tilespmem:$0x18100] =	vst v63  }
0x392: {  	s28 =	simm.s32 $0xB100  }
0x393: {  	[tilespmem:s28], [sflag:$0x2] =	stream.indirect_vreg.gather [hbm4b:s10+s3], $0x80, v2, vm0, $0xb8;
	[tilespmem:$0x18100] =	vst v63  }
0x394: {  	s30 =	simm.s32 $0xB900  }
0x395: {  	[tilespmem:s30], [sflag:$0x2] =	stream.indirect_vreg.gather [hbm4b:s11+s3], $0x80, v2, vm0, $0xb8;
	[tilespmem:$0x18100] =	vst v63  }
0x396: {  	s31 =	simm.s32 $0xC100  }
0x397: {  	[tilespmem:s31], [sflag:$0x2] =	stream.indirect_vreg.gather [hbm4b:s12+s3], $0x80, v2, vm0, $0xb8;
	[tilespmem:$0x18100] =	vst v63  }
0x398: {  	s28 =	simm.s32 $0xC900  }
0x399: {  	[tilespmem:s28], [sflag:$0x2] =	stream.indirect_vreg.gather [hbm4b:s13+s3], $0x80, v2, vm0, $0xb8;
	[tilespmem:$0x18100] =	vst v63  }
0x39a: {  	s28 =	simm.s32 $0xD100  }
0x39b: {  	[tilespmem:s28], [sflag:$0x2] =	stream.indirect_vreg.gather [hbm4b:s14+s3], $0x80, v2, vm0, $0xb8;
	[tilespmem:$0x18100] =	vst v63  }
0x39c: {  	s28 =	simm.s32 $0xD900  }
0x39d: {  	[tilespmem:s28], [sflag:$0x2] =	stream.indirect_vreg.gather [hbm4b:s15+s3], $0x80, v2, vm0, $0xb8;
	[tilespmem:$0x18100] =	vst v63  }
0x39e: {  	s28 =	simm.s32 $0xE100  }
0x39f: {  	[tilespmem:s28], [sflag:$0x2] =	stream.indirect_vreg.gather [hbm4b:s16+s3], $0x80, v2, vm0, $0xb8;
	[tilespmem:$0x18100] =	vst v63  }
0x3a0: {  	s28 =	simm.s32 $0xE900  }
0x3a1: {  	[tilespmem:s28], [sflag:$0x2] =	stream.indirect_vreg.gather [hbm4b:s17+s3], $0x80, v2, vm0, $0xb8;
	[tilespmem:$0x18100] =	vst v63  }
0x3a2: {  	s28 =	simm.s32 $0xF100  }
0x3a3: {  	[tilespmem:s28], [sflag:$0x2] =	stream.indirect_vreg.gather [hbm4b:s18+s3], $0x80, v2, vm0, $0xb8;
	[tilespmem:$0x18100] =	vst v63  }
0x3a4: {  	s28 =	simm.s32 $0xF900  }
0x3a5: {  	[tilespmem:s28], [sflag:$0x2] =	stream.indirect_vreg.gather [hbm4b:s19+s3], $0x80, v2, vm0, $0xb8;
	[tilespmem:$0x18100] =	vst v63  }
0x3a6: {  	_ =	swait.ge [sflag:s1], $0x8000  }
0x3a7: {  	[sflag:s1] =	ssyncset.done $0x0  }
0x3a8: {  	s28 =	rddreg [dreg:$0x16];
	[sflag:s1] =	ssyncadd.s32 $0xFFFF8000  }
0x3a9: {  	[hbm4b:s28+s3] =	stream.linear.scatter [tilespmem:s26], [sflag:$0x4], $0x8000, $0x38;
	[tilespmem:$0x18100] =	vst v63  }
0x3aa: {  	_ =	swait.ge [sflag:s25], $0x8000  }
0x3ab: {  	[sflag:s25] =	ssyncset.done $0x0  }
0x3ac: {  	[sflag:s25] =	ssyncadd.s32 $0xFFFF8000  }
0x3ad: {  	v2 =	vld.msk [tilespmem:$0xA0], $0xff;
	_ =	sdelay $0x4  }
0x3ae: {  	v3 =	vshll.u32 v2, $0x5  }
0x3af: {  	v2 =	vand.u32 $0x7, v2;
	v3 =	vand.u32 $0xFFFFFF00, v3  }
0x3b0: {  	v2 =	vor.u32 v2, v3  }
0x3b1: {  	v2 =	vperm.xlane v2, v0;
	_ =	sdelay $0x1  }
0x3b2: {  	v2 =	vadd.s32 v1, v2;
	_ =	sdelay $0x4  }
0x3b3: {  	[tilespmem:s29], [sflag:$0x3] =	stream.indirect_vreg.gather [hbm4b:s22+s3], $0x80, v2, vm0, $0xb8;
	[tilespmem:$0x18100] =	vst v63  }
0x3b4: {  	s28 =	simm.s32 $0x10900  }
0x3b5: {  	[tilespmem:s28], [sflag:$0x3] =	stream.indirect_vreg.gather [hbm4b:s5+s3], $0x80, v2, vm0, $0xb8;
	[tilespmem:$0x18100] =	vst v63  }
0x3b6: {  	s28 =	simm.s32 $0x11100  }
0x3b7: {  	[tilespmem:s28], [sflag:$0x3] =	stream.indirect_vreg.gather [hbm4b:s6+s3], $0x80, v2, vm0, $0xb8;
	[tilespmem:$0x18100] =	vst v63  }
0x3b8: {  	s28 =	simm.s32 $0x11900  }
0x3b9: {  	[tilespmem:s28], [sflag:$0x3] =	stream.indirect_vreg.gather [hbm4b:s7+s3], $0x80, v2, vm0, $0xb8;
	[tilespmem:$0x18100] =	vst v63  }
0x3ba: {  	s28 =	simm.s32 $0x12100  }
0x3bb: {  	[tilespmem:s28], [sflag:$0x3] =	stream.indirect_vreg.gather [hbm4b:s8+s3], $0x80, v2, vm0, $0xb8;
	[tilespmem:$0x18100] =	vst v63  }
0x3bc: {  	s28 =	simm.s32 $0x12900  }
0x3bd: {  	[tilespmem:s28], [sflag:$0x3] =	stream.indirect_vreg.gather [hbm4b:s9+s3], $0x80, v2, vm0, $0xb8;
	[tilespmem:$0x18100] =	vst v63  }
0x3be: {  	s28 =	simm.s32 $0x13100  }
0x3bf: {  	[tilespmem:s28], [sflag:$0x3] =	stream.indirect_vreg.gather [hbm4b:s10+s3], $0x80, v2, vm0, $0xb8;
	[tilespmem:$0x18100] =	vst v63  }
0x3c0: {  	s28 =	simm.s32 $0x13900  }
0x3c1: {  	[tilespmem:s28], [sflag:$0x3] =	stream.indirect_vreg.gather [hbm4b:s11+s3], $0x80, v2, vm0, $0xb8;
	[tilespmem:$0x18100] =	vst v63  }
0x3c2: {  	s28 =	simm.s32 $0x14100  }
0x3c3: {  	[tilespmem:s28], [sflag:$0x3] =	stream.indirect_vreg.gather [hbm4b:s12+s3], $0x80, v2, vm0, $0xb8;
	[tilespmem:$0x18100] =	vst v63  }
0x3c4: {  	s28 =	simm.s32 $0x14900  }
0x3c5: {  	[tilespmem:s28], [sflag:$0x3] =	stream.indirect_vreg.gather [hbm4b:s13+s3], $0x80, v2, vm0, $0xb8;
	[tilespmem:$0x18100] =	vst v63  }
0x3c6: {  	s28 =	simm.s32 $0x15100  }
0x3c7: {  	[tilespmem:s28], [sflag:$0x3] =	stream.indirect_vreg.gather [hbm4b:s14+s3], $0x80, v2, vm0, $0xb8;
	[tilespmem:$0x18100] =	vst v63  }
0x3c8: {  	s28 =	simm.s32 $0x15900  }
0x3c9: {  	[tilespmem:s28], [sflag:$0x3] =	stream.indirect_vreg.gather [hbm4b:s15+s3], $0x80, v2, vm0, $0xb8;
	[tilespmem:$0x18100] =	vst v63  }
0x3ca: {  	s28 =	simm.s32 $0x16100  }
0x3cb: {  	[tilespmem:s28], [sflag:$0x3] =	stream.indirect_vreg.gather [hbm4b:s16+s3], $0x80, v2, vm0, $0xb8;
	[tilespmem:$0x18100] =	vst v63  }
0x3cc: {  	s28 =	simm.s32 $0x16900  }
0x3cd: {  	[tilespmem:s28], [sflag:$0x3] =	stream.indirect_vreg.gather [hbm4b:s17+s3], $0x80, v2, vm0, $0xb8;
	[tilespmem:$0x18100] =	vst v63  }
0x3ce: {  	s28 =	simm.s32 $0x17100  }
0x3cf: {  	[tilespmem:s28], [sflag:$0x3] =	stream.indirect_vreg.gather [hbm4b:s18+s3], $0x80, v2, vm0, $0xb8;
	[tilespmem:$0x18100] =	vst v63  }
0x3d0: {  	s28 =	simm.s32 $0x17900  }
0x3d1: {  	[tilespmem:s28], [sflag:$0x3] =	stream.indirect_vreg.gather [hbm4b:s19+s3], $0x80, v2, vm0, $0xb8;
	[tilespmem:$0x18100] =	vst v63  }
0x3d2: {  	_ =	swait.ge [sflag:s21], $0x8000  }
0x3d3: {  	[sflag:s21] =	ssyncset.done $0x0  }
0x3d4: {  	s28 =	rddreg [dreg:$0x17];
	[sflag:s21] =	ssyncadd.s32 $0xFFFF8000  }
0x3d5: {  	[hbm4b:s28+s3] =	stream.linear.scatter [tilespmem:s2], [sflag:$0x5], $0x8000, $0x38;
	[tilespmem:$0x18100] =	vst v63  }
0x3d6: {  	_ =	swait.ge [sflag:s4], $0x8000  }
0x3d7: {  	[sflag:s4] =	ssyncset.done $0x0  }
0x3d8: {  	[sflag:s4] =	ssyncadd.s32 $0xFFFF8000  }
0x3d9: {  	v2 =	vld.msk [tilespmem:$0xA8], $0xff;
	_ =	sdelay $0x4  }
0x3da: {  	v3 =	vshll.u32 v2, $0x5  }
0x3db: {  	v2 =	vand.u32 $0x7, v2;
	v3 =	vand.u32 $0xFFFFFF00, v3  }
0x3dc: {  	v2 =	vor.u32 v2, v3  }
0x3dd: {  	v2 =	vperm.xlane v2, v0;
	_ =	sdelay $0x1  }
0x3de: {  	v2 =	vadd.s32 v1, v2;
	_ =	sdelay $0x4  }
0x3df: {  	[tilespmem:s26], [sflag:$0x1] =	stream.indirect_vreg.gather [hbm4b:s22+s3], $0x80, v2, vm0, $0xb8;
	[tilespmem:$0x18100] =	vst v63  }
0x3e0: {  	s28 =	simm.s32 $0x900  }
0x3e1: {  	[tilespmem:s28], [sflag:$0x1] =	stream.indirect_vreg.gather [hbm4b:s5+s3], $0x80, v2, vm0, $0xb8;
	[tilespmem:$0x18100] =	vst v63  }
0x3e2: {  	s0 =	simm.s32 $0x1100  }
0x3e3: {  	[tilespmem:s0], [sflag:$0x1] =	stream.indirect_vreg.gather [hbm4b:s6+s3], $0x80, v2, vm0, $0xb8;
	[tilespmem:$0x18100] =	vst v63  }
0x3e4: {  	s28 =	simm.s32 $0x1900  }
0x3e5: {  	[tilespmem:s28], [sflag:$0x1] =	stream.indirect_vreg.gather [hbm4b:s7+s3], $0x80, v2, vm0, $0xb8;
	[tilespmem:$0x18100] =	vst v63  }
0x3e6: {  	s28 =	simm.s32 $0x2100  }
0x3e7: {  	[tilespmem:s28], [sflag:$0x1] =	stream.indirect_vreg.gather [hbm4b:s8+s3], $0x80, v2, vm0, $0xb8;
	[tilespmem:$0x18100] =	vst v63  }
0x3e8: {  	s28 =	simm.s32 $0x2900  }
0x3e9: {  	[tilespmem:s28], [sflag:$0x1] =	stream.indirect_vreg.gather [hbm4b:s9+s3], $0x80, v2, vm0, $0xb8;
	[tilespmem:$0x18100] =	vst v63  }
0x3ea: {  	s28 =	simm.s32 $0x3100  }
0x3eb: {  	[tilespmem:s28], [sflag:$0x1] =	stream.indirect_vreg.gather [hbm4b:s10+s3], $0x80, v2, vm0, $0xb8;
	[tilespmem:$0x18100] =	vst v63  }
0x3ec: {  	s28 =	simm.s32 $0x3900  }
0x3ed: {  	[tilespmem:s28], [sflag:$0x1] =	stream.indirect_vreg.gather [hbm4b:s11+s3], $0x80, v2, vm0, $0xb8;
	[tilespmem:$0x18100] =	vst v63  }
0x3ee: {  	s28 =	simm.s32 $0x4100  }
0x3ef: {  	[tilespmem:s28], [sflag:$0x1] =	stream.indirect_vreg.gather [hbm4b:s12+s3], $0x80, v2, vm0, $0xb8;
	[tilespmem:$0x18100] =	vst v63  }
0x3f0: {  	s28 =	simm.s32 $0x4900  }
0x3f1: {  	[tilespmem:s28], [sflag:$0x1] =	stream.indirect_vreg.gather [hbm4b:s13+s3], $0x80, v2, vm0, $0xb8;
	[tilespmem:$0x18100] =	vst v63  }
0x3f2: {  	s28 =	simm.s32 $0x5100  }
0x3f3: {  	[tilespmem:s28], [sflag:$0x1] =	stream.indirect_vreg.gather [hbm4b:s14+s3], $0x80, v2, vm0, $0xb8;
	[tilespmem:$0x18100] =	vst v63  }
0x3f4: {  	s28 =	simm.s32 $0x5900  }
0x3f5: {  	[tilespmem:s28], [sflag:$0x1] =	stream.indirect_vreg.gather [hbm4b:s15+s3], $0x80, v2, vm0, $0xb8;
	[tilespmem:$0x18100] =	vst v63  }
0x3f6: {  	s28 =	simm.s32 $0x6100  }
0x3f7: {  	[tilespmem:s28], [sflag:$0x1] =	stream.indirect_vreg.gather [hbm4b:s16+s3], $0x80, v2, vm0, $0xb8;
	[tilespmem:$0x18100] =	vst v63  }
0x3f8: {  	s28 =	simm.s32 $0x6900  }
0x3f9: {  	[tilespmem:s28], [sflag:$0x1] =	stream.indirect_vreg.gather [hbm4b:s17+s3], $0x80, v2, vm0, $0xb8;
	[tilespmem:$0x18100] =	vst v63  }
0x3fa: {  	s28 =	simm.s32 $0x7100  }
0x3fb: {  	[tilespmem:s28], [sflag:$0x1] =	stream.indirect_vreg.gather [hbm4b:s18+s3], $0x80, v2, vm0, $0xb8;
	[tilespmem:$0x18100] =	vst v63  }
0x3fc: {  	s28 =	simm.s32 $0x7900  }
0x3fd: {  	[tilespmem:s28], [sflag:$0x1] =	stream.indirect_vreg.gather [hbm4b:s19+s3], $0x80, v2, vm0, $0xb8;
	[tilespmem:$0x18100] =	vst v63  }
0x3fe: {  	_ =	swait.ge [sflag:s23], $0x8000  }
0x3ff: {  	[sflag:s23] =	ssyncset.done $0x0  }
0x400: {  	s28 =	rddreg [dreg:$0x18];
	[sflag:s23] =	ssyncadd.s32 $0xFFFF8000  }
0x401: {  	[hbm4b:s28+s3] =	stream.linear.scatter [tilespmem:s29], [sflag:$0x6], $0x8000, $0x38;
	[tilespmem:$0x18100] =	vst v63  }
0x402: {  	_ =	swait.ge [sflag:s24], $0x8000  }
0x403: {  	[sflag:s24] =	ssyncset.done $0x0  }
0x404: {  	[sflag:s24] =	ssyncadd.s32 $0xFFFF8000  }
0x405: {  	v2 =	vld.msk [tilespmem:$0xB0], $0xff;
	_ =	sdelay $0x4  }
0x406: {  	v3 =	vshll.u32 v2, $0x5  }
0x407: {  	v2 =	vand.u32 $0x7, v2;
	v3 =	vand.u32 $0xFFFFFF00, v3  }
0x408: {  	v2 =	vor.u32 v2, v3  }
0x409: {  	v2 =	vperm.xlane v2, v0;
	_ =	sdelay $0x1  }
0x40a: {  	v2 =	vadd.s32 v1, v2;
	_ =	sdelay $0x4  }
0x40b: {  	[tilespmem:s2], [sflag:$0x2] =	stream.indirect_vreg.gather [hbm4b:s22+s3], $0x80, v2, vm0, $0xb8;
	[tilespmem:$0x18100] =	vst v63  }
0x40c: {  	s20 =	simm.s32 $0x8900  }
0x40d: {  	[tilespmem:s20], [sflag:$0x2] =	stream.indirect_vreg.gather [hbm4b:s5+s3], $0x80, v2, vm0, $0xb8;
	[tilespmem:$0x18100] =	vst v63  }
0x40e: {  	s28 =	simm.s32 $0x9100  }
0x40f: {  	[tilespmem:s28], [sflag:$0x2] =	stream.indirect_vreg.gather [hbm4b:s6+s3], $0x80, v2, vm0, $0xb8;
	[tilespmem:$0x18100] =	vst v63  }
0x410: {  	s28 =	simm.s32 $0x9900  }
0x411: {  	[tilespmem:s28], [sflag:$0x2] =	stream.indirect_vreg.gather [hbm4b:s7+s3], $0x80, v2, vm0, $0xb8;
	[tilespmem:$0x18100] =	vst v63  }
0x412: {  	s28 =	simm.s32 $0xA100  }
0x413: {  	[tilespmem:s28], [sflag:$0x2] =	stream.indirect_vreg.gather [hbm4b:s8+s3], $0x80, v2, vm0, $0xb8;
	[tilespmem:$0x18100] =	vst v63  }
0x414: {  	s28 =	simm.s32 $0xA900  }
0x415: {  	[tilespmem:s28], [sflag:$0x2] =	stream.indirect_vreg.gather [hbm4b:s9+s3], $0x80, v2, vm0, $0xb8;
	[tilespmem:$0x18100] =	vst v63  }
0x416: {  	s28 =	simm.s32 $0xB100  }
0x417: {  	[tilespmem:s28], [sflag:$0x2] =	stream.indirect_vreg.gather [hbm4b:s10+s3], $0x80, v2, vm0, $0xb8;
	[tilespmem:$0x18100] =	vst v63  }
0x418: {  	s30 =	simm.s32 $0xB900  }
0x419: {  	[tilespmem:s30], [sflag:$0x2] =	stream.indirect_vreg.gather [hbm4b:s11+s3], $0x80, v2, vm0, $0xb8;
	[tilespmem:$0x18100] =	vst v63  }
0x41a: {  	s31 =	simm.s32 $0xC100  }
0x41b: {  	[tilespmem:s31], [sflag:$0x2] =	stream.indirect_vreg.gather [hbm4b:s12+s3], $0x80, v2, vm0, $0xb8;
	[tilespmem:$0x18100] =	vst v63  }
0x41c: {  	s28 =	simm.s32 $0xC900  }
0x41d: {  	[tilespmem:s28], [sflag:$0x2] =	stream.indirect_vreg.gather [hbm4b:s13+s3], $0x80, v2, vm0, $0xb8;
	[tilespmem:$0x18100] =	vst v63  }
0x41e: {  	s28 =	simm.s32 $0xD100  }
0x41f: {  	[tilespmem:s28], [sflag:$0x2] =	stream.indirect_vreg.gather [hbm4b:s14+s3], $0x80, v2, vm0, $0xb8;
	[tilespmem:$0x18100] =	vst v63  }
0x420: {  	s28 =	simm.s32 $0xD900  }
0x421: {  	[tilespmem:s28], [sflag:$0x2] =	stream.indirect_vreg.gather [hbm4b:s15+s3], $0x80, v2, vm0, $0xb8;
	[tilespmem:$0x18100] =	vst v63  }
0x422: {  	s28 =	simm.s32 $0xE100  }
0x423: {  	[tilespmem:s28], [sflag:$0x2] =	stream.indirect_vreg.gather [hbm4b:s16+s3], $0x80, v2, vm0, $0xb8;
	[tilespmem:$0x18100] =	vst v63  }
0x424: {  	s28 =	simm.s32 $0xE900  }
0x425: {  	[tilespmem:s28], [sflag:$0x2] =	stream.indirect_vreg.gather [hbm4b:s17+s3], $0x80, v2, vm0, $0xb8;
	[tilespmem:$0x18100] =	vst v63  }
0x426: {  	s28 =	simm.s32 $0xF100  }
0x427: {  	[tilespmem:s28], [sflag:$0x2] =	stream.indirect_vreg.gather [hbm4b:s18+s3], $0x80, v2, vm0, $0xb8;
	[tilespmem:$0x18100] =	vst v63  }
0x428: {  	s28 =	simm.s32 $0xF900  }
0x429: {  	[tilespmem:s28], [sflag:$0x2] =	stream.indirect_vreg.gather [hbm4b:s19+s3], $0x80, v2, vm0, $0xb8;
	[tilespmem:$0x18100] =	vst v63  }
0x42a: {  	_ =	swait.ge [sflag:s1], $0x8000  }
0x42b: {  	[sflag:s1] =	ssyncset.done $0x0  }
0x42c: {  	s28 =	rddreg [dreg:$0x19];
	[sflag:s1] =	ssyncadd.s32 $0xFFFF8000  }
0x42d: {  	[hbm4b:s28+s3] =	stream.linear.scatter [tilespmem:s26], [sflag:$0x4], $0x8000, $0x38;
	[tilespmem:$0x18100] =	vst v63  }
0x42e: {  	_ =	swait.ge [sflag:s25], $0x8000  }
0x42f: {  	[sflag:s25] =	ssyncset.done $0x0  }
0x430: {  	[sflag:s25] =	ssyncadd.s32 $0xFFFF8000  }
0x431: {  	v2 =	vld.msk [tilespmem:$0xB8], $0xff;
	_ =	sdelay $0x4  }
0x432: {  	v3 =	vshll.u32 v2, $0x5  }
0x433: {  	v2 =	vand.u32 $0x7, v2;
	v3 =	vand.u32 $0xFFFFFF00, v3  }
0x434: {  	v2 =	vor.u32 v2, v3  }
0x435: {  	v2 =	vperm.xlane v2, v0;
	_ =	sdelay $0x1  }
0x436: {  	v2 =	vadd.s32 v1, v2;
	_ =	sdelay $0x4  }
0x437: {  	[tilespmem:s29], [sflag:$0x3] =	stream.indirect_vreg.gather [hbm4b:s22+s3], $0x80, v2, vm0, $0xb8;
	[tilespmem:$0x18100] =	vst v63  }
0x438: {  	s28 =	simm.s32 $0x10900  }
0x439: {  	[tilespmem:s28], [sflag:$0x3] =	stream.indirect_vreg.gather [hbm4b:s5+s3], $0x80, v2, vm0, $0xb8;
	[tilespmem:$0x18100] =	vst v63  }
0x43a: {  	s28 =	simm.s32 $0x11100  }
0x43b: {  	[tilespmem:s28], [sflag:$0x3] =	stream.indirect_vreg.gather [hbm4b:s6+s3], $0x80, v2, vm0, $0xb8;
	[tilespmem:$0x18100] =	vst v63  }
0x43c: {  	s28 =	simm.s32 $0x11900  }
0x43d: {  	[tilespmem:s28], [sflag:$0x3] =	stream.indirect_vreg.gather [hbm4b:s7+s3], $0x80, v2, vm0, $0xb8;
	[tilespmem:$0x18100] =	vst v63  }
0x43e: {  	s28 =	simm.s32 $0x12100  }
0x43f: {  	[tilespmem:s28], [sflag:$0x3] =	stream.indirect_vreg.gather [hbm4b:s8+s3], $0x80, v2, vm0, $0xb8;
	[tilespmem:$0x18100] =	vst v63  }
0x440: {  	s28 =	simm.s32 $0x12900  }
0x441: {  	[tilespmem:s28], [sflag:$0x3] =	stream.indirect_vreg.gather [hbm4b:s9+s3], $0x80, v2, vm0, $0xb8;
	[tilespmem:$0x18100] =	vst v63  }
0x442: {  	s28 =	simm.s32 $0x13100  }
0x443: {  	[tilespmem:s28], [sflag:$0x3] =	stream.indirect_vreg.gather [hbm4b:s10+s3], $0x80, v2, vm0, $0xb8;
	[tilespmem:$0x18100] =	vst v63  }
0x444: {  	s28 =	simm.s32 $0x13900  }
0x445: {  	[tilespmem:s28], [sflag:$0x3] =	stream.indirect_vreg.gather [hbm4b:s11+s3], $0x80, v2, vm0, $0xb8;
	[tilespmem:$0x18100] =	vst v63  }
0x446: {  	s28 =	simm.s32 $0x14100  }
0x447: {  	[tilespmem:s28], [sflag:$0x3] =	stream.indirect_vreg.gather [hbm4b:s12+s3], $0x80, v2, vm0, $0xb8;
	[tilespmem:$0x18100] =	vst v63  }
0x448: {  	s28 =	simm.s32 $0x14900  }
0x449: {  	[tilespmem:s28], [sflag:$0x3] =	stream.indirect_vreg.gather [hbm4b:s13+s3], $0x80, v2, vm0, $0xb8;
	[tilespmem:$0x18100] =	vst v63  }
0x44a: {  	s28 =	simm.s32 $0x15100  }
0x44b: {  	[tilespmem:s28], [sflag:$0x3] =	stream.indirect_vreg.gather [hbm4b:s14+s3], $0x80, v2, vm0, $0xb8;
	[tilespmem:$0x18100] =	vst v63  }
0x44c: {  	s28 =	simm.s32 $0x15900  }
0x44d: {  	[tilespmem:s28], [sflag:$0x3] =	stream.indirect_vreg.gather [hbm4b:s15+s3], $0x80, v2, vm0, $0xb8;
	[tilespmem:$0x18100] =	vst v63  }
0x44e: {  	s28 =	simm.s32 $0x16100  }
0x44f: {  	[tilespmem:s28], [sflag:$0x3] =	stream.indirect_vreg.gather [hbm4b:s16+s3], $0x80, v2, vm0, $0xb8;
	[tilespmem:$0x18100] =	vst v63  }
0x450: {  	s28 =	simm.s32 $0x16900  }
0x451: {  	[tilespmem:s28], [sflag:$0x3] =	stream.indirect_vreg.gather [hbm4b:s17+s3], $0x80, v2, vm0, $0xb8;
	[tilespmem:$0x18100] =	vst v63  }
0x452: {  	s28 =	simm.s32 $0x17100  }
0x453: {  	[tilespmem:s28], [sflag:$0x3] =	stream.indirect_vreg.gather [hbm4b:s18+s3], $0x80, v2, vm0, $0xb8;
	[tilespmem:$0x18100] =	vst v63  }
0x454: {  	s28 =	simm.s32 $0x17900  }
0x455: {  	[tilespmem:s28], [sflag:$0x3] =	stream.indirect_vreg.gather [hbm4b:s19+s3], $0x80, v2, vm0, $0xb8;
	[tilespmem:$0x18100] =	vst v63  }
0x456: {  	_ =	swait.ge [sflag:s21], $0x8000  }
0x457: {  	[sflag:s21] =	ssyncset.done $0x0  }
0x458: {  	s28 =	rddreg [dreg:$0x1a];
	[sflag:s21] =	ssyncadd.s32 $0xFFFF8000  }
0x459: {  	[hbm4b:s28+s3] =	stream.linear.scatter [tilespmem:s2], [sflag:$0x5], $0x8000, $0x38;
	[tilespmem:$0x18100] =	vst v63  }
0x45a: {  	_ =	swait.ge [sflag:s4], $0x8000  }
0x45b: {  	[sflag:s4] =	ssyncset.done $0x0  }
0x45c: {  	[sflag:s4] =	ssyncadd.s32 $0xFFFF8000  }
0x45d: {  	v2 =	vld.msk [tilespmem:$0xC0], $0xff;
	_ =	sdelay $0x4  }
0x45e: {  	v3 =	vshll.u32 v2, $0x5  }
0x45f: {  	v2 =	vand.u32 $0x7, v2;
	v3 =	vand.u32 $0xFFFFFF00, v3  }
0x460: {  	v2 =	vor.u32 v2, v3  }
0x461: {  	v2 =	vperm.xlane v2, v0;
	_ =	sdelay $0x1  }
0x462: {  	v2 =	vadd.s32 v1, v2;
	_ =	sdelay $0x4  }
0x463: {  	[tilespmem:s26], [sflag:$0x1] =	stream.indirect_vreg.gather [hbm4b:s22+s3], $0x80, v2, vm0, $0xb8;
	[tilespmem:$0x18100] =	vst v63  }
0x464: {  	s28 =	simm.s32 $0x900  }
0x465: {  	[tilespmem:s28], [sflag:$0x1] =	stream.indirect_vreg.gather [hbm4b:s5+s3], $0x80, v2, vm0, $0xb8;
	[tilespmem:$0x18100] =	vst v63  }
0x466: {  	s0 =	simm.s32 $0x1100  }
0x467: {  	[tilespmem:s0], [sflag:$0x1] =	stream.indirect_vreg.gather [hbm4b:s6+s3], $0x80, v2, vm0, $0xb8;
	[tilespmem:$0x18100] =	vst v63  }
0x468: {  	s28 =	simm.s32 $0x1900  }
0x469: {  	[tilespmem:s28], [sflag:$0x1] =	stream.indirect_vreg.gather [hbm4b:s7+s3], $0x80, v2, vm0, $0xb8;
	[tilespmem:$0x18100] =	vst v63  }
0x46a: {  	s28 =	simm.s32 $0x2100  }
0x46b: {  	[tilespmem:s28], [sflag:$0x1] =	stream.indirect_vreg.gather [hbm4b:s8+s3], $0x80, v2, vm0, $0xb8;
	[tilespmem:$0x18100] =	vst v63  }
0x46c: {  	s28 =	simm.s32 $0x2900  }
0x46d: {  	[tilespmem:s28], [sflag:$0x1] =	stream.indirect_vreg.gather [hbm4b:s9+s3], $0x80, v2, vm0, $0xb8;
	[tilespmem:$0x18100] =	vst v63  }
0x46e: {  	s28 =	simm.s32 $0x3100  }
0x46f: {  	[tilespmem:s28], [sflag:$0x1] =	stream.indirect_vreg.gather [hbm4b:s10+s3], $0x80, v2, vm0, $0xb8;
	[tilespmem:$0x18100] =	vst v63  }
0x470: {  	s28 =	simm.s32 $0x3900  }
0x471: {  	[tilespmem:s28], [sflag:$0x1] =	stream.indirect_vreg.gather [hbm4b:s11+s3], $0x80, v2, vm0, $0xb8;
	[tilespmem:$0x18100] =	vst v63  }
0x472: {  	s28 =	simm.s32 $0x4100  }
0x473: {  	[tilespmem:s28], [sflag:$0x1] =	stream.indirect_vreg.gather [hbm4b:s12+s3], $0x80, v2, vm0, $0xb8;
	[tilespmem:$0x18100] =	vst v63  }
0x474: {  	s28 =	simm.s32 $0x4900  }
0x475: {  	[tilespmem:s28], [sflag:$0x1] =	stream.indirect_vreg.gather [hbm4b:s13+s3], $0x80, v2, vm0, $0xb8;
	[tilespmem:$0x18100] =	vst v63  }
0x476: {  	s28 =	simm.s32 $0x5100  }
0x477: {  	[tilespmem:s28], [sflag:$0x1] =	stream.indirect_vreg.gather [hbm4b:s14+s3], $0x80, v2, vm0, $0xb8;
	[tilespmem:$0x18100] =	vst v63  }
0x478: {  	s28 =	simm.s32 $0x5900  }
0x479: {  	[tilespmem:s28], [sflag:$0x1] =	stream.indirect_vreg.gather [hbm4b:s15+s3], $0x80, v2, vm0, $0xb8;
	[tilespmem:$0x18100] =	vst v63  }
0x47a: {  	s28 =	simm.s32 $0x6100  }
0x47b: {  	[tilespmem:s28], [sflag:$0x1] =	stream.indirect_vreg.gather [hbm4b:s16+s3], $0x80, v2, vm0, $0xb8;
	[tilespmem:$0x18100] =	vst v63  }
0x47c: {  	s28 =	simm.s32 $0x6900  }
0x47d: {  	[tilespmem:s28], [sflag:$0x1] =	stream.indirect_vreg.gather [hbm4b:s17+s3], $0x80, v2, vm0, $0xb8;
	[tilespmem:$0x18100] =	vst v63  }
0x47e: {  	s28 =	simm.s32 $0x7100  }
0x47f: {  	[tilespmem:s28], [sflag:$0x1] =	stream.indirect_vreg.gather [hbm4b:s18+s3], $0x80, v2, vm0, $0xb8;
	[tilespmem:$0x18100] =	vst v63  }
0x480: {  	s28 =	simm.s32 $0x7900  }
0x481: {  	[tilespmem:s28], [sflag:$0x1] =	stream.indirect_vreg.gather [hbm4b:s19+s3], $0x80, v2, vm0, $0xb8;
	[tilespmem:$0x18100] =	vst v63  }
0x482: {  	_ =	swait.ge [sflag:s23], $0x8000  }
0x483: {  	[sflag:s23] =	ssyncset.done $0x0  }
0x484: {  	s0 =	rddreg [dreg:$0x1b];
	[sflag:s23] =	ssyncadd.s32 $0xFFFF8000  }
0x485: {  	[hbm4b:s0+s3] =	stream.linear.scatter [tilespmem:s29], [sflag:$0x6], $0x8000, $0x38;
	[tilespmem:$0x18100] =	vst v63  }
0x486: {  	_ =	swait.ge [sflag:s24], $0x8000  }
0x487: {  	[sflag:s24] =	ssyncset.done $0x0  }
0x488: {  	[sflag:s24] =	ssyncadd.s32 $0xFFFF8000  }
0x489: {  	v2 =	vld.msk [tilespmem:$0xC8], $0xff;
	_ =	sdelay $0x4  }
0x48a: {  	v3 =	vshll.u32 v2, $0x5  }
0x48b: {  	v2 =	vand.u32 $0x7, v2;
	v3 =	vand.u32 $0xFFFFFF00, v3  }
0x48c: {  	v2 =	vor.u32 v2, v3  }
0x48d: {  	v2 =	vperm.xlane v2, v0;
	_ =	sdelay $0x1  }
0x48e: {  	v2 =	vadd.s32 v1, v2;
	_ =	sdelay $0x4  }
0x48f: {  	[tilespmem:s2], [sflag:$0x2] =	stream.indirect_vreg.gather [hbm4b:s22+s3], $0x80, v2, vm0, $0xb8;
	[tilespmem:$0x18100] =	vst v63  }
0x490: {  	s20 =	simm.s32 $0x8900  }
0x491: {  	[tilespmem:s20], [sflag:$0x2] =	stream.indirect_vreg.gather [hbm4b:s5+s3], $0x80, v2, vm0, $0xb8;
	[tilespmem:$0x18100] =	vst v63  }
0x492: {  	s20 =	simm.s32 $0x9100  }
0x493: {  	[tilespmem:s20], [sflag:$0x2] =	stream.indirect_vreg.gather [hbm4b:s6+s3], $0x80, v2, vm0, $0xb8;
	[tilespmem:$0x18100] =	vst v63  }
0x494: {  	s28 =	simm.s32 $0x9900  }
0x495: {  	[tilespmem:s28], [sflag:$0x2] =	stream.indirect_vreg.gather [hbm4b:s7+s3], $0x80, v2, vm0, $0xb8;
	[tilespmem:$0x18100] =	vst v63  }
0x496: {  	s20 =	simm.s32 $0xA100  }
0x497: {  	[tilespmem:s20], [sflag:$0x2] =	stream.indirect_vreg.gather [hbm4b:s8+s3], $0x80, v2, vm0, $0xb8;
	[tilespmem:$0x18100] =	vst v63  }
0x498: {  	s28 =	simm.s32 $0xA900  }
0x499: {  	[tilespmem:s28], [sflag:$0x2] =	stream.indirect_vreg.gather [hbm4b:s9+s3], $0x80, v2, vm0, $0xb8;
	[tilespmem:$0x18100] =	vst v63  }
0x49a: {  	s20 =	simm.s32 $0xB100  }
0x49b: {  	[tilespmem:s20], [sflag:$0x2] =	stream.indirect_vreg.gather [hbm4b:s10+s3], $0x80, v2, vm0, $0xb8;
	[tilespmem:$0x18100] =	vst v63  }
0x49c: {  	s30 =	simm.s32 $0xB900  }
0x49d: {  	[tilespmem:s30], [sflag:$0x2] =	stream.indirect_vreg.gather [hbm4b:s11+s3], $0x80, v2, vm0, $0xb8;
	[tilespmem:$0x18100] =	vst v63  }
0x49e: {  	s31 =	simm.s32 $0xC100  }
0x49f: {  	[tilespmem:s31], [sflag:$0x2] =	stream.indirect_vreg.gather [hbm4b:s12+s3], $0x80, v2, vm0, $0xb8;
	[tilespmem:$0x18100] =	vst v63  }
0x4a0: {  	s28 =	simm.s32 $0xC900  }
0x4a1: {  	[tilespmem:s28], [sflag:$0x2] =	stream.indirect_vreg.gather [hbm4b:s13+s3], $0x80, v2, vm0, $0xb8;
	[tilespmem:$0x18100] =	vst v63  }
0x4a2: {  	s30 =	simm.s32 $0xD100  }
0x4a3: {  	[tilespmem:s30], [sflag:$0x2] =	stream.indirect_vreg.gather [hbm4b:s14+s3], $0x80, v2, vm0, $0xb8;
	[tilespmem:$0x18100] =	vst v63  }
0x4a4: {  	s31 =	simm.s32 $0xD900  }
0x4a5: {  	[tilespmem:s31], [sflag:$0x2] =	stream.indirect_vreg.gather [hbm4b:s15+s3], $0x80, v2, vm0, $0xb8;
	[tilespmem:$0x18100] =	vst v63  }
0x4a6: {  	s20 =	simm.s32 $0xE100  }
0x4a7: {  	[tilespmem:s20], [sflag:$0x2] =	stream.indirect_vreg.gather [hbm4b:s16+s3], $0x80, v2, vm0, $0xb8;
	[tilespmem:$0x18100] =	vst v63  }
0x4a8: {  	s28 =	simm.s32 $0xE900  }
0x4a9: {  	[tilespmem:s28], [sflag:$0x2] =	stream.indirect_vreg.gather [hbm4b:s17+s3], $0x80, v2, vm0, $0xb8;
	[tilespmem:$0x18100] =	vst v63  }
0x4aa: {  	s30 =	simm.s32 $0xF100  }
0x4ab: {  	[tilespmem:s30], [sflag:$0x2] =	stream.indirect_vreg.gather [hbm4b:s18+s3], $0x80, v2, vm0, $0xb8;
	[tilespmem:$0x18100] =	vst v63  }
0x4ac: {  	s31 =	simm.s32 $0xF900  }
0x4ad: {  	[tilespmem:s31], [sflag:$0x2] =	stream.indirect_vreg.gather [hbm4b:s19+s3], $0x80, v2, vm0, $0xb8;
	[tilespmem:$0x18100] =	vst v63  }
0x4ae: {  	_ =	swait.ge [sflag:s1], $0x8000  }
0x4af: {  	[sflag:s1] =	ssyncset.done $0x0  }
0x4b0: {  	s0 =	rddreg [dreg:$0x1c];
	[sflag:s1] =	ssyncadd.s32 $0xFFFF8000  }
0x4b1: {  	[hbm4b:s0+s3] =	stream.linear.scatter [tilespmem:s26], [sflag:$0x4], $0x8000, $0x38;
	[tilespmem:$0x18100] =	vst v63  }
0x4b2: {  	_ =	swait.ge [sflag:s25], $0x8000  }
0x4b3: {  	[sflag:s25] =	ssyncset.done $0x0  }
0x4b4: {  	[sflag:s25] =	ssyncadd.s32 $0xFFFF8000  }
0x4b5: {  	v2 =	vld.msk [tilespmem:$0xD0], $0xff;
	_ =	sdelay $0x4  }
0x4b6: {  	v3 =	vshll.u32 v2, $0x5  }
0x4b7: {  	v2 =	vand.u32 $0x7, v2;
	v3 =	vand.u32 $0xFFFFFF00, v3  }
0x4b8: {  	v2 =	vor.u32 v2, v3  }
0x4b9: {  	v2 =	vperm.xlane v2, v0;
	_ =	sdelay $0x1  }
0x4ba: {  	v2 =	vadd.s32 v1, v2;
	_ =	sdelay $0x4  }
0x4bb: {  	[tilespmem:s29], [sflag:$0x3] =	stream.indirect_vreg.gather [hbm4b:s22+s3], $0x80, v2, vm0, $0xb8;
	[tilespmem:$0x18100] =	vst v63  }
0x4bc: {  	s20 =	simm.s32 $0x10900  }
0x4bd: {  	[tilespmem:s20], [sflag:$0x3] =	stream.indirect_vreg.gather [hbm4b:s5+s3], $0x80, v2, vm0, $0xb8;
	[tilespmem:$0x18100] =	vst v63  }
0x4be: {  	s28 =	simm.s32 $0x11100  }
0x4bf: {  	[tilespmem:s28], [sflag:$0x3] =	stream.indirect_vreg.gather [hbm4b:s6+s3], $0x80, v2, vm0, $0xb8;
	[tilespmem:$0x18100] =	vst v63  }
0x4c0: {  	s30 =	simm.s32 $0x11900  }
0x4c1: {  	[tilespmem:s30], [sflag:$0x3] =	stream.indirect_vreg.gather [hbm4b:s7+s3], $0x80, v2, vm0, $0xb8;
	[tilespmem:$0x18100] =	vst v63  }
0x4c2: {  	s28 =	simm.s32 $0x12100  }
0x4c3: {  	[tilespmem:s28], [sflag:$0x3] =	stream.indirect_vreg.gather [hbm4b:s8+s3], $0x80, v2, vm0, $0xb8;
	[tilespmem:$0x18100] =	vst v63  }
0x4c4: {  	s30 =	simm.s32 $0x12900  }
0x4c5: {  	[tilespmem:s30], [sflag:$0x3] =	stream.indirect_vreg.gather [hbm4b:s9+s3], $0x80, v2, vm0, $0xb8;
	[tilespmem:$0x18100] =	vst v63  }
0x4c6: {  	s28 =	simm.s32 $0x13100  }
0x4c7: {  	[tilespmem:s28], [sflag:$0x3] =	stream.indirect_vreg.gather [hbm4b:s10+s3], $0x80, v2, vm0, $0xb8;
	[tilespmem:$0x18100] =	vst v63  }
0x4c8: {  	s30 =	simm.s32 $0x13900  }
0x4c9: {  	[tilespmem:s30], [sflag:$0x3] =	stream.indirect_vreg.gather [hbm4b:s11+s3], $0x80, v2, vm0, $0xb8;
	[tilespmem:$0x18100] =	vst v63  }
0x4ca: {  	s28 =	simm.s32 $0x14100  }
0x4cb: {  	[tilespmem:s28], [sflag:$0x3] =	stream.indirect_vreg.gather [hbm4b:s12+s3], $0x80, v2, vm0, $0xb8;
	[tilespmem:$0x18100] =	vst v63  }
0x4cc: {  	s30 =	simm.s32 $0x14900  }
0x4cd: {  	[tilespmem:s30], [sflag:$0x3] =	stream.indirect_vreg.gather [hbm4b:s13+s3], $0x80, v2, vm0, $0xb8;
	[tilespmem:$0x18100] =	vst v63  }
0x4ce: {  	s28 =	simm.s32 $0x15100  }
0x4cf: {  	[tilespmem:s28], [sflag:$0x3] =	stream.indirect_vreg.gather [hbm4b:s14+s3], $0x80, v2, vm0, $0xb8;
	[tilespmem:$0x18100] =	vst v63  }
0x4d0: {  	s30 =	simm.s32 $0x15900  }
0x4d1: {  	[tilespmem:s30], [sflag:$0x3] =	stream.indirect_vreg.gather [hbm4b:s15+s3], $0x80, v2, vm0, $0xb8;
	[tilespmem:$0x18100] =	vst v63  }
0x4d2: {  	s28 =	simm.s32 $0x16100  }
0x4d3: {  	[tilespmem:s28], [sflag:$0x3] =	stream.indirect_vreg.gather [hbm4b:s16+s3], $0x80, v2, vm0, $0xb8;
	[tilespmem:$0x18100] =	vst v63  }
0x4d4: {  	s30 =	simm.s32 $0x16900  }
0x4d5: {  	[tilespmem:s30], [sflag:$0x3] =	stream.indirect_vreg.gather [hbm4b:s17+s3], $0x80, v2, vm0, $0xb8;
	[tilespmem:$0x18100] =	vst v63  }
0x4d6: {  	s28 =	simm.s32 $0x17100  }
0x4d7: {  	[tilespmem:s28], [sflag:$0x3] =	stream.indirect_vreg.gather [hbm4b:s18+s3], $0x80, v2, vm0, $0xb8;
	[tilespmem:$0x18100] =	vst v63  }
0x4d8: {  	s30 =	simm.s32 $0x17900  }
0x4d9: {  	[tilespmem:s30], [sflag:$0x3] =	stream.indirect_vreg.gather [hbm4b:s19+s3], $0x80, v2, vm0, $0xb8;
	[tilespmem:$0x18100] =	vst v63  }
0x4da: {  	_ =	swait.ge [sflag:s21], $0x8000  }
0x4db: {  	[sflag:s21] =	ssyncset.done $0x0  }
0x4dc: {  	s20 =	rddreg [dreg:$0x1d];
	[sflag:s21] =	ssyncadd.s32 $0xFFFF8000  }
0x4dd: {  	[hbm4b:s20+s3] =	stream.linear.scatter [tilespmem:s2], [sflag:$0x5], $0x8000, $0x38;
	[tilespmem:$0x18100] =	vst v63  }
0x4de: {  	_ =	swait.ge [sflag:s4], $0x8000  }
0x4df: {  	[sflag:s4] =	ssyncset.done $0x0  }
0x4e0: {  	[sflag:s4] =	ssyncadd.s32 $0xFFFF8000  }
0x4e1: {  	v2 =	vld.msk [tilespmem:$0xD8], $0xff;
	_ =	sdelay $0x4  }
0x4e2: {  	v3 =	vshll.u32 v2, $0x5  }
0x4e3: {  	v2 =	vand.u32 $0x7, v2;
	v3 =	vand.u32 $0xFFFFFF00, v3  }
0x4e4: {  	v2 =	vor.u32 v2, v3  }
0x4e5: {  	v2 =	vperm.xlane v2, v0;
	_ =	sdelay $0x1  }
0x4e6: {  	v2 =	vadd.s32 v1, v2;
	_ =	sdelay $0x4  }
0x4e7: {  	[tilespmem:s26], [sflag:$0x1] =	stream.indirect_vreg.gather [hbm4b:s22+s3], $0x80, v2, vm0, $0xb8;
	[tilespmem:$0x18100] =	vst v63  }
0x4e8: {  	s28 =	simm.s32 $0x900  }
0x4e9: {  	[tilespmem:s28], [sflag:$0x1] =	stream.indirect_vreg.gather [hbm4b:s5+s3], $0x80, v2, vm0, $0xb8;
	[tilespmem:$0x18100] =	vst v63  }
0x4ea: {  	s30 =	simm.s32 $0x1100  }
0x4eb: {  	[tilespmem:s30], [sflag:$0x1] =	stream.indirect_vreg.gather [hbm4b:s6+s3], $0x80, v2, vm0, $0xb8;
	[tilespmem:$0x18100] =	vst v63  }
0x4ec: {  	s28 =	simm.s32 $0x1900  }
0x4ed: {  	[tilespmem:s28], [sflag:$0x1] =	stream.indirect_vreg.gather [hbm4b:s7+s3], $0x80, v2, vm0, $0xb8;
	[tilespmem:$0x18100] =	vst v63  }
0x4ee: {  	s28 =	simm.s32 $0x2100  }
0x4ef: {  	[tilespmem:s28], [sflag:$0x1] =	stream.indirect_vreg.gather [hbm4b:s8+s3], $0x80, v2, vm0, $0xb8;
	[tilespmem:$0x18100] =	vst v63  }
0x4f0: {  	s28 =	simm.s32 $0x2900  }
0x4f1: {  	[tilespmem:s28], [sflag:$0x1] =	stream.indirect_vreg.gather [hbm4b:s9+s3], $0x80, v2, vm0, $0xb8;
	[tilespmem:$0x18100] =	vst v63  }
0x4f2: {  	s28 =	simm.s32 $0x3100  }
0x4f3: {  	[tilespmem:s28], [sflag:$0x1] =	stream.indirect_vreg.gather [hbm4b:s10+s3], $0x80, v2, vm0, $0xb8;
	[tilespmem:$0x18100] =	vst v63  }
0x4f4: {  	s28 =	simm.s32 $0x3900  }
0x4f5: {  	[tilespmem:s28], [sflag:$0x1] =	stream.indirect_vreg.gather [hbm4b:s11+s3], $0x80, v2, vm0, $0xb8;
	[tilespmem:$0x18100] =	vst v63  }
0x4f6: {  	s28 =	simm.s32 $0x4100  }
0x4f7: {  	[tilespmem:s28], [sflag:$0x1] =	stream.indirect_vreg.gather [hbm4b:s12+s3], $0x80, v2, vm0, $0xb8;
	[tilespmem:$0x18100] =	vst v63  }
0x4f8: {  	s28 =	simm.s32 $0x4900  }
0x4f9: {  	[tilespmem:s28], [sflag:$0x1] =	stream.indirect_vreg.gather [hbm4b:s13+s3], $0x80, v2, vm0, $0xb8;
	[tilespmem:$0x18100] =	vst v63  }
0x4fa: {  	s28 =	simm.s32 $0x5100  }
0x4fb: {  	[tilespmem:s28], [sflag:$0x1] =	stream.indirect_vreg.gather [hbm4b:s14+s3], $0x80, v2, vm0, $0xb8;
	[tilespmem:$0x18100] =	vst v63  }
0x4fc: {  	s28 =	simm.s32 $0x5900  }
0x4fd: {  	[tilespmem:s28], [sflag:$0x1] =	stream.indirect_vreg.gather [hbm4b:s15+s3], $0x80, v2, vm0, $0xb8;
	[tilespmem:$0x18100] =	vst v63  }
0x4fe: {  	s28 =	simm.s32 $0x6100  }
0x4ff: {  	[tilespmem:s28], [sflag:$0x1] =	stream.indirect_vreg.gather [hbm4b:s16+s3], $0x80, v2, vm0, $0xb8;
	[tilespmem:$0x18100] =	vst v63  }
0x500: {  	s28 =	simm.s32 $0x6900  }
0x501: {  	[tilespmem:s28], [sflag:$0x1] =	stream.indirect_vreg.gather [hbm4b:s17+s3], $0x80, v2, vm0, $0xb8;
	[tilespmem:$0x18100] =	vst v63  }
0x502: {  	s28 =	simm.s32 $0x7100  }
0x503: {  	[tilespmem:s28], [sflag:$0x1] =	stream.indirect_vreg.gather [hbm4b:s18+s3], $0x80, v2, vm0, $0xb8;
	[tilespmem:$0x18100] =	vst v63  }
0x504: {  	s28 =	simm.s32 $0x7900  }
0x505: {  	[tilespmem:s28], [sflag:$0x1] =	stream.indirect_vreg.gather [hbm4b:s19+s3], $0x80, v2, vm0, $0xb8;
	[tilespmem:$0x18100] =	vst v63  }
0x506: {  	_ =	swait.ge [sflag:s23], $0x8000  }
0x507: {  	[sflag:s23] =	ssyncset.done $0x0  }
0x508: {  	s28 =	rddreg [dreg:$0x1e];
	[sflag:s23] =	ssyncadd.s32 $0xFFFF8000  }
0x509: {  	[hbm4b:s28+s3] =	stream.linear.scatter [tilespmem:s29], [sflag:$0x6], $0x8000, $0x38;
	[tilespmem:$0x18100] =	vst v63  }
0x50a: {  	_ =	swait.ge [sflag:s24], $0x8000  }
0x50b: {  	[sflag:s24] =	ssyncset.done $0x0  }
0x50c: {  	[sflag:s24] =	ssyncadd.s32 $0xFFFF8000  }
0x50d: {  	v2 =	vld.msk [tilespmem:$0xE0], $0xff;
	_ =	sdelay $0x4  }
0x50e: {  	v3 =	vshll.u32 v2, $0x5  }
0x50f: {  	v2 =	vand.u32 $0x7, v2;
	v3 =	vand.u32 $0xFFFFFF00, v3  }
0x510: {  	v2 =	vor.u32 v2, v3  }
0x511: {  	v2 =	vperm.xlane v2, v0;
	_ =	sdelay $0x1  }
0x512: {  	v2 =	vadd.s32 v1, v2;
	_ =	sdelay $0x4  }
0x513: {  	[tilespmem:s2], [sflag:$0x2] =	stream.indirect_vreg.gather [hbm4b:s22+s3], $0x80, v2, vm0, $0xb8;
	[tilespmem:$0x18100] =	vst v63  }
0x514: {  	s28 =	simm.s32 $0x8900  }
0x515: {  	[tilespmem:s28], [sflag:$0x2] =	stream.indirect_vreg.gather [hbm4b:s5+s3], $0x80, v2, vm0, $0xb8;
	[tilespmem:$0x18100] =	vst v63  }
0x516: {  	s28 =	simm.s32 $0x9100  }
0x517: {  	[tilespmem:s28], [sflag:$0x2] =	stream.indirect_vreg.gather [hbm4b:s6+s3], $0x80, v2, vm0, $0xb8;
	[tilespmem:$0x18100] =	vst v63  }
0x518: {  	s28 =	simm.s32 $0x9900  }
0x519: {  	[tilespmem:s28], [sflag:$0x2] =	stream.indirect_vreg.gather [hbm4b:s7+s3], $0x80, v2, vm0, $0xb8;
	[tilespmem:$0x18100] =	vst v63  }
0x51a: {  	s28 =	simm.s32 $0xA100  }
0x51b: {  	[tilespmem:s28], [sflag:$0x2] =	stream.indirect_vreg.gather [hbm4b:s8+s3], $0x80, v2, vm0, $0xb8;
	[tilespmem:$0x18100] =	vst v63  }
0x51c: {  	s28 =	simm.s32 $0xA900  }
0x51d: {  	[tilespmem:s28], [sflag:$0x2] =	stream.indirect_vreg.gather [hbm4b:s9+s3], $0x80, v2, vm0, $0xb8;
	[tilespmem:$0x18100] =	vst v63  }
0x51e: {  	s28 =	simm.s32 $0xB100  }
0x51f: {  	[tilespmem:s28], [sflag:$0x2] =	stream.indirect_vreg.gather [hbm4b:s10+s3], $0x80, v2, vm0, $0xb8;
	[tilespmem:$0x18100] =	vst v63  }
0x520: {  	s28 =	simm.s32 $0xB900  }
0x521: {  	[tilespmem:s28], [sflag:$0x2] =	stream.indirect_vreg.gather [hbm4b:s11+s3], $0x80, v2, vm0, $0xb8;
	[tilespmem:$0x18100] =	vst v63  }
0x522: {  	s28 =	simm.s32 $0xC100  }
0x523: {  	[tilespmem:s28], [sflag:$0x2] =	stream.indirect_vreg.gather [hbm4b:s12+s3], $0x80, v2, vm0, $0xb8;
	[tilespmem:$0x18100] =	vst v63  }
0x524: {  	s28 =	simm.s32 $0xC900  }
0x525: {  	[tilespmem:s28], [sflag:$0x2] =	stream.indirect_vreg.gather [hbm4b:s13+s3], $0x80, v2, vm0, $0xb8;
	[tilespmem:$0x18100] =	vst v63  }
0x526: {  	s28 =	simm.s32 $0xD100  }
0x527: {  	[tilespmem:s28], [sflag:$0x2] =	stream.indirect_vreg.gather [hbm4b:s14+s3], $0x80, v2, vm0, $0xb8;
	[tilespmem:$0x18100] =	vst v63  }
0x528: {  	s28 =	simm.s32 $0xD900  }
0x529: {  	[tilespmem:s28], [sflag:$0x2] =	stream.indirect_vreg.gather [hbm4b:s15+s3], $0x80, v2, vm0, $0xb8;
	[tilespmem:$0x18100] =	vst v63  }
0x52a: {  	s28 =	simm.s32 $0xE100  }
0x52b: {  	[tilespmem:s28], [sflag:$0x2] =	stream.indirect_vreg.gather [hbm4b:s16+s3], $0x80, v2, vm0, $0xb8;
	[tilespmem:$0x18100] =	vst v63  }
0x52c: {  	s28 =	simm.s32 $0xE900  }
0x52d: {  	[tilespmem:s28], [sflag:$0x2] =	stream.indirect_vreg.gather [hbm4b:s17+s3], $0x80, v2, vm0, $0xb8;
	[tilespmem:$0x18100] =	vst v63  }
0x52e: {  	s28 =	simm.s32 $0xF100  }
0x52f: {  	[tilespmem:s28], [sflag:$0x2] =	stream.indirect_vreg.gather [hbm4b:s18+s3], $0x80, v2, vm0, $0xb8;
	[tilespmem:$0x18100] =	vst v63  }
0x530: {  	s28 =	simm.s32 $0xF900  }
0x531: {  	[tilespmem:s28], [sflag:$0x2] =	stream.indirect_vreg.gather [hbm4b:s19+s3], $0x80, v2, vm0, $0xb8;
	[tilespmem:$0x18100] =	vst v63  }
0x532: {  	_ =	swait.ge [sflag:s1], $0x8000  }
0x533: {  	[sflag:s1] =	ssyncset.done $0x0  }
0x534: {  	s28 =	rddreg [dreg:$0x1f];
	[sflag:s1] =	ssyncadd.s32 $0xFFFF8000  }
0x535: {  	[hbm4b:s28+s3] =	stream.linear.scatter [tilespmem:s26], [sflag:$0x4], $0x8000, $0x38;
	[tilespmem:$0x18100] =	vst v63  }
0x536: {  	_ =	swait.ge [sflag:s25], $0x8000  }
0x537: {  	[sflag:s25] =	ssyncset.done $0x0  }
0x538: {  	[sflag:s25] =	ssyncadd.s32 $0xFFFF8000  }
0x539: {  	v2 =	vld.msk [tilespmem:$0xE8], $0xff;
	_ =	sdelay $0x4  }
0x53a: {  	v3 =	vshll.u32 v2, $0x5  }
0x53b: {  	v2 =	vand.u32 $0x7, v2;
	v3 =	vand.u32 $0xFFFFFF00, v3  }
0x53c: {  	v2 =	vor.u32 v2, v3  }
0x53d: {  	v2 =	vperm.xlane v2, v0;
	_ =	sdelay $0x1  }
0x53e: {  	v2 =	vadd.s32 v1, v2;
	_ =	sdelay $0x4  }
0x53f: {  	[tilespmem:s29], [sflag:$0x3] =	stream.indirect_vreg.gather [hbm4b:s22+s3], $0x80, v2, vm0, $0xb8;
	[tilespmem:$0x18100] =	vst v63  }
0x540: {  	s0 =	simm.s32 $0x10900  }
0x541: {  	[tilespmem:s0], [sflag:$0x3] =	stream.indirect_vreg.gather [hbm4b:s5+s3], $0x80, v2, vm0, $0xb8;
	[tilespmem:$0x18100] =	vst v63  }
0x542: {  	s31 =	simm.s32 $0x11100  }
0x543: {  	[tilespmem:s31], [sflag:$0x3] =	stream.indirect_vreg.gather [hbm4b:s6+s3], $0x80, v2, vm0, $0xb8;
	[tilespmem:$0x18100] =	vst v63  }
0x544: {  	s31 =	simm.s32 $0x11900  }
0x545: {  	[tilespmem:s31], [sflag:$0x3] =	stream.indirect_vreg.gather [hbm4b:s7+s3], $0x80, v2, vm0, $0xb8;
	[tilespmem:$0x18100] =	vst v63  }
0x546: {  	s28 =	simm.s32 $0x12100  }
0x547: {  	[tilespmem:s28], [sflag:$0x3] =	stream.indirect_vreg.gather [hbm4b:s8+s3], $0x80, v2, vm0, $0xb8;
	[tilespmem:$0x18100] =	vst v63  }
0x548: {  	s31 =	simm.s32 $0x12900  }
0x549: {  	[tilespmem:s31], [sflag:$0x3] =	stream.indirect_vreg.gather [hbm4b:s9+s3], $0x80, v2, vm0, $0xb8;
	[tilespmem:$0x18100] =	vst v63  }
0x54a: {  	s28 =	simm.s32 $0x13100  }
0x54b: {  	[tilespmem:s28], [sflag:$0x3] =	stream.indirect_vreg.gather [hbm4b:s10+s3], $0x80, v2, vm0, $0xb8;
	[tilespmem:$0x18100] =	vst v63  }
0x54c: {  	s31 =	simm.s32 $0x13900  }
0x54d: {  	[tilespmem:s31], [sflag:$0x3] =	stream.indirect_vreg.gather [hbm4b:s11+s3], $0x80, v2, vm0, $0xb8;
	[tilespmem:$0x18100] =	vst v63  }
0x54e: {  	s28 =	simm.s32 $0x14100  }
0x54f: {  	[tilespmem:s28], [sflag:$0x3] =	stream.indirect_vreg.gather [hbm4b:s12+s3], $0x80, v2, vm0, $0xb8;
	[tilespmem:$0x18100] =	vst v63  }
0x550: {  	s31 =	simm.s32 $0x14900  }
0x551: {  	[tilespmem:s31], [sflag:$0x3] =	stream.indirect_vreg.gather [hbm4b:s13+s3], $0x80, v2, vm0, $0xb8;
	[tilespmem:$0x18100] =	vst v63  }
0x552: {  	s28 =	simm.s32 $0x15100  }
0x553: {  	[tilespmem:s28], [sflag:$0x3] =	stream.indirect_vreg.gather [hbm4b:s14+s3], $0x80, v2, vm0, $0xb8;
	[tilespmem:$0x18100] =	vst v63  }
0x554: {  	s31 =	simm.s32 $0x15900  }
0x555: {  	[tilespmem:s31], [sflag:$0x3] =	stream.indirect_vreg.gather [hbm4b:s15+s3], $0x80, v2, vm0, $0xb8;
	[tilespmem:$0x18100] =	vst v63  }
0x556: {  	s28 =	simm.s32 $0x16100  }
0x557: {  	[tilespmem:s28], [sflag:$0x3] =	stream.indirect_vreg.gather [hbm4b:s16+s3], $0x80, v2, vm0, $0xb8;
	[tilespmem:$0x18100] =	vst v63  }
0x558: {  	s31 =	simm.s32 $0x16900  }
0x559: {  	[tilespmem:s31], [sflag:$0x3] =	stream.indirect_vreg.gather [hbm4b:s17+s3], $0x80, v2, vm0, $0xb8;
	[tilespmem:$0x18100] =	vst v63  }
0x55a: {  	s28 =	simm.s32 $0x17100  }
0x55b: {  	[tilespmem:s28], [sflag:$0x3] =	stream.indirect_vreg.gather [hbm4b:s18+s3], $0x80, v2, vm0, $0xb8;
	[tilespmem:$0x18100] =	vst v63  }
0x55c: {  	s31 =	simm.s32 $0x17900  }
0x55d: {  	[tilespmem:s31], [sflag:$0x3] =	stream.indirect_vreg.gather [hbm4b:s19+s3], $0x80, v2, vm0, $0xb8;
	[tilespmem:$0x18100] =	vst v63  }
0x55e: {  	_ =	swait.ge [sflag:s21], $0x8000  }
0x55f: {  	s0 =	sld [smem:$0x7F7]  }
0x560: {  	[sflag:s21] =	ssyncset.done $0x0  }
0x561: {  	[sflag:s21] =	ssyncadd.s32 $0xFFFF8000  }
0x562: {  	[hbm4b:s0+s3] =	stream.linear.scatter [tilespmem:s2], [sflag:$0x5], $0x8000, $0x38;
	[tilespmem:$0x18100] =	vst v63  }
0x563: {  	_ =	swait.ge [sflag:s4], $0x8000  }
0x564: {  	[sflag:s4] =	ssyncset.done $0x0  }
0x565: {  	[sflag:s4] =	ssyncadd.s32 $0xFFFF8000  }
0x566: {  	v2 =	vld.msk [tilespmem:$0xF0], $0xff;
	_ =	sdelay $0x4  }
0x567: {  	v3 =	vshll.u32 v2, $0x5  }
0x568: {  	v2 =	vand.u32 $0x7, v2;
	v3 =	vand.u32 $0xFFFFFF00, v3  }
0x569: {  	v2 =	vor.u32 v2, v3  }
0x56a: {  	v2 =	vperm.xlane v2, v0;
	_ =	sdelay $0x1  }
0x56b: {  	v2 =	vadd.s32 v1, v2;
	_ =	sdelay $0x4  }
0x56c: {  	[tilespmem:s26], [sflag:$0x1] =	stream.indirect_vreg.gather [hbm4b:s22+s3], $0x80, v2, vm0, $0xb8;
	[tilespmem:$0x18100] =	vst v63  }
0x56d: {  	s20 =	simm.s32 $0x900  }
0x56e: {  	[tilespmem:s20], [sflag:$0x1] =	stream.indirect_vreg.gather [hbm4b:s5+s3], $0x80, v2, vm0, $0xb8;
	[tilespmem:$0x18100] =	vst v63  }
0x56f: {  	s30 =	simm.s32 $0x1100  }
0x570: {  	[tilespmem:s30], [sflag:$0x1] =	stream.indirect_vreg.gather [hbm4b:s6+s3], $0x80, v2, vm0, $0xb8;
	[tilespmem:$0x18100] =	vst v63  }
0x571: {  	s31 =	simm.s32 $0x1900  }
0x572: {  	[tilespmem:s31], [sflag:$0x1] =	stream.indirect_vreg.gather [hbm4b:s7+s3], $0x80, v2, vm0, $0xb8;
	[tilespmem:$0x18100] =	vst v63  }
0x573: {  	s20 =	simm.s32 $0x2100  }
0x574: {  	[tilespmem:s20], [sflag:$0x1] =	stream.indirect_vreg.gather [hbm4b:s8+s3], $0x80, v2, vm0, $0xb8;
	[tilespmem:$0x18100] =	vst v63  }
0x575: {  	s28 =	simm.s32 $0x2900  }
0x576: {  	[tilespmem:s28], [sflag:$0x1] =	stream.indirect_vreg.gather [hbm4b:s9+s3], $0x80, v2, vm0, $0xb8;
	[tilespmem:$0x18100] =	vst v63  }
0x577: {  	s30 =	simm.s32 $0x3100  }
0x578: {  	[tilespmem:s30], [sflag:$0x1] =	stream.indirect_vreg.gather [hbm4b:s10+s3], $0x80, v2, vm0, $0xb8;
	[tilespmem:$0x18100] =	vst v63  }
0x579: {  	s31 =	simm.s32 $0x3900  }
0x57a: {  	[tilespmem:s31], [sflag:$0x1] =	stream.indirect_vreg.gather [hbm4b:s11+s3], $0x80, v2, vm0, $0xb8;
	[tilespmem:$0x18100] =	vst v63  }
0x57b: {  	s20 =	simm.s32 $0x4100  }
0x57c: {  	[tilespmem:s20], [sflag:$0x1] =	stream.indirect_vreg.gather [hbm4b:s12+s3], $0x80, v2, vm0, $0xb8;
	[tilespmem:$0x18100] =	vst v63  }
0x57d: {  	s28 =	simm.s32 $0x4900  }
0x57e: {  	[tilespmem:s28], [sflag:$0x1] =	stream.indirect_vreg.gather [hbm4b:s13+s3], $0x80, v2, vm0, $0xb8;
	[tilespmem:$0x18100] =	vst v63  }
0x57f: {  	s30 =	simm.s32 $0x5100  }
0x580: {  	[tilespmem:s30], [sflag:$0x1] =	stream.indirect_vreg.gather [hbm4b:s14+s3], $0x80, v2, vm0, $0xb8;
	[tilespmem:$0x18100] =	vst v63  }
0x581: {  	s31 =	simm.s32 $0x5900  }
0x582: {  	[tilespmem:s31], [sflag:$0x1] =	stream.indirect_vreg.gather [hbm4b:s15+s3], $0x80, v2, vm0, $0xb8;
	[tilespmem:$0x18100] =	vst v63  }
0x583: {  	s20 =	simm.s32 $0x6100  }
0x584: {  	[tilespmem:s20], [sflag:$0x1] =	stream.indirect_vreg.gather [hbm4b:s16+s3], $0x80, v2, vm0, $0xb8;
	[tilespmem:$0x18100] =	vst v63  }
0x585: {  	s28 =	simm.s32 $0x6900  }
0x586: {  	[tilespmem:s28], [sflag:$0x1] =	stream.indirect_vreg.gather [hbm4b:s17+s3], $0x80, v2, vm0, $0xb8;
	[tilespmem:$0x18100] =	vst v63  }
0x587: {  	s30 =	simm.s32 $0x7100  }
0x588: {  	[tilespmem:s30], [sflag:$0x1] =	stream.indirect_vreg.gather [hbm4b:s18+s3], $0x80, v2, vm0, $0xb8;
	[tilespmem:$0x18100] =	vst v63  }
0x589: {  	s31 =	simm.s32 $0x7900  }
0x58a: {  	[tilespmem:s31], [sflag:$0x1] =	stream.indirect_vreg.gather [hbm4b:s19+s3], $0x80, v2, vm0, $0xb8;
	[tilespmem:$0x18100] =	vst v63  }
0x58b: {  	_ =	swait.ge [sflag:s23], $0x8000  }
0x58c: {  	s0 =	sld [smem:$0x7F8]  }
0x58d: {  	[sflag:s23] =	ssyncset.done $0x0  }
0x58e: {  	[sflag:s23] =	ssyncadd.s32 $0xFFFF8000  }
0x58f: {  	[hbm4b:s0+s3] =	stream.linear.scatter [tilespmem:s29], [sflag:$0x6], $0x8000, $0x38;
	[tilespmem:$0x18100] =	vst v63  }
0x590: {  	_ =	swait.ge [sflag:s24], $0x8000  }
0x591: {  	[sflag:s24] =	ssyncset.done $0x0  }
0x592: {  	[sflag:s24] =	ssyncadd.s32 $0xFFFF8000  }
0x593: {  	v2 =	vld.msk [tilespmem:$0xF8], $0xff;
	_ =	sdelay $0x4  }
0x594: {  	v3 =	vshll.u32 v2, $0x5  }
0x595: {  	v2 =	vand.u32 $0x7, v2;
	v3 =	vand.u32 $0xFFFFFF00, v3  }
0x596: {  	v2 =	vor.u32 v2, v3  }
0x597: {  	v2 =	vperm.xlane v2, v0;
	_ =	sdelay $0x1  }
0x598: {  	v2 =	vadd.s32 v1, v2;
	_ =	sdelay $0x4  }
0x599: {  	[tilespmem:s2], [sflag:$0x2] =	stream.indirect_vreg.gather [hbm4b:s22+s3], $0x80, v2, vm0, $0xb8;
	[tilespmem:$0x18100] =	vst v63  }
0x59a: {  	s20 =	simm.s32 $0x8900  }
0x59b: {  	[tilespmem:s20], [sflag:$0x2] =	stream.indirect_vreg.gather [hbm4b:s5+s3], $0x80, v2, vm0, $0xb8;
	[tilespmem:$0x18100] =	vst v63  }
0x59c: {  	s28 =	simm.s32 $0x9100  }
0x59d: {  	[tilespmem:s28], [sflag:$0x2] =	stream.indirect_vreg.gather [hbm4b:s6+s3], $0x80, v2, vm0, $0xb8;
	[tilespmem:$0x18100] =	vst v63  }
0x59e: {  	s29 =	simm.s32 $0x9900  }
0x59f: {  	[tilespmem:s29], [sflag:$0x2] =	stream.indirect_vreg.gather [hbm4b:s7+s3], $0x80, v2, vm0, $0xb8;
	[tilespmem:$0x18100] =	vst v63  }
0x5a0: {  	s30 =	simm.s32 $0xA100  }
0x5a1: {  	[tilespmem:s30], [sflag:$0x2] =	stream.indirect_vreg.gather [hbm4b:s8+s3], $0x80, v2, vm0, $0xb8;
	[tilespmem:$0x18100] =	vst v63  }
0x5a2: {  	s31 =	simm.s32 $0xA900  }
0x5a3: {  	[tilespmem:s31], [sflag:$0x2] =	stream.indirect_vreg.gather [hbm4b:s9+s3], $0x80, v2, vm0, $0xb8;
	[tilespmem:$0x18100] =	vst v63  }
0x5a4: {  	s28 =	simm.s32 $0xB100  }
0x5a5: {  	[tilespmem:s28], [sflag:$0x2] =	stream.indirect_vreg.gather [hbm4b:s10+s3], $0x80, v2, vm0, $0xb8;
	[tilespmem:$0x18100] =	vst v63  }
0x5a6: {  	s29 =	simm.s32 $0xB900  }
0x5a7: {  	[tilespmem:s29], [sflag:$0x2] =	stream.indirect_vreg.gather [hbm4b:s11+s3], $0x80, v2, vm0, $0xb8;
	[tilespmem:$0x18100] =	vst v63  }
0x5a8: {  	s30 =	simm.s32 $0xC100  }
0x5a9: {  	[tilespmem:s30], [sflag:$0x2] =	stream.indirect_vreg.gather [hbm4b:s12+s3], $0x80, v2, vm0, $0xb8;
	[tilespmem:$0x18100] =	vst v63  }
0x5aa: {  	s31 =	simm.s32 $0xC900  }
0x5ab: {  	[tilespmem:s31], [sflag:$0x2] =	stream.indirect_vreg.gather [hbm4b:s13+s3], $0x80, v2, vm0, $0xb8;
	[tilespmem:$0x18100] =	vst v63  }
0x5ac: {  	s28 =	simm.s32 $0xD100  }
0x5ad: {  	[tilespmem:s28], [sflag:$0x2] =	stream.indirect_vreg.gather [hbm4b:s14+s3], $0x80, v2, vm0, $0xb8;
	[tilespmem:$0x18100] =	vst v63  }
0x5ae: {  	s29 =	simm.s32 $0xD900  }
0x5af: {  	[tilespmem:s29], [sflag:$0x2] =	stream.indirect_vreg.gather [hbm4b:s15+s3], $0x80, v2, vm0, $0xb8;
	[tilespmem:$0x18100] =	vst v63  }
0x5b0: {  	s30 =	simm.s32 $0xE100  }
0x5b1: {  	[tilespmem:s30], [sflag:$0x2] =	stream.indirect_vreg.gather [hbm4b:s16+s3], $0x80, v2, vm0, $0xb8;
	[tilespmem:$0x18100] =	vst v63  }
0x5b2: {  	s31 =	simm.s32 $0xE900  }
0x5b3: {  	[tilespmem:s31], [sflag:$0x2] =	stream.indirect_vreg.gather [hbm4b:s17+s3], $0x80, v2, vm0, $0xb8;
	[tilespmem:$0x18100] =	vst v63  }
0x5b4: {  	s28 =	simm.s32 $0xF100  }
0x5b5: {  	[tilespmem:s28], [sflag:$0x2] =	stream.indirect_vreg.gather [hbm4b:s18+s3], $0x80, v2, vm0, $0xb8;
	[tilespmem:$0x18100] =	vst v63  }
0x5b6: {  	s29 =	simm.s32 $0xF900  }
0x5b7: {  	[tilespmem:s29], [sflag:$0x2] =	stream.indirect_vreg.gather [hbm4b:s19+s3], $0x80, v2, vm0, $0xb8;
	[tilespmem:$0x18100] =	vst v63  }
0x5b8: {  	s20 =	sld [smem:$0x7F6];
	_ =	swait.ge [sflag:s1], $0x8000  }
0x5b9: {  	s30 =	sld [smem:$0x7F9]  }
0x5ba: {  	[sflag:s1] =	ssyncset.done $0x0  }
0x5bb: {  	[sflag:s1] =	ssyncadd.s32 $0xFFFF8000  }
0x5bc: {  	[hbm4b:s30+s3] =	stream.linear.scatter [tilespmem:s26], [sflag:$0x4], $0x8000, $0x38;
	[tilespmem:$0x18100] =	vst v63  }
0x5bd: {  	_ =	swait.ge [sflag:s21], $0x8000  }
0x5be: {  	s31 =	sld [smem:$0x7FB]  }
0x5bf: {  	[sflag:s21] =	ssyncset.done $0x0  }
0x5c0: {  	[sflag:s21] =	ssyncadd.s32 $0xFFFF8000  }
0x5c1: {  	[hbm4b:s31+s3] =	stream.linear.scatter [tilespmem:s2], [sflag:$0x5], $0x8000, $0x38;
	[tilespmem:$0x18100] =	vst v63  }
0x5c2: {  	_ =	swait.ge [sflag:s25], $0x8000  }
0x5c3: {  	[sflag:s25] =	ssyncset.done $0x0  }
0x5c4: {  	[sflag:s25] =	ssyncadd.s32 $0xFFFF8000  }
0x5c5: {  	p0 =	sne.s32 s20, $0x1;
	_ =	swait.ge [sflag:s4], $0x8000  }
.Ltmp0:
0x5c6: {  	[sflag:s4] =	ssyncset.done $0x0;
	(pc) =	sbr.rel @p0 .LBB2_1-.Ltmp0, $4  }
0x5c7: {  	[sflag:s4] =	ssyncadd.s32 $0xFFFF8000  }
0x5c8: {  	_ =	swait.ge [sflag:s24], $0x8000  }
0x5c9: {  	[sflag:s24] =	ssyncset.done $0x0  }
0x5ca: {  	s20 =	sadd.s32 $0xFFFFFFFF, s20;
	[sflag:s24] =	ssyncadd.s32 $0xFFFF8000  }
0x5cb: {  	_ =	sfence.sel $0x180000  }
0x5cc: {  	[bflag:$0x0] =	sbarrier.arrive $0xFFFF  }
0x5cd: {  	_ =	strace $0x90000047  }
0x5ce: {  	s0 =	stileid.u32;
	[bflag:$0x2] =	sbarrier.arrive $0xFFFF  }
0x5cf: {  	p0 =	sne.s32 s0, $0x0;
	s0 =	rddreg [dreg:$0x3]  }
0x5d0: {  	s0 =	sadd.s32 @!p0 $0x100000, s0  }
0x5d1: {  	[sflag:s0] =	ssyncadd.tile.s32 @!p0 $0x1;
	_ =	shalt  }
.Lfunc_end2:
_tile_overlayer_lowered:
.L_overlay_start_2:
0x5d2: {  	(tag) =	ssettag $0x2  }
0x5d3: {  	s0 =	rddreg [dreg:$0x0];
	s2 =	stileid.u32  }
0x5d4: {  	s1 =	rddreg [dreg:$0x1];
	p0 =	sne.s32 s2, $0x0  }
0x5d5: {  	s3 =	rddreg [dreg:$0x2];
	[bflag:$0x3] =	sbarrier.arrive $0xFFFF;
	s2 =	simm.s32 @!p0 $0x1C07  }
0x5d6: {  	[timem:s3], [sflag:s2] =	dma.local @!p0 [hbm:s0], s1  }
0x5d7: {  	s0 =	simm.s32 @!p0 $0x7  }
0x5d8: {  	_ =	swait.ge @!p0 [sflag:s0], s1  }
0x5d9: {  	s1 =	ssub.s32 @!p0 $0x0, s1;
	[sflag:s0] =	ssyncset.done @!p0 $0x0  }
0x5da: {  	[sflag:s0] =	ssyncadd.s32 @!p0 s1  }
0x5db: {  	[bflag:$0x3] =	sbarrier.arrive $0xFFFF  }
0x5dc: {  	_ =	shalt  }

</sc_bundles>
